<compile_context>
chip_gen: v7x
topology: tpu7x:2x2x1
jax: 0.10.2.dev20260603
libtpu: 0.0.44.dev20260713+nightly
codegen_flags: <defaults>
</compile_context>

<pallas_src>
import functools

import jax
import jax.numpy as jnp
from jax import lax
from jax.experimental import pallas as pl
from jax.experimental.pallas import tpu as pltpu
from jax.experimental.pallas import tpu_sc as plsc

CH = 128


@functools.cache
def _make_gather(n_q: int, n_t: int, dim: int):
    info = plsc.get_sparse_core_info()
    NC, NS = info.num_cores, info.num_subcores
    NW = NC * NS
    n_all = n_q + n_t
    assert n_q % CH == 0 and n_all % (NW * CH) == 0
    n_ch = n_all // (NW * CH)
    per = n_ch * CH
    q_chunks = n_q // CH
    NBUF = 10
    assert n_ch % NBUF == 0
    ngroups = n_ch // NBUF

    mesh = plsc.VectorSubcoreMesh(core_axis_name="c", subcore_axis_name="s")

    @functools.partial(
        pl.kernel,
        out_type=(
            jax.ShapeDtypeStruct((n_q, dim), jnp.float32),
            jax.ShapeDtypeStruct((n_t, dim), jnp.float32),
        ),
        mesh=mesh,
        compiler_params=pltpu.CompilerParams(use_tc_tiling_on_sc=False),
        scratch_types=[
            pltpu.VMEM((per,), jnp.int32),
            pltpu.VMEM((NBUF, CH, dim), jnp.float32),
            pltpu.SemaphoreType.DMA((NBUF,)),
            pltpu.SemaphoreType.DMA((NBUF,)),
        ],
    )
    def gather_kernel(table_hbm, idx_hbm, out_q, out_t,
                      idx_v, rows_v, gsem, wsem):
        c = lax.axis_index("c")
        s = lax.axis_index("s")
        wid = s * NC + c

        pltpu.sync_copy(idx_hbm.at[pl.ds(wid * per, per)], idx_v)

        def gstart(b, j):
            pltpu.async_copy(
                table_hbm.at[idx_v.at[pl.ds(j * CH, CH)]],
                rows_v.at[b], gsem.at[b])

        def gwait(b):
            pltpu.make_async_copy(
                table_hbm.at[idx_v.at[pl.ds(0, CH)]],
                rows_v.at[b], gsem.at[b]).wait()

        def wstart(b, j):
            g = wid * n_ch + j

            @pl.when(g < q_chunks)
            def _():
                pltpu.async_copy(rows_v.at[b],
                                 out_q.at[pl.ds(g * CH, CH)], wsem.at[b])

            @pl.when(g >= q_chunks)
            def _():
                pltpu.async_copy(rows_v.at[b],
                                 out_t.at[pl.ds((g - q_chunks) * CH, CH)],
                                 wsem.at[b])

        def wwait(b):
            pltpu.make_async_copy(rows_v.at[b],
                                  out_q.at[pl.ds(0, CH)], wsem.at[b]).wait()

        for b in range(NBUF):
            gstart(b, b)

        def group(i, _):
            j0 = i * NBUF
            for b in range(NBUF):
                gwait(b)
                wstart(b, j0 + b)
            for b in range(NBUF):
                wwait(b)
                gstart(b, j0 + NBUF + b)
            return 0

        lax.fori_loop(0, ngroups - 1, group, 0)
        j0 = (ngroups - 1) * NBUF
        for b in range(NBUF):
            gwait(b)
            wstart(b, j0 + b)
        for b in range(NBUF):
            wwait(b)

    return gather_kernel


def kernel(table, query, title):
    n_q = query.size
    n_t = title.size
    idx_all = jnp.concatenate([
        query.astype(jnp.int32).reshape(n_q),
        title.astype(jnp.int32).reshape(n_t),
    ])
    fn = _make_gather(n_q, n_t, table.shape[1])
    out_q, out_t = fn(table, idx_all)
    return (out_q.reshape(*query.shape, table.shape[1]),
            out_t.reshape(*title.shape, table.shape[1]))

# --- scband reference (transcript-rebuilt; emitter-appended) ---
"""Pipeline reference for scband-basic-word-embed-seqs-layer-20856361189749 (READ-ONLY COPY).

The authoritative reference and input builder live on the scoring server;
editing this copy changes nothing except your own understanding.
"""

import jax, jax.numpy as jnp
import numpy as np

VOCAB = 1000000
DIM = 64

def setup_inputs(seed: int = 0) -> dict:
    key = jax.random.key(seed)
    k1, k2, k3 = jax.random.split(key, 3)
    table = jax.random.normal(k1, (VOCAB, DIM), dtype=jnp.float32)
    query = jax.random.randint(k2, (4096, 20), 0, VOCAB, dtype=jnp.int64)
    title = jax.random.randint(k3, (4096, 50), 0, VOCAB, dtype=jnp.int64)
    return {"table": table, "query": query, "title": title}

def reference(table, query, title):
    # Faithful translation of BasicWordEmbedSeqsLayer.forward with
    # use_keys=['query', 'title']: one embedding lookup per key, cast to float32.
    query_E = jnp.take(table, query, axis=0).astype(jnp.float32)
    title_E = jnp.take(table, title, axis=0).astype(jnp.float32)
    return (query_E, title_E)

if __name__ == "__main__":
    import jax
    _d = setup_inputs()
    print(jax.jit(kernel)(*tuple(_d.values())))

</pallas_src>

<mosaic_0001>
#map = affine_map<(d0, d1) -> (0, 0)>
#map1 = affine_map<(d0, d1) -> (0)>
module attributes {stable_mosaic.version = 14 : i64} {
  func.func @gather_kernel(%arg0: i32, %arg1: i32, %arg2: memref<1000000x64xf32, #tpu.memory_space<hbm>>, %arg3: memref<286720xi32, #tpu.memory_space<hbm>>, %arg4: memref<81920x64xf32, #tpu.memory_space<hbm>>, %arg5: memref<204800x64xf32, #tpu.memory_space<hbm>>, %arg6: memref<8960xi32, #tpu.memory_space<vmem>>, %arg7: memref<10x128x64xf32, #tpu.memory_space<vmem>>, %arg8: memref<10x!tpu.dma_semaphore, #tpu.memory_space<semaphore_mem>>, %arg9: memref<10x!tpu.dma_semaphore, #tpu.memory_space<semaphore_mem>>) attributes {dimension_semantics = [#tpu.dimension_semantics<core_parallel>, #tpu.dimension_semantics<subcore_parallel>], iteration_bounds = array<i64: 2, 16>, scalar_prefetch = 0 : i64, scratch_operands = 4 : i64, tpu.core_type = #tpu.core_type<sc_vector_subcore>, window_params = [{transform_indices = #map}, {transform_indices = #map1}, {transform_indices = #map}, {transform_indices = #map}]} {
    %mul3A = arith.constant 2 : i32
    %mul3A_0 = arith.muli %arg1, %mul3A : i32
    %add3A = arith.addi %mul3A_0, %arg0 : i32
    %mul3A_1 = arith.constant 8960 : i32
    %mul3A_2 = arith.muli %add3A, %mul3A_1 : i32
    "tpu.region"() ({
      %run_scoped3A = tpu.sem_alloc : memref<!tpu.dma_semaphore, #tpu.memory_space<semaphore_mem>>
      %dma_start3A_583 = tpu.memref_slice %arg3[%mul3A_2] : memref<286720xi32, #tpu.memory_space<hbm>> -> memref<8960xi32, #tpu.memory_space<hbm>>
      %dma_start3A_584 = tpu.memref_slice %arg3[%mul3A_2] : memref<286720xi32, #tpu.memory_space<hbm>> -> memref<8960xi32, #tpu.memory_space<hbm>>
      tpu.enqueue_dma source(%dma_start3A_584 : memref<8960xi32, #tpu.memory_space<hbm>>) target(%arg6 : memref<8960xi32, #tpu.memory_space<vmem>>) target_semaphore(%run_scoped3A : memref<!tpu.dma_semaphore, #tpu.memory_space<semaphore_mem>>)
      %dma_wait3A_585 = tpu.memref_slice %arg3[%mul3A_2] : memref<286720xi32, #tpu.memory_space<hbm>> -> memref<8960xi32, #tpu.memory_space<hbm>>
      %dma_wait3A_586 = tpu.memref_slice %arg3[%mul3A_2] : memref<286720xi32, #tpu.memory_space<hbm>> -> memref<8960xi32, #tpu.memory_space<hbm>>
      tpu.wait_dma2 semaphore(%run_scoped3A : memref<!tpu.dma_semaphore, #tpu.memory_space<semaphore_mem>>) src(%dma_wait3A_586 : memref<8960xi32, #tpu.memory_space<hbm>>) dst(%arg6 : memref<8960xi32, #tpu.memory_space<vmem>>)
      tpu.yield
    }) : () -> ()
    %dma_start3A = arith.constant 0 : i32
    %dma_start3A_3 = arith.constant 0 : i32
    %dma_start3A_4 = arith.constant 0 : i32
    %dma_start3A_5 = arith.constant 0 : i32
    %dma_start3A_6 = tpu.memref_slice %arg7[%dma_start3A, %dma_start3A_4, %dma_start3A_5] : memref<10x128x64xf32, #tpu.memory_space<vmem>> -> memref<1x128x64xf32, #tpu.memory_space<vmem>>
    %dma_start3A_7 = tpu.memref_squeeze %dma_start3A_6 : memref<1x128x64xf32, #tpu.memory_space<vmem>> -> memref<128x64xf32, #tpu.memory_space<vmem>>
    %dma_start3A_8 = arith.constant 0 : i32
    %dma_start3A_9 = tpu.memref_slice %arg6[%dma_start3A_8] : memref<8960xi32, #tpu.memory_space<vmem>> -> memref<128xi32, #tpu.memory_space<vmem>>
    %dma_start3A_10 = arith.constant 0 : i32
    %dma_start3A_11 = arith.constant 0 : i32
    %dma_start3A_12 = tpu.memref_slice %arg2[%dma_start3A_10, %dma_start3A_11] : memref<1000000x64xf32, #tpu.memory_space<hbm>> -> memref<1000000x64xf32, #tpu.memory_space<hbm>>
    %dma_start3A_13 = tpu.memref_slice %arg8[%dma_start3A_3] : memref<10x!tpu.dma_semaphore, #tpu.memory_space<semaphore_mem>> -> memref<1x!tpu.dma_semaphore, #tpu.memory_space<semaphore_mem>>
    %dma_start3A_14 = tpu.memref_squeeze %dma_start3A_13 : memref<1x!tpu.dma_semaphore, #tpu.memory_space<semaphore_mem>> -> memref<!tpu.dma_semaphore, #tpu.memory_space<semaphore_mem>>
    tpu.enqueue_indirect_dma source(%dma_start3A_12 : memref<1000000x64xf32, #tpu.memory_space<hbm>>) target(%dma_start3A_7 : memref<128x64xf32, #tpu.memory_space<vmem>>) offsets(%dma_start3A_9 : memref<128xi32, #tpu.memory_space<vmem>>) semaphore(%dma_start3A_14 : memref<!tpu.dma_semaphore, #tpu.memory_space<semaphore_mem>>)
    %dma_start3A_15 = arith.constant 1 : i32
    %dma_start3A_16 = arith.constant 1 : i32
    %dma_start3A_17 = arith.constant 0 : i32
    %dma_start3A_18 = arith.constant 0 : i32
    %dma_start3A_19 = tpu.memref_slice %arg7[%dma_start3A_15, %dma_start3A_17, %dma_start3A_18] : memref<10x128x64xf32, #tpu.memory_space<vmem>> -> memref<1x128x64xf32, #tpu.memory_space<vmem>>
    %dma_start3A_20 = tpu.memref_squeeze %dma_start3A_19 : memref<1x128x64xf32, #tpu.memory_space<vmem>> -> memref<128x64xf32, #tpu.memory_space<vmem>>
    %dma_start3A_21 = arith.constant 128 : i32
    %dma_start3A_22 = tpu.memref_slice %arg6[%dma_start3A_21] : memref<8960xi32, #tpu.memory_space<vmem>> -> memref<128xi32, #tpu.memory_space<vmem>>
    %dma_start3A_23 = arith.constant 0 : i32
    %dma_start3A_24 = arith.constant 0 : i32
    %dma_start3A_25 = tpu.memref_slice %arg2[%dma_start3A_23, %dma_start3A_24] : memref<1000000x64xf32, #tpu.memory_space<hbm>> -> memref<1000000x64xf32, #tpu.memory_space<hbm>>
    %dma_start3A_26 = tpu.memref_slice %arg8[%dma_start3A_16] : memref<10x!tpu.dma_semaphore, #tpu.memory_space<semaphore_mem>> -> memref<1x!tpu.dma_semaphore, #tpu.memory_space<semaphore_mem>>
    %dma_start3A_27 = tpu.memref_squeeze %dma_start3A_26 : memref<1x!tpu.dma_semaphore, #tpu.memory_space<semaphore_mem>> -> memref<!tpu.dma_semaphore, #tpu.memory_space<semaphore_mem>>
    tpu.enqueue_indirect_dma source(%dma_start3A_25 : memref<1000000x64xf32, #tpu.memory_space<hbm>>) target(%dma_start3A_20 : memref<128x64xf32, #tpu.memory_space<vmem>>) offsets(%dma_start3A_22 : memref<128xi32, #tpu.memory_space<vmem>>) semaphore(%dma_start3A_27 : memref<!tpu.dma_semaphore, #tpu.memory_space<semaphore_mem>>)
    %dma_start3A_28 = arith.constant 2 : i32
    %dma_start3A_29 = arith.constant 2 : i32
    %dma_start3A_30 = arith.constant 0 : i32
    %dma_start3A_31 = arith.constant 0 : i32
    %dma_start3A_32 = tpu.memref_slice %arg7[%dma_start3A_28, %dma_start3A_30, %dma_start3A_31] : memref<10x128x64xf32, #tpu.memory_space<vmem>> -> memref<1x128x64xf32, #tpu.memory_space<vmem>>
    %dma_start3A_33 = tpu.memref_squeeze %dma_start3A_32 : memref<1x128x64xf32, #tpu.memory_space<vmem>> -> memref<128x64xf32, #tpu.memory_space<vmem>>
    %dma_start3A_34 = arith.constant 256 : i32
    %dma_start3A_35 = tpu.memref_slice %arg6[%dma_start3A_34] : memref<8960xi32, #tpu.memory_space<vmem>> -> memref<128xi32, #tpu.memory_space<vmem>>
    %dma_start3A_36 = arith.constant 0 : i32
    %dma_start3A_37 = arith.constant 0 : i32
    %dma_start3A_38 = tpu.memref_slice %arg2[%dma_start3A_36, %dma_start3A_37] : memref<1000000x64xf32, #tpu.memory_space<hbm>> -> memref<1000000x64xf32, #tpu.memory_space<hbm>>
    %dma_start3A_39 = tpu.memref_slice %arg8[%dma_start3A_29] : memref<10x!tpu.dma_semaphore, #tpu.memory_space<semaphore_mem>> -> memref<1x!tpu.dma_semaphore, #tpu.memory_space<semaphore_mem>>
    %dma_start3A_40 = tpu.memref_squeeze %dma_start3A_39 : memref<1x!tpu.dma_semaphore, #tpu.memory_space<semaphore_mem>> -> memref<!tpu.dma_semaphore, #tpu.memory_space<semaphore_mem>>
    tpu.enqueue_indirect_dma source(%dma_start3A_38 : memref<1000000x64xf32, #tpu.memory_space<hbm>>) target(%dma_start3A_33 : memref<128x64xf32, #tpu.memory_space<vmem>>) offsets(%dma_start3A_35 : memref<128xi32, #tpu.memory_space<vmem>>) semaphore(%dma_start3A_40 : memref<!tpu.dma_semaphore, #tpu.memory_space<semaphore_mem>>)
    %dma_start3A_41 = arith.constant 3 : i32
    %dma_start3A_42 = arith.constant 3 : i32
    %dma_start3A_43 = arith.constant 0 : i32
    %dma_start3A_44 = arith.constant 0 : i32
    %dma_start3A_45 = tpu.memref_slice %arg7[%dma_start3A_41, %dma_start3A_43, %dma_start3A_44] : memref<10x128x64xf32, #tpu.memory_space<vmem>> -> memref<1x128x64xf32, #tpu.memory_space<vmem>>
    %dma_start3A_46 = tpu.memref_squeeze %dma_start3A_45 : memref<1x128x64xf32, #tpu.memory_space<vmem>> -> memref<128x64xf32, #tpu.memory_space<vmem>>
    %dma_start3A_47 = arith.constant 384 : i32
    %dma_start3A_48 = tpu.memref_slice %arg6[%dma_start3A_47] : memref<8960xi32, #tpu.memory_space<vmem>> -> memref<128xi32, #tpu.memory_space<vmem>>
    %dma_start3A_49 = arith.constant 0 : i32
    %dma_start3A_50 = arith.constant 0 : i32
    %dma_start3A_51 = tpu.memref_slice %arg2[%dma_start3A_49, %dma_start3A_50] : memref<1000000x64xf32, #tpu.memory_space<hbm>> -> memref<1000000x64xf32, #tpu.memory_space<hbm>>
    %dma_start3A_52 = tpu.memref_slice %arg8[%dma_start3A_42] : memref<10x!tpu.dma_semaphore, #tpu.memory_space<semaphore_mem>> -> memref<1x!tpu.dma_semaphore, #tpu.memory_space<semaphore_mem>>
    %dma_start3A_53 = tpu.memref_squeeze %dma_start3A_52 : memref<1x!tpu.dma_semaphore, #tpu.memory_space<semaphore_mem>> -> memref<!tpu.dma_semaphore, #tpu.memory_space<semaphore_mem>>
    tpu.enqueue_indirect_dma source(%dma_start3A_51 : memref<1000000x64xf32, #tpu.memory_space<hbm>>) target(%dma_start3A_46 : memref<128x64xf32, #tpu.memory_space<vmem>>) offsets(%dma_start3A_48 : memref<128xi32, #tpu.memory_space<vmem>>) semaphore(%dma_start3A_53 : memref<!tpu.dma_semaphore, #tpu.memory_space<semaphore_mem>>)
    %dma_start3A_54 = arith.constant 4 : i32
    %dma_start3A_55 = arith.constant 4 : i32
    %dma_start3A_56 = arith.constant 0 : i32
    %dma_start3A_57 = arith.constant 0 : i32
    %dma_start3A_58 = tpu.memref_slice %arg7[%dma_start3A_54, %dma_start3A_56, %dma_start3A_57] : memref<10x128x64xf32, #tpu.memory_space<vmem>> -> memref<1x128x64xf32, #tpu.memory_space<vmem>>
    %dma_start3A_59 = tpu.memref_squeeze %dma_start3A_58 : memref<1x128x64xf32, #tpu.memory_space<vmem>> -> memref<128x64xf32, #tpu.memory_space<vmem>>
    %dma_start3A_60 = arith.constant 512 : i32
    %dma_start3A_61 = tpu.memref_slice %arg6[%dma_start3A_60] : memref<8960xi32, #tpu.memory_space<vmem>> -> memref<128xi32, #tpu.memory_space<vmem>>
    %dma_start3A_62 = arith.constant 0 : i32
    %dma_start3A_63 = arith.constant 0 : i32
    %dma_start3A_64 = tpu.memref_slice %arg2[%dma_start3A_62, %dma_start3A_63] : memref<1000000x64xf32, #tpu.memory_space<hbm>> -> memref<1000000x64xf32, #tpu.memory_space<hbm>>
    %dma_start3A_65 = tpu.memref_slice %arg8[%dma_start3A_55] : memref<10x!tpu.dma_semaphore, #tpu.memory_space<semaphore_mem>> -> memref<1x!tpu.dma_semaphore, #tpu.memory_space<semaphore_mem>>
    %dma_start3A_66 = tpu.memref_squeeze %dma_start3A_65 : memref<1x!tpu.dma_semaphore, #tpu.memory_space<semaphore_mem>> -> memref<!tpu.dma_semaphore, #tpu.memory_space<semaphore_mem>>
    tpu.enqueue_indirect_dma source(%dma_start3A_64 : memref<1000000x64xf32, #tpu.memory_space<hbm>>) target(%dma_start3A_59 : memref<128x64xf32, #tpu.memory_space<vmem>>) offsets(%dma_start3A_61 : memref<128xi32, #tpu.memory_space<vmem>>) semaphore(%dma_start3A_66 : memref<!tpu.dma_semaphore, #tpu.memory_space<semaphore_mem>>)
    %dma_start3A_67 = arith.constant 5 : i32
    %dma_start3A_68 = arith.constant 5 : i32
    %dma_start3A_69 = arith.constant 0 : i32
    %dma_start3A_70 = arith.constant 0 : i32
    %dma_start3A_71 = tpu.memref_slice %arg7[%dma_start3A_67, %dma_start3A_69, %dma_start3A_70] : memref<10x128x64xf32, #tpu.memory_space<vmem>> -> memref<1x128x64xf32, #tpu.memory_space<vmem>>
    %dma_start3A_72 = tpu.memref_squeeze %dma_start3A_71 : memref<1x128x64xf32, #tpu.memory_space<vmem>> -> memref<128x64xf32, #tpu.memory_space<vmem>>
    %dma_start3A_73 = arith.constant 640 : i32
    %dma_start3A_74 = tpu.memref_slice %arg6[%dma_start3A_73] : memref<8960xi32, #tpu.memory_space<vmem>> -> memref<128xi32, #tpu.memory_space<vmem>>
    %dma_start3A_75 = arith.constant 0 : i32
    %dma_start3A_76 = arith.constant 0 : i32
    %dma_start3A_77 = tpu.memref_slice %arg2[%dma_start3A_75, %dma_start3A_76] : memref<1000000x64xf32, #tpu.memory_space<hbm>> -> memref<1000000x64xf32, #tpu.memory_space<hbm>>
    %dma_start3A_78 = tpu.memref_slice %arg8[%dma_start3A_68] : memref<10x!tpu.dma_semaphore, #tpu.memory_space<semaphore_mem>> -> memref<1x!tpu.dma_semaphore, #tpu.memory_space<semaphore_mem>>
    %dma_start3A_79 = tpu.memref_squeeze %dma_start3A_78 : memref<1x!tpu.dma_semaphore, #tpu.memory_space<semaphore_mem>> -> memref<!tpu.dma_semaphore, #tpu.memory_space<semaphore_mem>>
    tpu.enqueue_indirect_dma source(%dma_start3A_77 : memref<1000000x64xf32, #tpu.memory_space<hbm>>) target(%dma_start3A_72 : memref<128x64xf32, #tpu.memory_space<vmem>>) offsets(%dma_start3A_74 : memref<128xi32, #tpu.memory_space<vmem>>) semaphore(%dma_start3A_79 : memref<!tpu.dma_semaphore, #tpu.memory_space<semaphore_mem>>)
    %dma_start3A_80 = arith.constant 6 : i32
    %dma_start3A_81 = arith.constant 6 : i32
    %dma_start3A_82 = arith.constant 0 : i32
    %dma_start3A_83 = arith.constant 0 : i32
    %dma_start3A_84 = tpu.memref_slice %arg7[%dma_start3A_80, %dma_start3A_82, %dma_start3A_83] : memref<10x128x64xf32, #tpu.memory_space<vmem>> -> memref<1x128x64xf32, #tpu.memory_space<vmem>>
    %dma_start3A_85 = tpu.memref_squeeze %dma_start3A_84 : memref<1x128x64xf32, #tpu.memory_space<vmem>> -> memref<128x64xf32, #tpu.memory_space<vmem>>
    %dma_start3A_86 = arith.constant 768 : i32
    %dma_start3A_87 = tpu.memref_slice %arg6[%dma_start3A_86] : memref<8960xi32, #tpu.memory_space<vmem>> -> memref<128xi32, #tpu.memory_space<vmem>>
    %dma_start3A_88 = arith.constant 0 : i32
    %dma_start3A_89 = arith.constant 0 : i32
    %dma_start3A_90 = tpu.memref_slice %arg2[%dma_start3A_88, %dma_start3A_89] : memref<1000000x64xf32, #tpu.memory_space<hbm>> -> memref<1000000x64xf32, #tpu.memory_space<hbm>>
    %dma_start3A_91 = tpu.memref_slice %arg8[%dma_start3A_81] : memref<10x!tpu.dma_semaphore, #tpu.memory_space<semaphore_mem>> -> memref<1x!tpu.dma_semaphore, #tpu.memory_space<semaphore_mem>>
    %dma_start3A_92 = tpu.memref_squeeze %dma_start3A_91 : memref<1x!tpu.dma_semaphore, #tpu.memory_space<semaphore_mem>> -> memref<!tpu.dma_semaphore, #tpu.memory_space<semaphore_mem>>
    tpu.enqueue_indirect_dma source(%dma_start3A_90 : memref<1000000x64xf32, #tpu.memory_space<hbm>>) target(%dma_start3A_85 : memref<128x64xf32, #tpu.memory_space<vmem>>) offsets(%dma_start3A_87 : memref<128xi32, #tpu.memory_space<vmem>>) semaphore(%dma_start3A_92 : memref<!tpu.dma_semaphore, #tpu.memory_space<semaphore_mem>>)
    %dma_start3A_93 = arith.constant 7 : i32
    %dma_start3A_94 = arith.constant 7 : i32
    %dma_start3A_95 = arith.constant 0 : i32
    %dma_start3A_96 = arith.constant 0 : i32
    %dma_start3A_97 = tpu.memref_slice %arg7[%dma_start3A_93, %dma_start3A_95, %dma_start3A_96] : memref<10x128x64xf32, #tpu.memory_space<vmem>> -> memref<1x128x64xf32, #tpu.memory_space<vmem>>
    %dma_start3A_98 = tpu.memref_squeeze %dma_start3A_97 : memref<1x128x64xf32, #tpu.memory_space<vmem>> -> memref<128x64xf32, #tpu.memory_space<vmem>>
    %dma_start3A_99 = arith.constant 896 : i32
    %dma_start3A_100 = tpu.memref_slice %arg6[%dma_start3A_99] : memref<8960xi32, #tpu.memory_space<vmem>> -> memref<128xi32, #tpu.memory_space<vmem>>
    %dma_start3A_101 = arith.constant 0 : i32
    %dma_start3A_102 = arith.constant 0 : i32
    %dma_start3A_103 = tpu.memref_slice %arg2[%dma_start3A_101, %dma_start3A_102] : memref<1000000x64xf32, #tpu.memory_space<hbm>> -> memref<1000000x64xf32, #tpu.memory_space<hbm>>
    %dma_start3A_104 = tpu.memref_slice %arg8[%dma_start3A_94] : memref<10x!tpu.dma_semaphore, #tpu.memory_space<semaphore_mem>> -> memref<1x!tpu.dma_semaphore, #tpu.memory_space<semaphore_mem>>
    %dma_start3A_105 = tpu.memref_squeeze %dma_start3A_104 : memref<1x!tpu.dma_semaphore, #tpu.memory_space<semaphore_mem>> -> memref<!tpu.dma_semaphore, #tpu.memory_space<semaphore_mem>>
    tpu.enqueue_indirect_dma source(%dma_start3A_103 : memref<1000000x64xf32, #tpu.memory_space<hbm>>) target(%dma_start3A_98 : memref<128x64xf32, #tpu.memory_space<vmem>>) offsets(%dma_start3A_100 : memref<128xi32, #tpu.memory_space<vmem>>) semaphore(%dma_start3A_105 : memref<!tpu.dma_semaphore, #tpu.memory_space<semaphore_mem>>)
    %dma_start3A_106 = arith.constant 8 : i32
    %dma_start3A_107 = arith.constant 8 : i32
    %dma_start3A_108 = arith.constant 0 : i32
    %dma_start3A_109 = arith.constant 0 : i32
    %dma_start3A_110 = tpu.memref_slice %arg7[%dma_start3A_106, %dma_start3A_108, %dma_start3A_109] : memref<10x128x64xf32, #tpu.memory_space<vmem>> -> memref<1x128x64xf32, #tpu.memory_space<vmem>>
    %dma_start3A_111 = tpu.memref_squeeze %dma_start3A_110 : memref<1x128x64xf32, #tpu.memory_space<vmem>> -> memref<128x64xf32, #tpu.memory_space<vmem>>
    %dma_start3A_112 = arith.constant 1024 : i32
    %dma_start3A_113 = tpu.memref_slice %arg6[%dma_start3A_112] : memref<8960xi32, #tpu.memory_space<vmem>> -> memref<128xi32, #tpu.memory_space<vmem>>
    %dma_start3A_114 = arith.constant 0 : i32
    %dma_start3A_115 = arith.constant 0 : i32
    %dma_start3A_116 = tpu.memref_slice %arg2[%dma_start3A_114, %dma_start3A_115] : memref<1000000x64xf32, #tpu.memory_space<hbm>> -> memref<1000000x64xf32, #tpu.memory_space<hbm>>
    %dma_start3A_117 = tpu.memref_slice %arg8[%dma_start3A_107] : memref<10x!tpu.dma_semaphore, #tpu.memory_space<semaphore_mem>> -> memref<1x!tpu.dma_semaphore, #tpu.memory_space<semaphore_mem>>
    %dma_start3A_118 = tpu.memref_squeeze %dma_start3A_117 : memref<1x!tpu.dma_semaphore, #tpu.memory_space<semaphore_mem>> -> memref<!tpu.dma_semaphore, #tpu.memory_space<semaphore_mem>>
    tpu.enqueue_indirect_dma source(%dma_start3A_116 : memref<1000000x64xf32, #tpu.memory_space<hbm>>) target(%dma_start3A_111 : memref<128x64xf32, #tpu.memory_space<vmem>>) offsets(%dma_start3A_113 : memref<128xi32, #tpu.memory_space<vmem>>) semaphore(%dma_start3A_118 : memref<!tpu.dma_semaphore, #tpu.memory_space<semaphore_mem>>)
    %dma_start3A_119 = arith.constant 9 : i32
    %dma_start3A_120 = arith.constant 9 : i32
    %dma_start3A_121 = arith.constant 0 : i32
    %dma_start3A_122 = arith.constant 0 : i32
    %dma_start3A_123 = tpu.memref_slice %arg7[%dma_start3A_119, %dma_start3A_121, %dma_start3A_122] : memref<10x128x64xf32, #tpu.memory_space<vmem>> -> memref<1x128x64xf32, #tpu.memory_space<vmem>>
    %dma_start3A_124 = tpu.memref_squeeze %dma_start3A_123 : memref<1x128x64xf32, #tpu.memory_space<vmem>> -> memref<128x64xf32, #tpu.memory_space<vmem>>
    %dma_start3A_125 = arith.constant 1152 : i32
    %dma_start3A_126 = tpu.memref_slice %arg6[%dma_start3A_125] : memref<8960xi32, #tpu.memory_space<vmem>> -> memref<128xi32, #tpu.memory_space<vmem>>
    %dma_start3A_127 = arith.constant 0 : i32
    %dma_start3A_128 = arith.constant 0 : i32
    %dma_start3A_129 = tpu.memref_slice %arg2[%dma_start3A_127, %dma_start3A_128] : memref<1000000x64xf32, #tpu.memory_space<hbm>> -> memref<1000000x64xf32, #tpu.memory_space<hbm>>
    %dma_start3A_130 = tpu.memref_slice %arg8[%dma_start3A_120] : memref<10x!tpu.dma_semaphore, #tpu.memory_space<semaphore_mem>> -> memref<1x!tpu.dma_semaphore, #tpu.memory_space<semaphore_mem>>
    %dma_start3A_131 = tpu.memref_squeeze %dma_start3A_130 : memref<1x!tpu.dma_semaphore, #tpu.memory_space<semaphore_mem>> -> memref<!tpu.dma_semaphore, #tpu.memory_space<semaphore_mem>>
    tpu.enqueue_indirect_dma source(%dma_start3A_129 : memref<1000000x64xf32, #tpu.memory_space<hbm>>) target(%dma_start3A_124 : memref<128x64xf32, #tpu.memory_space<vmem>>) offsets(%dma_start3A_126 : memref<128xi32, #tpu.memory_space<vmem>>) semaphore(%dma_start3A_131 : memref<!tpu.dma_semaphore, #tpu.memory_space<semaphore_mem>>)
    %scan3A = arith.constant 0 : i32
    %scan3A_132 = arith.constant 0 : i32
    %scan3A_133 = arith.constant 6 : i32
    %scan3A_134 = arith.addi %scan3A_132, %scan3A_133 : i32
    %scan3A_135 = arith.constant 1 : i32
    %scan3A_136 = scf.for %scan3A_583 = %scan3A_132 to %scan3A_134 step %scan3A_135 iter_args(%scan3A_584 = %scan3A) -> (i32)  : i32 {
      %mul3A_585 = arith.constant 10 : i32
      %mul3A_586 = arith.muli %scan3A_583, %mul3A_585 : i32
      %dma_wait3A_587 = arith.constant 0 : i32
      %dma_wait3A_588 = arith.constant 0 : i32
      %dma_wait3A_589 = arith.constant 0 : i32
      %dma_wait3A_590 = arith.constant 0 : i32
      %dma_wait3A_591 = tpu.memref_slice %arg7[%dma_wait3A_587, %dma_wait3A_589, %dma_wait3A_590] : memref<10x128x64xf32, #tpu.memory_space<vmem>> -> memref<1x128x64xf32, #tpu.memory_space<vmem>>
      %dma_wait3A_592 = tpu.memref_squeeze %dma_wait3A_591 : memref<1x128x64xf32, #tpu.memory_space<vmem>> -> memref<128x64xf32, #tpu.memory_space<vmem>>
      %dma_wait3A_593 = arith.constant 0 : i32
      %dma_wait3A_594 = tpu.memref_slice %arg6[%dma_wait3A_593] : memref<8960xi32, #tpu.memory_space<vmem>> -> memref<128xi32, #tpu.memory_space<vmem>>
      %dma_wait3A_595 = arith.constant 0 : i32
      %dma_wait3A_596 = arith.constant 0 : i32
      %dma_wait3A_597 = tpu.memref_slice %arg2[%dma_wait3A_595, %dma_wait3A_596] : memref<1000000x64xf32, #tpu.memory_space<hbm>> -> memref<1000000x64xf32, #tpu.memory_space<hbm>>
      %dma_wait3A_598 = tpu.memref_slice %arg8[%dma_wait3A_588] : memref<10x!tpu.dma_semaphore, #tpu.memory_space<semaphore_mem>> -> memref<1x!tpu.dma_semaphore, #tpu.memory_space<semaphore_mem>>
      %dma_wait3A_599 = tpu.memref_squeeze %dma_wait3A_598 : memref<1x!tpu.dma_semaphore, #tpu.memory_space<semaphore_mem>> -> memref<!tpu.dma_semaphore, #tpu.memory_space<semaphore_mem>>
      tpu.wait_indirect_dma semaphore(%dma_wait3A_599 : memref<!tpu.dma_semaphore, #tpu.memory_space<semaphore_mem>>) src(%dma_wait3A_597 : memref<1000000x64xf32, #tpu.memory_space<hbm>>) dst(%dma_wait3A_592 : memref<128x64xf32, #tpu.memory_space<vmem>>)
      %add3A_600 = arith.constant 0 : i32
      %add3A_601 = arith.addi %mul3A_586, %add3A_600 : i32
      %mul3A_602 = arith.constant 70 : i32
      %mul3A_603 = arith.muli %add3A, %mul3A_602 : i32
      %add3A_604 = arith.addi %mul3A_603, %add3A_601 : i32
      %lt3A_605 = arith.constant 640 : i32
      %lt3A_606 = arith.cmpi slt, %add3A_604, %lt3A_605 : i32
      %convert_element_type3A_607 = arith.extui %lt3A_606 : i1 to i32
      %cond3A_608 = arith.constant 0 : i32
      %cond3A_609 = arith.cmpi ne, %convert_element_type3A_607, %cond3A_608 : i32
      scf.if %cond3A_609 {
        %mul3A_1228 = arith.constant 128 : i32
        %mul3A_1229 = arith.muli %add3A_604, %mul3A_1228 : i32
        %dma_start3A_1230 = arith.constant 0 : i32
        %dma_start3A_1231 = arith.constant 0 : i32
        %dma_start3A_1232 = arith.constant 0 : i32
        %dma_start3A_1233 = arith.constant 0 : i32
        %dma_start3A_1234 = tpu.memref_slice %arg7[%dma_start3A_1230, %dma_start3A_1232, %dma_start3A_1233] : memref<10x128x64xf32, #tpu.memory_space<vmem>> -> memref<1x128x64xf32, #tpu.memory_space<vmem>>
        %dma_start3A_1235 = tpu.memref_squeeze %dma_start3A_1234 : memref<1x128x64xf32, #tpu.memory_space<vmem>> -> memref<128x64xf32, #tpu.memory_space<vmem>>
        %dma_start3A_1236 = arith.constant 0 : i32
        %dma_start3A_1237 = tpu.memref_slice %arg4[%mul3A_1229, %dma_start3A_1236] : memref<81920x64xf32, #tpu.memory_space<hbm>> -> memref<128x64xf32, #tpu.memory_space<hbm>>
        %dma_start3A_1238 = tpu.memref_slice %arg9[%dma_start3A_1231] : memref<10x!tpu.dma_semaphore, #tpu.memory_space<semaphore_mem>> -> memref<1x!tpu.dma_semaphore, #tpu.memory_space<semaphore_mem>>
        %dma_start3A_1239 = tpu.memref_squeeze %dma_start3A_1238 : memref<1x!tpu.dma_semaphore, #tpu.memory_space<semaphore_mem>> -> memref<!tpu.dma_semaphore, #tpu.memory_space<semaphore_mem>>
        %dma_start3A_1240 = arith.constant 0 : i32
        %dma_start3A_1241 = tpu.memref_slice %arg4[%mul3A_1229, %dma_start3A_1240] : memref<81920x64xf32, #tpu.memory_space<hbm>> -> memref<128x64xf32, #tpu.memory_space<hbm>>
        %dma_start3A_1242 = arith.constant 0 : i32
        %dma_start3A_1243 = arith.constant 0 : i32
        %dma_start3A_1244 = tpu.memref_slice %arg7[%dma_start3A_1230, %dma_start3A_1242, %dma_start3A_1243] : memref<10x128x64xf32, #tpu.memory_space<vmem>> -> memref<1x128x64xf32, #tpu.memory_space<vmem>>
        %dma_start3A_1245 = tpu.memref_squeeze %dma_start3A_1244 : memref<1x128x64xf32, #tpu.memory_space<vmem>> -> memref<128x64xf32, #tpu.memory_space<vmem>>
        tpu.enqueue_dma source(%dma_start3A_1245 : memref<128x64xf32, #tpu.memory_space<vmem>>) target(%dma_start3A_1241 : memref<128x64xf32, #tpu.memory_space<hbm>>) target_semaphore(%dma_start3A_1239 : memref<!tpu.dma_semaphore, #tpu.memory_space<semaphore_mem>>)
      } else {
      }
      %ge3A_610 = arith.constant 640 : i32
      %ge3A_611 = arith.cmpi sge, %add3A_604, %ge3A_610 : i32
      %convert_element_type3A_612 = arith.extui %ge3A_611 : i1 to i32
      %cond3A_613 = arith.constant 0 : i32
      %cond3A_614 = arith.cmpi ne, %convert_element_type3A_612, %cond3A_613 : i32
      scf.if %cond3A_614 {
        %sub3A = arith.constant 640 : i32
        %sub3A_1228 = arith.subi %add3A_604, %sub3A : i32
        %mul3A_1229 = arith.constant 128 : i32
        %mul3A_1230 = arith.muli %sub3A_1228, %mul3A_1229 : i32
        %dma_start3A_1231 = arith.constant 0 : i32
        %dma_start3A_1232 = arith.constant 0 : i32
        %dma_start3A_1233 = arith.constant 0 : i32
        %dma_start3A_1234 = arith.constant 0 : i32
        %dma_start3A_1235 = tpu.memref_slice %arg7[%dma_start3A_1231, %dma_start3A_1233, %dma_start3A_1234] : memref<10x128x64xf32, #tpu.memory_space<vmem>> -> memref<1x128x64xf32, #tpu.memory_space<vmem>>
        %dma_start3A_1236 = tpu.memref_squeeze %dma_start3A_1235 : memref<1x128x64xf32, #tpu.memory_space<vmem>> -> memref<128x64xf32, #tpu.memory_space<vmem>>
        %dma_start3A_1237 = arith.constant 0 : i32
        %dma_start3A_1238 = tpu.memref_slice %arg5[%mul3A_1230, %dma_start3A_1237] : memref<204800x64xf32, #tpu.memory_space<hbm>> -> memref<128x64xf32, #tpu.memory_space<hbm>>
        %dma_start3A_1239 = tpu.memref_slice %arg9[%dma_start3A_1232] : memref<10x!tpu.dma_semaphore, #tpu.memory_space<semaphore_mem>> -> memref<1x!tpu.dma_semaphore, #tpu.memory_space<semaphore_mem>>
        %dma_start3A_1240 = tpu.memref_squeeze %dma_start3A_1239 : memref<1x!tpu.dma_semaphore, #tpu.memory_space<semaphore_mem>> -> memref<!tpu.dma_semaphore, #tpu.memory_space<semaphore_mem>>
        %dma_start3A_1241 = arith.constant 0 : i32
        %dma_start3A_1242 = tpu.memref_slice %arg5[%mul3A_1230, %dma_start3A_1241] : memref<204800x64xf32, #tpu.memory_space<hbm>> -> memref<128x64xf32, #tpu.memory_space<hbm>>
        %dma_start3A_1243 = arith.constant 0 : i32
        %dma_start3A_1244 = arith.constant 0 : i32
        %dma_start3A_1245 = tpu.memref_slice %arg7[%dma_start3A_1231, %dma_start3A_1243, %dma_start3A_1244] : memref<10x128x64xf32, #tpu.memory_space<vmem>> -> memref<1x128x64xf32, #tpu.memory_space<vmem>>
        %dma_start3A_1246 = tpu.memref_squeeze %dma_start3A_1245 : memref<1x128x64xf32, #tpu.memory_space<vmem>> -> memref<128x64xf32, #tpu.memory_space<vmem>>
        tpu.enqueue_dma source(%dma_start3A_1246 : memref<128x64xf32, #tpu.memory_space<vmem>>) target(%dma_start3A_1242 : memref<128x64xf32, #tpu.memory_space<hbm>>) target_semaphore(%dma_start3A_1240 : memref<!tpu.dma_semaphore, #tpu.memory_space<semaphore_mem>>)
      } else {
      }
      %dma_wait3A_615 = arith.constant 1 : i32
      %dma_wait3A_616 = arith.constant 1 : i32
      %dma_wait3A_617 = arith.constant 0 : i32
      %dma_wait3A_618 = arith.constant 0 : i32
      %dma_wait3A_619 = tpu.memref_slice %arg7[%dma_wait3A_615, %dma_wait3A_617, %dma_wait3A_618] : memref<10x128x64xf32, #tpu.memory_space<vmem>> -> memref<1x128x64xf32, #tpu.memory_space<vmem>>
      %dma_wait3A_620 = tpu.memref_squeeze %dma_wait3A_619 : memref<1x128x64xf32, #tpu.memory_space<vmem>> -> memref<128x64xf32, #tpu.memory_space<vmem>>
      %dma_wait3A_621 = arith.constant 0 : i32
      %dma_wait3A_622 = tpu.memref_slice %arg6[%dma_wait3A_621] : memref<8960xi32, #tpu.memory_space<vmem>> -> memref<128xi32, #tpu.memory_space<vmem>>
      %dma_wait3A_623 = arith.constant 0 : i32
      %dma_wait3A_624 = arith.constant 0 : i32
      %dma_wait3A_625 = tpu.memref_slice %arg2[%dma_wait3A_623, %dma_wait3A_624] : memref<1000000x64xf32, #tpu.memory_space<hbm>> -> memref<1000000x64xf32, #tpu.memory_space<hbm>>
      %dma_wait3A_626 = tpu.memref_slice %arg8[%dma_wait3A_616] : memref<10x!tpu.dma_semaphore, #tpu.memory_space<semaphore_mem>> -> memref<1x!tpu.dma_semaphore, #tpu.memory_space<semaphore_mem>>
      %dma_wait3A_627 = tpu.memref_squeeze %dma_wait3A_626 : memref<1x!tpu.dma_semaphore, #tpu.memory_space<semaphore_mem>> -> memref<!tpu.dma_semaphore, #tpu.memory_space<semaphore_mem>>
      tpu.wait_indirect_dma semaphore(%dma_wait3A_627 : memref<!tpu.dma_semaphore, #tpu.memory_space<semaphore_mem>>) src(%dma_wait3A_625 : memref<1000000x64xf32, #tpu.memory_space<hbm>>) dst(%dma_wait3A_620 : memref<128x64xf32, #tpu.memory_space<vmem>>)
      %add3A_628 = arith.constant 1 : i32
      %add3A_629 = arith.addi %mul3A_586, %add3A_628 : i32
      %mul3A_630 = arith.constant 70 : i32
      %mul3A_631 = arith.muli %add3A, %mul3A_630 : i32
      %add3A_632 = arith.addi %mul3A_631, %add3A_629 : i32
      %lt3A_633 = arith.constant 640 : i32
      %lt3A_634 = arith.cmpi slt, %add3A_632, %lt3A_633 : i32
      %convert_element_type3A_635 = arith.extui %lt3A_634 : i1 to i32
      %cond3A_636 = arith.constant 0 : i32
      %cond3A_637 = arith.cmpi ne, %convert_element_type3A_635, %cond3A_636 : i32
      scf.if %cond3A_637 {
        %mul3A_1228 = arith.constant 128 : i32
        %mul3A_1229 = arith.muli %add3A_632, %mul3A_1228 : i32
        %dma_start3A_1230 = arith.constant 1 : i32
        %dma_start3A_1231 = arith.constant 1 : i32
        %dma_start3A_1232 = arith.constant 0 : i32
        %dma_start3A_1233 = arith.constant 0 : i32
        %dma_start3A_1234 = tpu.memref_slice %arg7[%dma_start3A_1230, %dma_start3A_1232, %dma_start3A_1233] : memref<10x128x64xf32, #tpu.memory_space<vmem>> -> memref<1x128x64xf32, #tpu.memory_space<vmem>>
        %dma_start3A_1235 = tpu.memref_squeeze %dma_start3A_1234 : memref<1x128x64xf32, #tpu.memory_space<vmem>> -> memref<128x64xf32, #tpu.memory_space<vmem>>
        %dma_start3A_1236 = arith.constant 0 : i32
        %dma_start3A_1237 = tpu.memref_slice %arg4[%mul3A_1229, %dma_start3A_1236] : memref<81920x64xf32, #tpu.memory_space<hbm>> -> memref<128x64xf32, #tpu.memory_space<hbm>>
        %dma_start3A_1238 = tpu.memref_slice %arg9[%dma_start3A_1231] : memref<10x!tpu.dma_semaphore, #tpu.memory_space<semaphore_mem>> -> memref<1x!tpu.dma_semaphore, #tpu.memory_space<semaphore_mem>>
        %dma_start3A_1239 = tpu.memref_squeeze %dma_start3A_1238 : memref<1x!tpu.dma_semaphore, #tpu.memory_space<semaphore_mem>> -> memref<!tpu.dma_semaphore, #tpu.memory_space<semaphore_mem>>
        %dma_start3A_1240 = arith.constant 0 : i32
        %dma_start3A_1241 = tpu.memref_slice %arg4[%mul3A_1229, %dma_start3A_1240] : memref<81920x64xf32, #tpu.memory_space<hbm>> -> memref<128x64xf32, #tpu.memory_space<hbm>>
        %dma_start3A_1242 = arith.constant 0 : i32
        %dma_start3A_1243 = arith.constant 0 : i32
        %dma_start3A_1244 = tpu.memref_slice %arg7[%dma_start3A_1230, %dma_start3A_1242, %dma_start3A_1243] : memref<10x128x64xf32, #tpu.memory_space<vmem>> -> memref<1x128x64xf32, #tpu.memory_space<vmem>>
        %dma_start3A_1245 = tpu.memref_squeeze %dma_start3A_1244 : memref<1x128x64xf32, #tpu.memory_space<vmem>> -> memref<128x64xf32, #tpu.memory_space<vmem>>
        tpu.enqueue_dma source(%dma_start3A_1245 : memref<128x64xf32, #tpu.memory_space<vmem>>) target(%dma_start3A_1241 : memref<128x64xf32, #tpu.memory_space<hbm>>) target_semaphore(%dma_start3A_1239 : memref<!tpu.dma_semaphore, #tpu.memory_space<semaphore_mem>>)
      } else {
      }
      %ge3A_638 = arith.constant 640 : i32
      %ge3A_639 = arith.cmpi sge, %add3A_632, %ge3A_638 : i32
      %convert_element_type3A_640 = arith.extui %ge3A_639 : i1 to i32
      %cond3A_641 = arith.constant 0 : i32
      %cond3A_642 = arith.cmpi ne, %convert_element_type3A_640, %cond3A_641 : i32
      scf.if %cond3A_642 {
        %sub3A = arith.constant 640 : i32
        %sub3A_1228 = arith.subi %add3A_632, %sub3A : i32
        %mul3A_1229 = arith.constant 128 : i32
        %mul3A_1230 = arith.muli %sub3A_1228, %mul3A_1229 : i32
        %dma_start3A_1231 = arith.constant 1 : i32
        %dma_start3A_1232 = arith.constant 1 : i32
        %dma_start3A_1233 = arith.constant 0 : i32
        %dma_start3A_1234 = arith.constant 0 : i32
        %dma_start3A_1235 = tpu.memref_slice %arg7[%dma_start3A_1231, %dma_start3A_1233, %dma_start3A_1234] : memref<10x128x64xf32, #tpu.memory_space<vmem>> -> memref<1x128x64xf32, #tpu.memory_space<vmem>>
        %dma_start3A_1236 = tpu.memref_squeeze %dma_start3A_1235 : memref<1x128x64xf32, #tpu.memory_space<vmem>> -> memref<128x64xf32, #tpu.memory_space<vmem>>
        %dma_start3A_1237 = arith.constant 0 : i32
        %dma_start3A_1238 = tpu.memref_slice %arg5[%mul3A_1230, %dma_start3A_1237] : memref<204800x64xf32, #tpu.memory_space<hbm>> -> memref<128x64xf32, #tpu.memory_space<hbm>>
        %dma_start3A_1239 = tpu.memref_slice %arg9[%dma_start3A_1232] : memref<10x!tpu.dma_semaphore, #tpu.memory_space<semaphore_mem>> -> memref<1x!tpu.dma_semaphore, #tpu.memory_space<semaphore_mem>>
        %dma_start3A_1240 = tpu.memref_squeeze %dma_start3A_1239 : memref<1x!tpu.dma_semaphore, #tpu.memory_space<semaphore_mem>> -> memref<!tpu.dma_semaphore, #tpu.memory_space<semaphore_mem>>
        %dma_start3A_1241 = arith.constant 0 : i32
        %dma_start3A_1242 = tpu.memref_slice %arg5[%mul3A_1230, %dma_start3A_1241] : memref<204800x64xf32, #tpu.memory_space<hbm>> -> memref<128x64xf32, #tpu.memory_space<hbm>>
        %dma_start3A_1243 = arith.constant 0 : i32
        %dma_start3A_1244 = arith.constant 0 : i32
        %dma_start3A_1245 = tpu.memref_slice %arg7[%dma_start3A_1231, %dma_start3A_1243, %dma_start3A_1244] : memref<10x128x64xf32, #tpu.memory_space<vmem>> -> memref<1x128x64xf32, #tpu.memory_space<vmem>>
        %dma_start3A_1246 = tpu.memref_squeeze %dma_start3A_1245 : memref<1x128x64xf32, #tpu.memory_space<vmem>> -> memref<128x64xf32, #tpu.memory_space<vmem>>
        tpu.enqueue_dma source(%dma_start3A_1246 : memref<128x64xf32, #tpu.memory_space<vmem>>) target(%dma_start3A_1242 : memref<128x64xf32, #tpu.memory_space<hbm>>) target_semaphore(%dma_start3A_1240 : memref<!tpu.dma_semaphore, #tpu.memory_space<semaphore_mem>>)
      } else {
      }
      %dma_wait3A_643 = arith.constant 2 : i32
      %dma_wait3A_644 = arith.constant 2 : i32
      %dma_wait3A_645 = arith.constant 0 : i32
      %dma_wait3A_646 = arith.constant 0 : i32
      %dma_wait3A_647 = tpu.memref_slice %arg7[%dma_wait3A_643, %dma_wait3A_645, %dma_wait3A_646] : memref<10x128x64xf32, #tpu.memory_space<vmem>> -> memref<1x128x64xf32, #tpu.memory_space<vmem>>
      %dma_wait3A_648 = tpu.memref_squeeze %dma_wait3A_647 : memref<1x128x64xf32, #tpu.memory_space<vmem>> -> memref<128x64xf32, #tpu.memory_space<vmem>>
      %dma_wait3A_649 = arith.constant 0 : i32
      %dma_wait3A_650 = tpu.memref_slice %arg6[%dma_wait3A_649] : memref<8960xi32, #tpu.memory_space<vmem>> -> memref<128xi32, #tpu.memory_space<vmem>>
      %dma_wait3A_651 = arith.constant 0 : i32
      %dma_wait3A_652 = arith.constant 0 : i32
      %dma_wait3A_653 = tpu.memref_slice %arg2[%dma_wait3A_651, %dma_wait3A_652] : memref<1000000x64xf32, #tpu.memory_space<hbm>> -> memref<1000000x64xf32, #tpu.memory_space<hbm>>
      %dma_wait3A_654 = tpu.memref_slice %arg8[%dma_wait3A_644] : memref<10x!tpu.dma_semaphore, #tpu.memory_space<semaphore_mem>> -> memref<1x!tpu.dma_semaphore, #tpu.memory_space<semaphore_mem>>
      %dma_wait3A_655 = tpu.memref_squeeze %dma_wait3A_654 : memref<1x!tpu.dma_semaphore, #tpu.memory_space<semaphore_mem>> -> memref<!tpu.dma_semaphore, #tpu.memory_space<semaphore_mem>>
      tpu.wait_indirect_dma semaphore(%dma_wait3A_655 : memref<!tpu.dma_semaphore, #tpu.memory_space<semaphore_mem>>) src(%dma_wait3A_653 : memref<1000000x64xf32, #tpu.memory_space<hbm>>) dst(%dma_wait3A_648 : memref<128x64xf32, #tpu.memory_space<vmem>>)
      %add3A_656 = arith.constant 2 : i32
      %add3A_657 = arith.addi %mul3A_586, %add3A_656 : i32
      %mul3A_658 = arith.constant 70 : i32
      %mul3A_659 = arith.muli %add3A, %mul3A_658 : i32
      %add3A_660 = arith.addi %mul3A_659, %add3A_657 : i32
      %lt3A_661 = arith.constant 640 : i32
      %lt3A_662 = arith.cmpi slt, %add3A_660, %lt3A_661 : i32
      %convert_element_type3A_663 = arith.extui %lt3A_662 : i1 to i32
      %cond3A_664 = arith.constant 0 : i32
      %cond3A_665 = arith.cmpi ne, %convert_element_type3A_663, %cond3A_664 : i32
      scf.if %cond3A_665 {
        %mul3A_1228 = arith.constant 128 : i32
        %mul3A_1229 = arith.muli %add3A_660, %mul3A_1228 : i32
        %dma_start3A_1230 = arith.constant 2 : i32
        %dma_start3A_1231 = arith.constant 2 : i32
        %dma_start3A_1232 = arith.constant 0 : i32
        %dma_start3A_1233 = arith.constant 0 : i32
        %dma_start3A_1234 = tpu.memref_slice %arg7[%dma_start3A_1230, %dma_start3A_1232, %dma_start3A_1233] : memref<10x128x64xf32, #tpu.memory_space<vmem>> -> memref<1x128x64xf32, #tpu.memory_space<vmem>>
        %dma_start3A_1235 = tpu.memref_squeeze %dma_start3A_1234 : memref<1x128x64xf32, #tpu.memory_space<vmem>> -> memref<128x64xf32, #tpu.memory_space<vmem>>
        %dma_start3A_1236 = arith.constant 0 : i32
        %dma_start3A_1237 = tpu.memref_slice %arg4[%mul3A_1229, %dma_start3A_1236] : memref<81920x64xf32, #tpu.memory_space<hbm>> -> memref<128x64xf32, #tpu.memory_space<hbm>>
        %dma_start3A_1238 = tpu.memref_slice %arg9[%dma_start3A_1231] : memref<10x!tpu.dma_semaphore, #tpu.memory_space<semaphore_mem>> -> memref<1x!tpu.dma_semaphore, #tpu.memory_space<semaphore_mem>>
        %dma_start3A_1239 = tpu.memref_squeeze %dma_start3A_1238 : memref<1x!tpu.dma_semaphore, #tpu.memory_space<semaphore_mem>> -> memref<!tpu.dma_semaphore, #tpu.memory_space<semaphore_mem>>
        %dma_start3A_1240 = arith.constant 0 : i32
        %dma_start3A_1241 = tpu.memref_slice %arg4[%mul3A_1229, %dma_start3A_1240] : memref<81920x64xf32, #tpu.memory_space<hbm>> -> memref<128x64xf32, #tpu.memory_space<hbm>>
        %dma_start3A_1242 = arith.constant 0 : i32
        %dma_start3A_1243 = arith.constant 0 : i32
        %dma_start3A_1244 = tpu.memref_slice %arg7[%dma_start3A_1230, %dma_start3A_1242, %dma_start3A_1243] : memref<10x128x64xf32, #tpu.memory_space<vmem>> -> memref<1x128x64xf32, #tpu.memory_space<vmem>>
        %dma_start3A_1245 = tpu.memref_squeeze %dma_start3A_1244 : memref<1x128x64xf32, #tpu.memory_space<vmem>> -> memref<128x64xf32, #tpu.memory_space<vmem>>
        tpu.enqueue_dma source(%dma_start3A_1245 : memref<128x64xf32, #tpu.memory_space<vmem>>) target(%dma_start3A_1241 : memref<128x64xf32, #tpu.memory_space<hbm>>) target_semaphore(%dma_start3A_1239 : memref<!tpu.dma_semaphore, #tpu.memory_space<semaphore_mem>>)
      } else {
      }
      %ge3A_666 = arith.constant 640 : i32
      %ge3A_667 = arith.cmpi sge, %add3A_660, %ge3A_666 : i32
      %convert_element_type3A_668 = arith.extui %ge3A_667 : i1 to i32
      %cond3A_669 = arith.constant 0 : i32
      %cond3A_670 = arith.cmpi ne, %convert_element_type3A_668, %cond3A_669 : i32
      scf.if %cond3A_670 {
        %sub3A = arith.constant 640 : i32
        %sub3A_1228 = arith.subi %add3A_660, %sub3A : i32
        %mul3A_1229 = arith.constant 128 : i32
        %mul3A_1230 = arith.muli %sub3A_1228, %mul3A_1229 : i32
        %dma_start3A_1231 = arith.constant 2 : i32
        %dma_start3A_1232 = arith.constant 2 : i32
        %dma_start3A_1233 = arith.constant 0 : i32
        %dma_start3A_1234 = arith.constant 0 : i32
        %dma_start3A_1235 = tpu.memref_slice %arg7[%dma_start3A_1231, %dma_start3A_1233, %dma_start3A_1234] : memref<10x128x64xf32, #tpu.memory_space<vmem>> -> memref<1x128x64xf32, #tpu.memory_space<vmem>>
        %dma_start3A_1236 = tpu.memref_squeeze %dma_start3A_1235 : memref<1x128x64xf32, #tpu.memory_space<vmem>> -> memref<128x64xf32, #tpu.memory_space<vmem>>
        %dma_start3A_1237 = arith.constant 0 : i32
        %dma_start3A_1238 = tpu.memref_slice %arg5[%mul3A_1230, %dma_start3A_1237] : memref<204800x64xf32, #tpu.memory_space<hbm>> -> memref<128x64xf32, #tpu.memory_space<hbm>>
        %dma_start3A_1239 = tpu.memref_slice %arg9[%dma_start3A_1232] : memref<10x!tpu.dma_semaphore, #tpu.memory_space<semaphore_mem>> -> memref<1x!tpu.dma_semaphore, #tpu.memory_space<semaphore_mem>>
        %dma_start3A_1240 = tpu.memref_squeeze %dma_start3A_1239 : memref<1x!tpu.dma_semaphore, #tpu.memory_space<semaphore_mem>> -> memref<!tpu.dma_semaphore, #tpu.memory_space<semaphore_mem>>
        %dma_start3A_1241 = arith.constant 0 : i32
        %dma_start3A_1242 = tpu.memref_slice %arg5[%mul3A_1230, %dma_start3A_1241] : memref<204800x64xf32, #tpu.memory_space<hbm>> -> memref<128x64xf32, #tpu.memory_space<hbm>>
        %dma_start3A_1243 = arith.constant 0 : i32
        %dma_start3A_1244 = arith.constant 0 : i32
        %dma_start3A_1245 = tpu.memref_slice %arg7[%dma_start3A_1231, %dma_start3A_1243, %dma_start3A_1244] : memref<10x128x64xf32, #tpu.memory_space<vmem>> -> memref<1x128x64xf32, #tpu.memory_space<vmem>>
        %dma_start3A_1246 = tpu.memref_squeeze %dma_start3A_1245 : memref<1x128x64xf32, #tpu.memory_space<vmem>> -> memref<128x64xf32, #tpu.memory_space<vmem>>
        tpu.enqueue_dma source(%dma_start3A_1246 : memref<128x64xf32, #tpu.memory_space<vmem>>) target(%dma_start3A_1242 : memref<128x64xf32, #tpu.memory_space<hbm>>) target_semaphore(%dma_start3A_1240 : memref<!tpu.dma_semaphore, #tpu.memory_space<semaphore_mem>>)
      } else {
      }
      %dma_wait3A_671 = arith.constant 3 : i32
      %dma_wait3A_672 = arith.constant 3 : i32
      %dma_wait3A_673 = arith.constant 0 : i32
      %dma_wait3A_674 = arith.constant 0 : i32
      %dma_wait3A_675 = tpu.memref_slice %arg7[%dma_wait3A_671, %dma_wait3A_673, %dma_wait3A_674] : memref<10x128x64xf32, #tpu.memory_space<vmem>> -> memref<1x128x64xf32, #tpu.memory_space<vmem>>
      %dma_wait3A_676 = tpu.memref_squeeze %dma_wait3A_675 : memref<1x128x64xf32, #tpu.memory_space<vmem>> -> memref<128x64xf32, #tpu.memory_space<vmem>>
      %dma_wait3A_677 = arith.constant 0 : i32
      %dma_wait3A_678 = tpu.memref_slice %arg6[%dma_wait3A_677] : memref<8960xi32, #tpu.memory_space<vmem>> -> memref<128xi32, #tpu.memory_space<vmem>>
      %dma_wait3A_679 = arith.constant 0 : i32
      %dma_wait3A_680 = arith.constant 0 : i32
      %dma_wait3A_681 = tpu.memref_slice %arg2[%dma_wait3A_679, %dma_wait3A_680] : memref<1000000x64xf32, #tpu.memory_space<hbm>> -> memref<1000000x64xf32, #tpu.memory_space<hbm>>
      %dma_wait3A_682 = tpu.memref_slice %arg8[%dma_wait3A_672] : memref<10x!tpu.dma_semaphore, #tpu.memory_space<semaphore_mem>> -> memref<1x!tpu.dma_semaphore, #tpu.memory_space<semaphore_mem>>
      %dma_wait3A_683 = tpu.memref_squeeze %dma_wait3A_682 : memref<1x!tpu.dma_semaphore, #tpu.memory_space<semaphore_mem>> -> memref<!tpu.dma_semaphore, #tpu.memory_space<semaphore_mem>>
      tpu.wait_indirect_dma semaphore(%dma_wait3A_683 : memref<!tpu.dma_semaphore, #tpu.memory_space<semaphore_mem>>) src(%dma_wait3A_681 : memref<1000000x64xf32, #tpu.memory_space<hbm>>) dst(%dma_wait3A_676 : memref<128x64xf32, #tpu.memory_space<vmem>>)
      %add3A_684 = arith.constant 3 : i32
      %add3A_685 = arith.addi %mul3A_586, %add3A_684 : i32
      %mul3A_686 = arith.constant 70 : i32
      %mul3A_687 = arith.muli %add3A, %mul3A_686 : i32
      %add3A_688 = arith.addi %mul3A_687, %add3A_685 : i32
      %lt3A_689 = arith.constant 640 : i32
      %lt3A_690 = arith.cmpi slt, %add3A_688, %lt3A_689 : i32
      %convert_element_type3A_691 = arith.extui %lt3A_690 : i1 to i32
      %cond3A_692 = arith.constant 0 : i32
      %cond3A_693 = arith.cmpi ne, %convert_element_type3A_691, %cond3A_692 : i32
      scf.if %cond3A_693 {
        %mul3A_1228 = arith.constant 128 : i32
        %mul3A_1229 = arith.muli %add3A_688, %mul3A_1228 : i32
        %dma_start3A_1230 = arith.constant 3 : i32
        %dma_start3A_1231 = arith.constant 3 : i32
        %dma_start3A_1232 = arith.constant 0 : i32
        %dma_start3A_1233 = arith.constant 0 : i32
        %dma_start3A_1234 = tpu.memref_slice %arg7[%dma_start3A_1230, %dma_start3A_1232, %dma_start3A_1233] : memref<10x128x64xf32, #tpu.memory_space<vmem>> -> memref<1x128x64xf32, #tpu.memory_space<vmem>>
        %dma_start3A_1235 = tpu.memref_squeeze %dma_start3A_1234 : memref<1x128x64xf32, #tpu.memory_space<vmem>> -> memref<128x64xf32, #tpu.memory_space<vmem>>
        %dma_start3A_1236 = arith.constant 0 : i32
        %dma_start3A_1237 = tpu.memref_slice %arg4[%mul3A_1229, %dma_start3A_1236] : memref<81920x64xf32, #tpu.memory_space<hbm>> -> memref<128x64xf32, #tpu.memory_space<hbm>>
        %dma_start3A_1238 = tpu.memref_slice %arg9[%dma_start3A_1231] : memref<10x!tpu.dma_semaphore, #tpu.memory_space<semaphore_mem>> -> memref<1x!tpu.dma_semaphore, #tpu.memory_space<semaphore_mem>>
        %dma_start3A_1239 = tpu.memref_squeeze %dma_start3A_1238 : memref<1x!tpu.dma_semaphore, #tpu.memory_space<semaphore_mem>> -> memref<!tpu.dma_semaphore, #tpu.memory_space<semaphore_mem>>
        %dma_start3A_1240 = arith.constant 0 : i32
        %dma_start3A_1241 = tpu.memref_slice %arg4[%mul3A_1229, %dma_start3A_1240] : memref<81920x64xf32, #tpu.memory_space<hbm>> -> memref<128x64xf32, #tpu.memory_space<hbm>>
        %dma_start3A_1242 = arith.constant 0 : i32
        %dma_start3A_1243 = arith.constant 0 : i32
        %dma_start3A_1244 = tpu.memref_slice %arg7[%dma_start3A_1230, %dma_start3A_1242, %dma_start3A_1243] : memref<10x128x64xf32, #tpu.memory_space<vmem>> -> memref<1x128x64xf32, #tpu.memory_space<vmem>>
        %dma_start3A_1245 = tpu.memref_squeeze %dma_start3A_1244 : memref<1x128x64xf32, #tpu.memory_space<vmem>> -> memref<128x64xf32, #tpu.memory_space<vmem>>
        tpu.enqueue_dma source(%dma_start3A_1245 : memref<128x64xf32, #tpu.memory_space<vmem>>) target(%dma_start3A_1241 : memref<128x64xf32, #tpu.memory_space<hbm>>) target_semaphore(%dma_start3A_1239 : memref<!tpu.dma_semaphore, #tpu.memory_space<semaphore_mem>>)
      } else {
      }
      %ge3A_694 = arith.constant 640 : i32
      %ge3A_695 = arith.cmpi sge, %add3A_688, %ge3A_694 : i32
      %convert_element_type3A_696 = arith.extui %ge3A_695 : i1 to i32
      %cond3A_697 = arith.constant 0 : i32
      %cond3A_698 = arith.cmpi ne, %convert_element_type3A_696, %cond3A_697 : i32
      scf.if %cond3A_698 {
        %sub3A = arith.constant 640 : i32
        %sub3A_1228 = arith.subi %add3A_688, %sub3A : i32
        %mul3A_1229 = arith.constant 128 : i32
        %mul3A_1230 = arith.muli %sub3A_1228, %mul3A_1229 : i32
        %dma_start3A_1231 = arith.constant 3 : i32
        %dma_start3A_1232 = arith.constant 3 : i32
        %dma_start3A_1233 = arith.constant 0 : i32
        %dma_start3A_1234 = arith.constant 0 : i32
        %dma_start3A_1235 = tpu.memref_slice %arg7[%dma_start3A_1231, %dma_start3A_1233, %dma_start3A_1234] : memref<10x128x64xf32, #tpu.memory_space<vmem>> -> memref<1x128x64xf32, #tpu.memory_space<vmem>>
        %dma_start3A_1236 = tpu.memref_squeeze %dma_start3A_1235 : memref<1x128x64xf32, #tpu.memory_space<vmem>> -> memref<128x64xf32, #tpu.memory_space<vmem>>
        %dma_start3A_1237 = arith.constant 0 : i32
        %dma_start3A_1238 = tpu.memref_slice %arg5[%mul3A_1230, %dma_start3A_1237] : memref<204800x64xf32, #tpu.memory_space<hbm>> -> memref<128x64xf32, #tpu.memory_space<hbm>>
        %dma_start3A_1239 = tpu.memref_slice %arg9[%dma_start3A_1232] : memref<10x!tpu.dma_semaphore, #tpu.memory_space<semaphore_mem>> -> memref<1x!tpu.dma_semaphore, #tpu.memory_space<semaphore_mem>>
        %dma_start3A_1240 = tpu.memref_squeeze %dma_start3A_1239 : memref<1x!tpu.dma_semaphore, #tpu.memory_space<semaphore_mem>> -> memref<!tpu.dma_semaphore, #tpu.memory_space<semaphore_mem>>
        %dma_start3A_1241 = arith.constant 0 : i32
        %dma_start3A_1242 = tpu.memref_slice %arg5[%mul3A_1230, %dma_start3A_1241] : memref<204800x64xf32, #tpu.memory_space<hbm>> -> memref<128x64xf32, #tpu.memory_space<hbm>>
        %dma_start3A_1243 = arith.constant 0 : i32
        %dma_start3A_1244 = arith.constant 0 : i32
        %dma_start3A_1245 = tpu.memref_slice %arg7[%dma_start3A_1231, %dma_start3A_1243, %dma_start3A_1244] : memref<10x128x64xf32, #tpu.memory_space<vmem>> -> memref<1x128x64xf32, #tpu.memory_space<vmem>>
        %dma_start3A_1246 = tpu.memref_squeeze %dma_start3A_1245 : memref<1x128x64xf32, #tpu.memory_space<vmem>> -> memref<128x64xf32, #tpu.memory_space<vmem>>
        tpu.enqueue_dma source(%dma_start3A_1246 : memref<128x64xf32, #tpu.memory_space<vmem>>) target(%dma_start3A_1242 : memref<128x64xf32, #tpu.memory_space<hbm>>) target_semaphore(%dma_start3A_1240 : memref<!tpu.dma_semaphore, #tpu.memory_space<semaphore_mem>>)
      } else {
      }
      %dma_wait3A_699 = arith.constant 4 : i32
      %dma_wait3A_700 = arith.constant 4 : i32
      %dma_wait3A_701 = arith.constant 0 : i32
      %dma_wait3A_702 = arith.constant 0 : i32
      %dma_wait3A_703 = tpu.memref_slice %arg7[%dma_wait3A_699, %dma_wait3A_701, %dma_wait3A_702] : memref<10x128x64xf32, #tpu.memory_space<vmem>> -> memref<1x128x64xf32, #tpu.memory_space<vmem>>
      %dma_wait3A_704 = tpu.memref_squeeze %dma_wait3A_703 : memref<1x128x64xf32, #tpu.memory_space<vmem>> -> memref<128x64xf32, #tpu.memory_space<vmem>>
      %dma_wait3A_705 = arith.constant 0 : i32
      %dma_wait3A_706 = tpu.memref_slice %arg6[%dma_wait3A_705] : memref<8960xi32, #tpu.memory_space<vmem>> -> memref<128xi32, #tpu.memory_space<vmem>>
      %dma_wait3A_707 = arith.constant 0 : i32
      %dma_wait3A_708 = arith.constant 0 : i32
      %dma_wait3A_709 = tpu.memref_slice %arg2[%dma_wait3A_707, %dma_wait3A_708] : memref<1000000x64xf32, #tpu.memory_space<hbm>> -> memref<1000000x64xf32, #tpu.memory_space<hbm>>
      %dma_wait3A_710 = tpu.memref_slice %arg8[%dma_wait3A_700] : memref<10x!tpu.dma_semaphore, #tpu.memory_space<semaphore_mem>> -> memref<1x!tpu.dma_semaphore, #tpu.memory_space<semaphore_mem>>
      %dma_wait3A_711 = tpu.memref_squeeze %dma_wait3A_710 : memref<1x!tpu.dma_semaphore, #tpu.memory_space<semaphore_mem>> -> memref<!tpu.dma_semaphore, #tpu.memory_space<semaphore_mem>>
      tpu.wait_indirect_dma semaphore(%dma_wait3A_711 : memref<!tpu.dma_semaphore, #tpu.memory_space<semaphore_mem>>) src(%dma_wait3A_709 : memref<1000000x64xf32, #tpu.memory_space<hbm>>) dst(%dma_wait3A_704 : memref<128x64xf32, #tpu.memory_space<vmem>>)
      %add3A_712 = arith.constant 4 : i32
      %add3A_713 = arith.addi %mul3A_586, %add3A_712 : i32
      %mul3A_714 = arith.constant 70 : i32
      %mul3A_715 = arith.muli %add3A, %mul3A_714 : i32
      %add3A_716 = arith.addi %mul3A_715, %add3A_713 : i32
      %lt3A_717 = arith.constant 640 : i32
      %lt3A_718 = arith.cmpi slt, %add3A_716, %lt3A_717 : i32
      %convert_element_type3A_719 = arith.extui %lt3A_718 : i1 to i32
      %cond3A_720 = arith.constant 0 : i32
      %cond3A_721 = arith.cmpi ne, %convert_element_type3A_719, %cond3A_720 : i32
      scf.if %cond3A_721 {
        %mul3A_1228 = arith.constant 128 : i32
        %mul3A_1229 = arith.muli %add3A_716, %mul3A_1228 : i32
        %dma_start3A_1230 = arith.constant 4 : i32
        %dma_start3A_1231 = arith.constant 4 : i32
        %dma_start3A_1232 = arith.constant 0 : i32
        %dma_start3A_1233 = arith.constant 0 : i32
        %dma_start3A_1234 = tpu.memref_slice %arg7[%dma_start3A_1230, %dma_start3A_1232, %dma_start3A_1233] : memref<10x128x64xf32, #tpu.memory_space<vmem>> -> memref<1x128x64xf32, #tpu.memory_space<vmem>>
        %dma_start3A_1235 = tpu.memref_squeeze %dma_start3A_1234 : memref<1x128x64xf32, #tpu.memory_space<vmem>> -> memref<128x64xf32, #tpu.memory_space<vmem>>
        %dma_start3A_1236 = arith.constant 0 : i32
        %dma_start3A_1237 = tpu.memref_slice %arg4[%mul3A_1229, %dma_start3A_1236] : memref<81920x64xf32, #tpu.memory_space<hbm>> -> memref<128x64xf32, #tpu.memory_space<hbm>>
        %dma_start3A_1238 = tpu.memref_slice %arg9[%dma_start3A_1231] : memref<10x!tpu.dma_semaphore, #tpu.memory_space<semaphore_mem>> -> memref<1x!tpu.dma_semaphore, #tpu.memory_space<semaphore_mem>>
        %dma_start3A_1239 = tpu.memref_squeeze %dma_start3A_1238 : memref<1x!tpu.dma_semaphore, #tpu.memory_space<semaphore_mem>> -> memref<!tpu.dma_semaphore, #tpu.memory_space<semaphore_mem>>
        %dma_start3A_1240 = arith.constant 0 : i32
        %dma_start3A_1241 = tpu.memref_slice %arg4[%mul3A_1229, %dma_start3A_1240] : memref<81920x64xf32, #tpu.memory_space<hbm>> -> memref<128x64xf32, #tpu.memory_space<hbm>>
        %dma_start3A_1242 = arith.constant 0 : i32
        %dma_start3A_1243 = arith.constant 0 : i32
        %dma_start3A_1244 = tpu.memref_slice %arg7[%dma_start3A_1230, %dma_start3A_1242, %dma_start3A_1243] : memref<10x128x64xf32, #tpu.memory_space<vmem>> -> memref<1x128x64xf32, #tpu.memory_space<vmem>>
        %dma_start3A_1245 = tpu.memref_squeeze %dma_start3A_1244 : memref<1x128x64xf32, #tpu.memory_space<vmem>> -> memref<128x64xf32, #tpu.memory_space<vmem>>
        tpu.enqueue_dma source(%dma_start3A_1245 : memref<128x64xf32, #tpu.memory_space<vmem>>) target(%dma_start3A_1241 : memref<128x64xf32, #tpu.memory_space<hbm>>) target_semaphore(%dma_start3A_1239 : memref<!tpu.dma_semaphore, #tpu.memory_space<semaphore_mem>>)
      } else {
      }
      %ge3A_722 = arith.constant 640 : i32
      %ge3A_723 = arith.cmpi sge, %add3A_716, %ge3A_722 : i32
      %convert_element_type3A_724 = arith.extui %ge3A_723 : i1 to i32
      %cond3A_725 = arith.constant 0 : i32
      %cond3A_726 = arith.cmpi ne, %convert_element_type3A_724, %cond3A_725 : i32
      scf.if %cond3A_726 {
        %sub3A = arith.constant 640 : i32
        %sub3A_1228 = arith.subi %add3A_716, %sub3A : i32
        %mul3A_1229 = arith.constant 128 : i32
        %mul3A_1230 = arith.muli %sub3A_1228, %mul3A_1229 : i32
        %dma_start3A_1231 = arith.constant 4 : i32
        %dma_start3A_1232 = arith.constant 4 : i32
        %dma_start3A_1233 = arith.constant 0 : i32
        %dma_start3A_1234 = arith.constant 0 : i32
        %dma_start3A_1235 = tpu.memref_slice %arg7[%dma_start3A_1231, %dma_start3A_1233, %dma_start3A_1234] : memref<10x128x64xf32, #tpu.memory_space<vmem>> -> memref<1x128x64xf32, #tpu.memory_space<vmem>>
        %dma_start3A_1236 = tpu.memref_squeeze %dma_start3A_1235 : memref<1x128x64xf32, #tpu.memory_space<vmem>> -> memref<128x64xf32, #tpu.memory_space<vmem>>
        %dma_start3A_1237 = arith.constant 0 : i32
        %dma_start3A_1238 = tpu.memref_slice %arg5[%mul3A_1230, %dma_start3A_1237] : memref<204800x64xf32, #tpu.memory_space<hbm>> -> memref<128x64xf32, #tpu.memory_space<hbm>>
        %dma_start3A_1239 = tpu.memref_slice %arg9[%dma_start3A_1232] : memref<10x!tpu.dma_semaphore, #tpu.memory_space<semaphore_mem>> -> memref<1x!tpu.dma_semaphore, #tpu.memory_space<semaphore_mem>>
        %dma_start3A_1240 = tpu.memref_squeeze %dma_start3A_1239 : memref<1x!tpu.dma_semaphore, #tpu.memory_space<semaphore_mem>> -> memref<!tpu.dma_semaphore, #tpu.memory_space<semaphore_mem>>
        %dma_start3A_1241 = arith.constant 0 : i32
        %dma_start3A_1242 = tpu.memref_slice %arg5[%mul3A_1230, %dma_start3A_1241] : memref<204800x64xf32, #tpu.memory_space<hbm>> -> memref<128x64xf32, #tpu.memory_space<hbm>>
        %dma_start3A_1243 = arith.constant 0 : i32
        %dma_start3A_1244 = arith.constant 0 : i32
        %dma_start3A_1245 = tpu.memref_slice %arg7[%dma_start3A_1231, %dma_start3A_1243, %dma_start3A_1244] : memref<10x128x64xf32, #tpu.memory_space<vmem>> -> memref<1x128x64xf32, #tpu.memory_space<vmem>>
        %dma_start3A_1246 = tpu.memref_squeeze %dma_start3A_1245 : memref<1x128x64xf32, #tpu.memory_space<vmem>> -> memref<128x64xf32, #tpu.memory_space<vmem>>
        tpu.enqueue_dma source(%dma_start3A_1246 : memref<128x64xf32, #tpu.memory_space<vmem>>) target(%dma_start3A_1242 : memref<128x64xf32, #tpu.memory_space<hbm>>) target_semaphore(%dma_start3A_1240 : memref<!tpu.dma_semaphore, #tpu.memory_space<semaphore_mem>>)
      } else {
      }
      %dma_wait3A_727 = arith.constant 5 : i32
      %dma_wait3A_728 = arith.constant 5 : i32
      %dma_wait3A_729 = arith.constant 0 : i32
      %dma_wait3A_730 = arith.constant 0 : i32
      %dma_wait3A_731 = tpu.memref_slice %arg7[%dma_wait3A_727, %dma_wait3A_729, %dma_wait3A_730] : memref<10x128x64xf32, #tpu.memory_space<vmem>> -> memref<1x128x64xf32, #tpu.memory_space<vmem>>
      %dma_wait3A_732 = tpu.memref_squeeze %dma_wait3A_731 : memref<1x128x64xf32, #tpu.memory_space<vmem>> -> memref<128x64xf32, #tpu.memory_space<vmem>>
      %dma_wait3A_733 = arith.constant 0 : i32
      %dma_wait3A_734 = tpu.memref_slice %arg6[%dma_wait3A_733] : memref<8960xi32, #tpu.memory_space<vmem>> -> memref<128xi32, #tpu.memory_space<vmem>>
      %dma_wait3A_735 = arith.constant 0 : i32
      %dma_wait3A_736 = arith.constant 0 : i32
      %dma_wait3A_737 = tpu.memref_slice %arg2[%dma_wait3A_735, %dma_wait3A_736] : memref<1000000x64xf32, #tpu.memory_space<hbm>> -> memref<1000000x64xf32, #tpu.memory_space<hbm>>
      %dma_wait3A_738 = tpu.memref_slice %arg8[%dma_wait3A_728] : memref<10x!tpu.dma_semaphore, #tpu.memory_space<semaphore_mem>> -> memref<1x!tpu.dma_semaphore, #tpu.memory_space<semaphore_mem>>
      %dma_wait3A_739 = tpu.memref_squeeze %dma_wait3A_738 : memref<1x!tpu.dma_semaphore, #tpu.memory_space<semaphore_mem>> -> memref<!tpu.dma_semaphore, #tpu.memory_space<semaphore_mem>>
      tpu.wait_indirect_dma semaphore(%dma_wait3A_739 : memref<!tpu.dma_semaphore, #tpu.memory_space<semaphore_mem>>) src(%dma_wait3A_737 : memref<1000000x64xf32, #tpu.memory_space<hbm>>) dst(%dma_wait3A_732 : memref<128x64xf32, #tpu.memory_space<vmem>>)
      %add3A_740 = arith.constant 5 : i32
      %add3A_741 = arith.addi %mul3A_586, %add3A_740 : i32
      %mul3A_742 = arith.constant 70 : i32
      %mul3A_743 = arith.muli %add3A, %mul3A_742 : i32
      %add3A_744 = arith.addi %mul3A_743, %add3A_741 : i32
      %lt3A_745 = arith.constant 640 : i32
      %lt3A_746 = arith.cmpi slt, %add3A_744, %lt3A_745 : i32
      %convert_element_type3A_747 = arith.extui %lt3A_746 : i1 to i32
      %cond3A_748 = arith.constant 0 : i32
      %cond3A_749 = arith.cmpi ne, %convert_element_type3A_747, %cond3A_748 : i32
      scf.if %cond3A_749 {
        %mul3A_1228 = arith.constant 128 : i32
        %mul3A_1229 = arith.muli %add3A_744, %mul3A_1228 : i32
        %dma_start3A_1230 = arith.constant 5 : i32
        %dma_start3A_1231 = arith.constant 5 : i32
        %dma_start3A_1232 = arith.constant 0 : i32
        %dma_start3A_1233 = arith.constant 0 : i32
        %dma_start3A_1234 = tpu.memref_slice %arg7[%dma_start3A_1230, %dma_start3A_1232, %dma_start3A_1233] : memref<10x128x64xf32, #tpu.memory_space<vmem>> -> memref<1x128x64xf32, #tpu.memory_space<vmem>>
        %dma_start3A_1235 = tpu.memref_squeeze %dma_start3A_1234 : memref<1x128x64xf32, #tpu.memory_space<vmem>> -> memref<128x64xf32, #tpu.memory_space<vmem>>
        %dma_start3A_1236 = arith.constant 0 : i32
        %dma_start3A_1237 = tpu.memref_slice %arg4[%mul3A_1229, %dma_start3A_1236] : memref<81920x64xf32, #tpu.memory_space<hbm>> -> memref<128x64xf32, #tpu.memory_space<hbm>>
        %dma_start3A_1238 = tpu.memref_slice %arg9[%dma_start3A_1231] : memref<10x!tpu.dma_semaphore, #tpu.memory_space<semaphore_mem>> -> memref<1x!tpu.dma_semaphore, #tpu.memory_space<semaphore_mem>>
        %dma_start3A_1239 = tpu.memref_squeeze %dma_start3A_1238 : memref<1x!tpu.dma_semaphore, #tpu.memory_space<semaphore_mem>> -> memref<!tpu.dma_semaphore, #tpu.memory_space<semaphore_mem>>
        %dma_start3A_1240 = arith.constant 0 : i32
        %dma_start3A_1241 = tpu.memref_slice %arg4[%mul3A_1229, %dma_start3A_1240] : memref<81920x64xf32, #tpu.memory_space<hbm>> -> memref<128x64xf32, #tpu.memory_space<hbm>>
        %dma_start3A_1242 = arith.constant 0 : i32
        %dma_start3A_1243 = arith.constant 0 : i32
        %dma_start3A_1244 = tpu.memref_slice %arg7[%dma_start3A_1230, %dma_start3A_1242, %dma_start3A_1243] : memref<10x128x64xf32, #tpu.memory_space<vmem>> -> memref<1x128x64xf32, #tpu.memory_space<vmem>>
        %dma_start3A_1245 = tpu.memref_squeeze %dma_start3A_1244 : memref<1x128x64xf32, #tpu.memory_space<vmem>> -> memref<128x64xf32, #tpu.memory_space<vmem>>
        tpu.enqueue_dma source(%dma_start3A_1245 : memref<128x64xf32, #tpu.memory_space<vmem>>) target(%dma_start3A_1241 : memref<128x64xf32, #tpu.memory_space<hbm>>) target_semaphore(%dma_start3A_1239 : memref<!tpu.dma_semaphore, #tpu.memory_space<semaphore_mem>>)
      } else {
      }
      %ge3A_750 = arith.constant 640 : i32
      %ge3A_751 = arith.cmpi sge, %add3A_744, %ge3A_750 : i32
      %convert_element_type3A_752 = arith.extui %ge3A_751 : i1 to i32
      %cond3A_753 = arith.constant 0 : i32
      %cond3A_754 = arith.cmpi ne, %convert_element_type3A_752, %cond3A_753 : i32
      scf.if %cond3A_754 {
        %sub3A = arith.constant 640 : i32
        %sub3A_1228 = arith.subi %add3A_744, %sub3A : i32
        %mul3A_1229 = arith.constant 128 : i32
        %mul3A_1230 = arith.muli %sub3A_1228, %mul3A_1229 : i32
        %dma_start3A_1231 = arith.constant 5 : i32
        %dma_start3A_1232 = arith.constant 5 : i32
        %dma_start3A_1233 = arith.constant 0 : i32
        %dma_start3A_1234 = arith.constant 0 : i32
        %dma_start3A_1235 = tpu.memref_slice %arg7[%dma_start3A_1231, %dma_start3A_1233, %dma_start3A_1234] : memref<10x128x64xf32, #tpu.memory_space<vmem>> -> memref<1x128x64xf32, #tpu.memory_space<vmem>>
        %dma_start3A_1236 = tpu.memref_squeeze %dma_start3A_1235 : memref<1x128x64xf32, #tpu.memory_space<vmem>> -> memref<128x64xf32, #tpu.memory_space<vmem>>
        %dma_start3A_1237 = arith.constant 0 : i32
        %dma_start3A_1238 = tpu.memref_slice %arg5[%mul3A_1230, %dma_start3A_1237] : memref<204800x64xf32, #tpu.memory_space<hbm>> -> memref<128x64xf32, #tpu.memory_space<hbm>>
        %dma_start3A_1239 = tpu.memref_slice %arg9[%dma_start3A_1232] : memref<10x!tpu.dma_semaphore, #tpu.memory_space<semaphore_mem>> -> memref<1x!tpu.dma_semaphore, #tpu.memory_space<semaphore_mem>>
        %dma_start3A_1240 = tpu.memref_squeeze %dma_start3A_1239 : memref<1x!tpu.dma_semaphore, #tpu.memory_space<semaphore_mem>> -> memref<!tpu.dma_semaphore, #tpu.memory_space<semaphore_mem>>
        %dma_start3A_1241 = arith.constant 0 : i32
        %dma_start3A_1242 = tpu.memref_slice %arg5[%mul3A_1230, %dma_start3A_1241] : memref<204800x64xf32, #tpu.memory_space<hbm>> -> memref<128x64xf32, #tpu.memory_space<hbm>>
        %dma_start3A_1243 = arith.constant 0 : i32
        %dma_start3A_1244 = arith.constant 0 : i32
        %dma_start3A_1245 = tpu.memref_slice %arg7[%dma_start3A_1231, %dma_start3A_1243, %dma_start3A_1244] : memref<10x128x64xf32, #tpu.memory_space<vmem>> -> memref<1x128x64xf32, #tpu.memory_space<vmem>>
        %dma_start3A_1246 = tpu.memref_squeeze %dma_start3A_1245 : memref<1x128x64xf32, #tpu.memory_space<vmem>> -> memref<128x64xf32, #tpu.memory_space<vmem>>
        tpu.enqueue_dma source(%dma_start3A_1246 : memref<128x64xf32, #tpu.memory_space<vmem>>) target(%dma_start3A_1242 : memref<128x64xf32, #tpu.memory_space<hbm>>) target_semaphore(%dma_start3A_1240 : memref<!tpu.dma_semaphore, #tpu.memory_space<semaphore_mem>>)
      } else {
      }
      %dma_wait3A_755 = arith.constant 6 : i32
      %dma_wait3A_756 = arith.constant 6 : i32
      %dma_wait3A_757 = arith.constant 0 : i32
      %dma_wait3A_758 = arith.constant 0 : i32
      %dma_wait3A_759 = tpu.memref_slice %arg7[%dma_wait3A_755, %dma_wait3A_757, %dma_wait3A_758] : memref<10x128x64xf32, #tpu.memory_space<vmem>> -> memref<1x128x64xf32, #tpu.memory_space<vmem>>
      %dma_wait3A_760 = tpu.memref_squeeze %dma_wait3A_759 : memref<1x128x64xf32, #tpu.memory_space<vmem>> -> memref<128x64xf32, #tpu.memory_space<vmem>>
      %dma_wait3A_761 = arith.constant 0 : i32
      %dma_wait3A_762 = tpu.memref_slice %arg6[%dma_wait3A_761] : memref<8960xi32, #tpu.memory_space<vmem>> -> memref<128xi32, #tpu.memory_space<vmem>>
      %dma_wait3A_763 = arith.constant 0 : i32
      %dma_wait3A_764 = arith.constant 0 : i32
      %dma_wait3A_765 = tpu.memref_slice %arg2[%dma_wait3A_763, %dma_wait3A_764] : memref<1000000x64xf32, #tpu.memory_space<hbm>> -> memref<1000000x64xf32, #tpu.memory_space<hbm>>
      %dma_wait3A_766 = tpu.memref_slice %arg8[%dma_wait3A_756] : memref<10x!tpu.dma_semaphore, #tpu.memory_space<semaphore_mem>> -> memref<1x!tpu.dma_semaphore, #tpu.memory_space<semaphore_mem>>
      %dma_wait3A_767 = tpu.memref_squeeze %dma_wait3A_766 : memref<1x!tpu.dma_semaphore, #tpu.memory_space<semaphore_mem>> -> memref<!tpu.dma_semaphore, #tpu.memory_space<semaphore_mem>>
      tpu.wait_indirect_dma semaphore(%dma_wait3A_767 : memref<!tpu.dma_semaphore, #tpu.memory_space<semaphore_mem>>) src(%dma_wait3A_765 : memref<1000000x64xf32, #tpu.memory_space<hbm>>) dst(%dma_wait3A_760 : memref<128x64xf32, #tpu.memory_space<vmem>>)
      %add3A_768 = arith.constant 6 : i32
      %add3A_769 = arith.addi %mul3A_586, %add3A_768 : i32
      %mul3A_770 = arith.constant 70 : i32
      %mul3A_771 = arith.muli %add3A, %mul3A_770 : i32
      %add3A_772 = arith.addi %mul3A_771, %add3A_769 : i32
      %lt3A_773 = arith.constant 640 : i32
      %lt3A_774 = arith.cmpi slt, %add3A_772, %lt3A_773 : i32
      %convert_element_type3A_775 = arith.extui %lt3A_774 : i1 to i32
      %cond3A_776 = arith.constant 0 : i32
      %cond3A_777 = arith.cmpi ne, %convert_element_type3A_775, %cond3A_776 : i32
      scf.if %cond3A_777 {
        %mul3A_1228 = arith.constant 128 : i32
        %mul3A_1229 = arith.muli %add3A_772, %mul3A_1228 : i32
        %dma_start3A_1230 = arith.constant 6 : i32
        %dma_start3A_1231 = arith.constant 6 : i32
        %dma_start3A_1232 = arith.constant 0 : i32
        %dma_start3A_1233 = arith.constant 0 : i32
        %dma_start3A_1234 = tpu.memref_slice %arg7[%dma_start3A_1230, %dma_start3A_1232, %dma_start3A_1233] : memref<10x128x64xf32, #tpu.memory_space<vmem>> -> memref<1x128x64xf32, #tpu.memory_space<vmem>>
        %dma_start3A_1235 = tpu.memref_squeeze %dma_start3A_1234 : memref<1x128x64xf32, #tpu.memory_space<vmem>> -> memref<128x64xf32, #tpu.memory_space<vmem>>
        %dma_start3A_1236 = arith.constant 0 : i32
        %dma_start3A_1237 = tpu.memref_slice %arg4[%mul3A_1229, %dma_start3A_1236] : memref<81920x64xf32, #tpu.memory_space<hbm>> -> memref<128x64xf32, #tpu.memory_space<hbm>>
        %dma_start3A_1238 = tpu.memref_slice %arg9[%dma_start3A_1231] : memref<10x!tpu.dma_semaphore, #tpu.memory_space<semaphore_mem>> -> memref<1x!tpu.dma_semaphore, #tpu.memory_space<semaphore_mem>>
        %dma_start3A_1239 = tpu.memref_squeeze %dma_start3A_1238 : memref<1x!tpu.dma_semaphore, #tpu.memory_space<semaphore_mem>> -> memref<!tpu.dma_semaphore, #tpu.memory_space<semaphore_mem>>
        %dma_start3A_1240 = arith.constant 0 : i32
        %dma_start3A_1241 = tpu.memref_slice %arg4[%mul3A_1229, %dma_start3A_1240] : memref<81920x64xf32, #tpu.memory_space<hbm>> -> memref<128x64xf32, #tpu.memory_space<hbm>>
        %dma_start3A_1242 = arith.constant 0 : i32
        %dma_start3A_1243 = arith.constant 0 : i32
        %dma_start3A_1244 = tpu.memref_slice %arg7[%dma_start3A_1230, %dma_start3A_1242, %dma_start3A_1243] : memref<10x128x64xf32, #tpu.memory_space<vmem>> -> memref<1x128x64xf32, #tpu.memory_space<vmem>>
        %dma_start3A_1245 = tpu.memref_squeeze %dma_start3A_1244 : memref<1x128x64xf32, #tpu.memory_space<vmem>> -> memref<128x64xf32, #tpu.memory_space<vmem>>
        tpu.enqueue_dma source(%dma_start3A_1245 : memref<128x64xf32, #tpu.memory_space<vmem>>) target(%dma_start3A_1241 : memref<128x64xf32, #tpu.memory_space<hbm>>) target_semaphore(%dma_start3A_1239 : memref<!tpu.dma_semaphore, #tpu.memory_space<semaphore_mem>>)
      } else {
      }
      %ge3A_778 = arith.constant 640 : i32
      %ge3A_779 = arith.cmpi sge, %add3A_772, %ge3A_778 : i32
      %convert_element_type3A_780 = arith.extui %ge3A_779 : i1 to i32
      %cond3A_781 = arith.constant 0 : i32
      %cond3A_782 = arith.cmpi ne, %convert_element_type3A_780, %cond3A_781 : i32
      scf.if %cond3A_782 {
        %sub3A = arith.constant 640 : i32
        %sub3A_1228 = arith.subi %add3A_772, %sub3A : i32
        %mul3A_1229 = arith.constant 128 : i32
        %mul3A_1230 = arith.muli %sub3A_1228, %mul3A_1229 : i32
        %dma_start3A_1231 = arith.constant 6 : i32
        %dma_start3A_1232 = arith.constant 6 : i32
        %dma_start3A_1233 = arith.constant 0 : i32
        %dma_start3A_1234 = arith.constant 0 : i32
        %dma_start3A_1235 = tpu.memref_slice %arg7[%dma_start3A_1231, %dma_start3A_1233, %dma_start3A_1234] : memref<10x128x64xf32, #tpu.memory_space<vmem>> -> memref<1x128x64xf32, #tpu.memory_space<vmem>>
        %dma_start3A_1236 = tpu.memref_squeeze %dma_start3A_1235 : memref<1x128x64xf32, #tpu.memory_space<vmem>> -> memref<128x64xf32, #tpu.memory_space<vmem>>
        %dma_start3A_1237 = arith.constant 0 : i32
        %dma_start3A_1238 = tpu.memref_slice %arg5[%mul3A_1230, %dma_start3A_1237] : memref<204800x64xf32, #tpu.memory_space<hbm>> -> memref<128x64xf32, #tpu.memory_space<hbm>>
        %dma_start3A_1239 = tpu.memref_slice %arg9[%dma_start3A_1232] : memref<10x!tpu.dma_semaphore, #tpu.memory_space<semaphore_mem>> -> memref<1x!tpu.dma_semaphore, #tpu.memory_space<semaphore_mem>>
        %dma_start3A_1240 = tpu.memref_squeeze %dma_start3A_1239 : memref<1x!tpu.dma_semaphore, #tpu.memory_space<semaphore_mem>> -> memref<!tpu.dma_semaphore, #tpu.memory_space<semaphore_mem>>
        %dma_start3A_1241 = arith.constant 0 : i32
        %dma_start3A_1242 = tpu.memref_slice %arg5[%mul3A_1230, %dma_start3A_1241] : memref<204800x64xf32, #tpu.memory_space<hbm>> -> memref<128x64xf32, #tpu.memory_space<hbm>>
        %dma_start3A_1243 = arith.constant 0 : i32
        %dma_start3A_1244 = arith.constant 0 : i32
        %dma_start3A_1245 = tpu.memref_slice %arg7[%dma_start3A_1231, %dma_start3A_1243, %dma_start3A_1244] : memref<10x128x64xf32, #tpu.memory_space<vmem>> -> memref<1x128x64xf32, #tpu.memory_space<vmem>>
        %dma_start3A_1246 = tpu.memref_squeeze %dma_start3A_1245 : memref<1x128x64xf32, #tpu.memory_space<vmem>> -> memref<128x64xf32, #tpu.memory_space<vmem>>
        tpu.enqueue_dma source(%dma_start3A_1246 : memref<128x64xf32, #tpu.memory_space<vmem>>) target(%dma_start3A_1242 : memref<128x64xf32, #tpu.memory_space<hbm>>) target_semaphore(%dma_start3A_1240 : memref<!tpu.dma_semaphore, #tpu.memory_space<semaphore_mem>>)
      } else {
      }
      %dma_wait3A_783 = arith.constant 7 : i32
      %dma_wait3A_784 = arith.constant 7 : i32
      %dma_wait3A_785 = arith.constant 0 : i32
      %dma_wait3A_786 = arith.constant 0 : i32
      %dma_wait3A_787 = tpu.memref_slice %arg7[%dma_wait3A_783, %dma_wait3A_785, %dma_wait3A_786] : memref<10x128x64xf32, #tpu.memory_space<vmem>> -> memref<1x128x64xf32, #tpu.memory_space<vmem>>
      %dma_wait3A_788 = tpu.memref_squeeze %dma_wait3A_787 : memref<1x128x64xf32, #tpu.memory_space<vmem>> -> memref<128x64xf32, #tpu.memory_space<vmem>>
      %dma_wait3A_789 = arith.constant 0 : i32
      %dma_wait3A_790 = tpu.memref_slice %arg6[%dma_wait3A_789] : memref<8960xi32, #tpu.memory_space<vmem>> -> memref<128xi32, #tpu.memory_space<vmem>>
      %dma_wait3A_791 = arith.constant 0 : i32
      %dma_wait3A_792 = arith.constant 0 : i32
      %dma_wait3A_793 = tpu.memref_slice %arg2[%dma_wait3A_791, %dma_wait3A_792] : memref<1000000x64xf32, #tpu.memory_space<hbm>> -> memref<1000000x64xf32, #tpu.memory_space<hbm>>
      %dma_wait3A_794 = tpu.memref_slice %arg8[%dma_wait3A_784] : memref<10x!tpu.dma_semaphore, #tpu.memory_space<semaphore_mem>> -> memref<1x!tpu.dma_semaphore, #tpu.memory_space<semaphore_mem>>
      %dma_wait3A_795 = tpu.memref_squeeze %dma_wait3A_794 : memref<1x!tpu.dma_semaphore, #tpu.memory_space<semaphore_mem>> -> memref<!tpu.dma_semaphore, #tpu.memory_space<semaphore_mem>>
      tpu.wait_indirect_dma semaphore(%dma_wait3A_795 : memref<!tpu.dma_semaphore, #tpu.memory_space<semaphore_mem>>) src(%dma_wait3A_793 : memref<1000000x64xf32, #tpu.memory_space<hbm>>) dst(%dma_wait3A_788 : memref<128x64xf32, #tpu.memory_space<vmem>>)
      %add3A_796 = arith.constant 7 : i32
      %add3A_797 = arith.addi %mul3A_586, %add3A_796 : i32
      %mul3A_798 = arith.constant 70 : i32
      %mul3A_799 = arith.muli %add3A, %mul3A_798 : i32
      %add3A_800 = arith.addi %mul3A_799, %add3A_797 : i32
      %lt3A_801 = arith.constant 640 : i32
      %lt3A_802 = arith.cmpi slt, %add3A_800, %lt3A_801 : i32
      %convert_element_type3A_803 = arith.extui %lt3A_802 : i1 to i32
      %cond3A_804 = arith.constant 0 : i32
      %cond3A_805 = arith.cmpi ne, %convert_element_type3A_803, %cond3A_804 : i32
      scf.if %cond3A_805 {
        %mul3A_1228 = arith.constant 128 : i32
        %mul3A_1229 = arith.muli %add3A_800, %mul3A_1228 : i32
        %dma_start3A_1230 = arith.constant 7 : i32
        %dma_start3A_1231 = arith.constant 7 : i32
        %dma_start3A_1232 = arith.constant 0 : i32
        %dma_start3A_1233 = arith.constant 0 : i32
        %dma_start3A_1234 = tpu.memref_slice %arg7[%dma_start3A_1230, %dma_start3A_1232, %dma_start3A_1233] : memref<10x128x64xf32, #tpu.memory_space<vmem>> -> memref<1x128x64xf32, #tpu.memory_space<vmem>>
        %dma_start3A_1235 = tpu.memref_squeeze %dma_start3A_1234 : memref<1x128x64xf32, #tpu.memory_space<vmem>> -> memref<128x64xf32, #tpu.memory_space<vmem>>
        %dma_start3A_1236 = arith.constant 0 : i32
        %dma_start3A_1237 = tpu.memref_slice %arg4[%mul3A_1229, %dma_start3A_1236] : memref<81920x64xf32, #tpu.memory_space<hbm>> -> memref<128x64xf32, #tpu.memory_space<hbm>>
        %dma_start3A_1238 = tpu.memref_slice %arg9[%dma_start3A_1231] : memref<10x!tpu.dma_semaphore, #tpu.memory_space<semaphore_mem>> -> memref<1x!tpu.dma_semaphore, #tpu.memory_space<semaphore_mem>>
        %dma_start3A_1239 = tpu.memref_squeeze %dma_start3A_1238 : memref<1x!tpu.dma_semaphore, #tpu.memory_space<semaphore_mem>> -> memref<!tpu.dma_semaphore, #tpu.memory_space<semaphore_mem>>
        %dma_start3A_1240 = arith.constant 0 : i32
        %dma_start3A_1241 = tpu.memref_slice %arg4[%mul3A_1229, %dma_start3A_1240] : memref<81920x64xf32, #tpu.memory_space<hbm>> -> memref<128x64xf32, #tpu.memory_space<hbm>>
        %dma_start3A_1242 = arith.constant 0 : i32
        %dma_start3A_1243 = arith.constant 0 : i32
        %dma_start3A_1244 = tpu.memref_slice %arg7[%dma_start3A_1230, %dma_start3A_1242, %dma_start3A_1243] : memref<10x128x64xf32, #tpu.memory_space<vmem>> -> memref<1x128x64xf32, #tpu.memory_space<vmem>>
        %dma_start3A_1245 = tpu.memref_squeeze %dma_start3A_1244 : memref<1x128x64xf32, #tpu.memory_space<vmem>> -> memref<128x64xf32, #tpu.memory_space<vmem>>
        tpu.enqueue_dma source(%dma_start3A_1245 : memref<128x64xf32, #tpu.memory_space<vmem>>) target(%dma_start3A_1241 : memref<128x64xf32, #tpu.memory_space<hbm>>) target_semaphore(%dma_start3A_1239 : memref<!tpu.dma_semaphore, #tpu.memory_space<semaphore_mem>>)
      } else {
      }
      %ge3A_806 = arith.constant 640 : i32
      %ge3A_807 = arith.cmpi sge, %add3A_800, %ge3A_806 : i32
      %convert_element_type3A_808 = arith.extui %ge3A_807 : i1 to i32
      %cond3A_809 = arith.constant 0 : i32
      %cond3A_810 = arith.cmpi ne, %convert_element_type3A_808, %cond3A_809 : i32
      scf.if %cond3A_810 {
        %sub3A = arith.constant 640 : i32
        %sub3A_1228 = arith.subi %add3A_800, %sub3A : i32
        %mul3A_1229 = arith.constant 128 : i32
        %mul3A_1230 = arith.muli %sub3A_1228, %mul3A_1229 : i32
        %dma_start3A_1231 = arith.constant 7 : i32
        %dma_start3A_1232 = arith.constant 7 : i32
        %dma_start3A_1233 = arith.constant 0 : i32
        %dma_start3A_1234 = arith.constant 0 : i32
        %dma_start3A_1235 = tpu.memref_slice %arg7[%dma_start3A_1231, %dma_start3A_1233, %dma_start3A_1234] : memref<10x128x64xf32, #tpu.memory_space<vmem>> -> memref<1x128x64xf32, #tpu.memory_space<vmem>>
        %dma_start3A_1236 = tpu.memref_squeeze %dma_start3A_1235 : memref<1x128x64xf32, #tpu.memory_space<vmem>> -> memref<128x64xf32, #tpu.memory_space<vmem>>
        %dma_start3A_1237 = arith.constant 0 : i32
        %dma_start3A_1238 = tpu.memref_slice %arg5[%mul3A_1230, %dma_start3A_1237] : memref<204800x64xf32, #tpu.memory_space<hbm>> -> memref<128x64xf32, #tpu.memory_space<hbm>>
        %dma_start3A_1239 = tpu.memref_slice %arg9[%dma_start3A_1232] : memref<10x!tpu.dma_semaphore, #tpu.memory_space<semaphore_mem>> -> memref<1x!tpu.dma_semaphore, #tpu.memory_space<semaphore_mem>>
        %dma_start3A_1240 = tpu.memref_squeeze %dma_start3A_1239 : memref<1x!tpu.dma_semaphore, #tpu.memory_space<semaphore_mem>> -> memref<!tpu.dma_semaphore, #tpu.memory_space<semaphore_mem>>
        %dma_start3A_1241 = arith.constant 0 : i32
        %dma_start3A_1242 = tpu.memref_slice %arg5[%mul3A_1230, %dma_start3A_1241] : memref<204800x64xf32, #tpu.memory_space<hbm>> -> memref<128x64xf32, #tpu.memory_space<hbm>>
        %dma_start3A_1243 = arith.constant 0 : i32
        %dma_start3A_1244 = arith.constant 0 : i32
        %dma_start3A_1245 = tpu.memref_slice %arg7[%dma_start3A_1231, %dma_start3A_1243, %dma_start3A_1244] : memref<10x128x64xf32, #tpu.memory_space<vmem>> -> memref<1x128x64xf32, #tpu.memory_space<vmem>>
        %dma_start3A_1246 = tpu.memref_squeeze %dma_start3A_1245 : memref<1x128x64xf32, #tpu.memory_space<vmem>> -> memref<128x64xf32, #tpu.memory_space<vmem>>
        tpu.enqueue_dma source(%dma_start3A_1246 : memref<128x64xf32, #tpu.memory_space<vmem>>) target(%dma_start3A_1242 : memref<128x64xf32, #tpu.memory_space<hbm>>) target_semaphore(%dma_start3A_1240 : memref<!tpu.dma_semaphore, #tpu.memory_space<semaphore_mem>>)
      } else {
      }
      %dma_wait3A_811 = arith.constant 8 : i32
      %dma_wait3A_812 = arith.constant 8 : i32
      %dma_wait3A_813 = arith.constant 0 : i32
      %dma_wait3A_814 = arith.constant 0 : i32
      %dma_wait3A_815 = tpu.memref_slice %arg7[%dma_wait3A_811, %dma_wait3A_813, %dma_wait3A_814] : memref<10x128x64xf32, #tpu.memory_space<vmem>> -> memref<1x128x64xf32, #tpu.memory_space<vmem>>
      %dma_wait3A_816 = tpu.memref_squeeze %dma_wait3A_815 : memref<1x128x64xf32, #tpu.memory_space<vmem>> -> memref<128x64xf32, #tpu.memory_space<vmem>>
      %dma_wait3A_817 = arith.constant 0 : i32
      %dma_wait3A_818 = tpu.memref_slice %arg6[%dma_wait3A_817] : memref<8960xi32, #tpu.memory_space<vmem>> -> memref<128xi32, #tpu.memory_space<vmem>>
      %dma_wait3A_819 = arith.constant 0 : i32
      %dma_wait3A_820 = arith.constant 0 : i32
      %dma_wait3A_821 = tpu.memref_slice %arg2[%dma_wait3A_819, %dma_wait3A_820] : memref<1000000x64xf32, #tpu.memory_space<hbm>> -> memref<1000000x64xf32, #tpu.memory_space<hbm>>
      %dma_wait3A_822 = tpu.memref_slice %arg8[%dma_wait3A_812] : memref<10x!tpu.dma_semaphore, #tpu.memory_space<semaphore_mem>> -> memref<1x!tpu.dma_semaphore, #tpu.memory_space<semaphore_mem>>
      %dma_wait3A_823 = tpu.memref_squeeze %dma_wait3A_822 : memref<1x!tpu.dma_semaphore, #tpu.memory_space<semaphore_mem>> -> memref<!tpu.dma_semaphore, #tpu.memory_space<semaphore_mem>>
      tpu.wait_indirect_dma semaphore(%dma_wait3A_823 : memref<!tpu.dma_semaphore, #tpu.memory_space<semaphore_mem>>) src(%dma_wait3A_821 : memref<1000000x64xf32, #tpu.memory_space<hbm>>) dst(%dma_wait3A_816 : memref<128x64xf32, #tpu.memory_space<vmem>>)
      %add3A_824 = arith.constant 8 : i32
      %add3A_825 = arith.addi %mul3A_586, %add3A_824 : i32
      %mul3A_826 = arith.constant 70 : i32
      %mul3A_827 = arith.muli %add3A, %mul3A_826 : i32
      %add3A_828 = arith.addi %mul3A_827, %add3A_825 : i32
      %lt3A_829 = arith.constant 640 : i32
      %lt3A_830 = arith.cmpi slt, %add3A_828, %lt3A_829 : i32
      %convert_element_type3A_831 = arith.extui %lt3A_830 : i1 to i32
      %cond3A_832 = arith.constant 0 : i32
      %cond3A_833 = arith.cmpi ne, %convert_element_type3A_831, %cond3A_832 : i32
      scf.if %cond3A_833 {
        %mul3A_1228 = arith.constant 128 : i32
        %mul3A_1229 = arith.muli %add3A_828, %mul3A_1228 : i32
        %dma_start3A_1230 = arith.constant 8 : i32
        %dma_start3A_1231 = arith.constant 8 : i32
        %dma_start3A_1232 = arith.constant 0 : i32
        %dma_start3A_1233 = arith.constant 0 : i32
        %dma_start3A_1234 = tpu.memref_slice %arg7[%dma_start3A_1230, %dma_start3A_1232, %dma_start3A_1233] : memref<10x128x64xf32, #tpu.memory_space<vmem>> -> memref<1x128x64xf32, #tpu.memory_space<vmem>>
        %dma_start3A_1235 = tpu.memref_squeeze %dma_start3A_1234 : memref<1x128x64xf32, #tpu.memory_space<vmem>> -> memref<128x64xf32, #tpu.memory_space<vmem>>
        %dma_start3A_1236 = arith.constant 0 : i32
        %dma_start3A_1237 = tpu.memref_slice %arg4[%mul3A_1229, %dma_start3A_1236] : memref<81920x64xf32, #tpu.memory_space<hbm>> -> memref<128x64xf32, #tpu.memory_space<hbm>>
        %dma_start3A_1238 = tpu.memref_slice %arg9[%dma_start3A_1231] : memref<10x!tpu.dma_semaphore, #tpu.memory_space<semaphore_mem>> -> memref<1x!tpu.dma_semaphore, #tpu.memory_space<semaphore_mem>>
        %dma_start3A_1239 = tpu.memref_squeeze %dma_start3A_1238 : memref<1x!tpu.dma_semaphore, #tpu.memory_space<semaphore_mem>> -> memref<!tpu.dma_semaphore, #tpu.memory_space<semaphore_mem>>
        %dma_start3A_1240 = arith.constant 0 : i32
        %dma_start3A_1241 = tpu.memref_slice %arg4[%mul3A_1229, %dma_start3A_1240] : memref<81920x64xf32, #tpu.memory_space<hbm>> -> memref<128x64xf32, #tpu.memory_space<hbm>>
        %dma_start3A_1242 = arith.constant 0 : i32
        %dma_start3A_1243 = arith.constant 0 : i32
        %dma_start3A_1244 = tpu.memref_slice %arg7[%dma_start3A_1230, %dma_start3A_1242, %dma_start3A_1243] : memref<10x128x64xf32, #tpu.memory_space<vmem>> -> memref<1x128x64xf32, #tpu.memory_space<vmem>>
        %dma_start3A_1245 = tpu.memref_squeeze %dma_start3A_1244 : memref<1x128x64xf32, #tpu.memory_space<vmem>> -> memref<128x64xf32, #tpu.memory_space<vmem>>
        tpu.enqueue_dma source(%dma_start3A_1245 : memref<128x64xf32, #tpu.memory_space<vmem>>) target(%dma_start3A_1241 : memref<128x64xf32, #tpu.memory_space<hbm>>) target_semaphore(%dma_start3A_1239 : memref<!tpu.dma_semaphore, #tpu.memory_space<semaphore_mem>>)
      } else {
      }
      %ge3A_834 = arith.constant 640 : i32
      %ge3A_835 = arith.cmpi sge, %add3A_828, %ge3A_834 : i32
      %convert_element_type3A_836 = arith.extui %ge3A_835 : i1 to i32
      %cond3A_837 = arith.constant 0 : i32
      %cond3A_838 = arith.cmpi ne, %convert_element_type3A_836, %cond3A_837 : i32
      scf.if %cond3A_838 {
        %sub3A = arith.constant 640 : i32
        %sub3A_1228 = arith.subi %add3A_828, %sub3A : i32
        %mul3A_1229 = arith.constant 128 : i32
        %mul3A_1230 = arith.muli %sub3A_1228, %mul3A_1229 : i32
        %dma_start3A_1231 = arith.constant 8 : i32
        %dma_start3A_1232 = arith.constant 8 : i32
        %dma_start3A_1233 = arith.constant 0 : i32
        %dma_start3A_1234 = arith.constant 0 : i32
        %dma_start3A_1235 = tpu.memref_slice %arg7[%dma_start3A_1231, %dma_start3A_1233, %dma_start3A_1234] : memref<10x128x64xf32, #tpu.memory_space<vmem>> -> memref<1x128x64xf32, #tpu.memory_space<vmem>>
        %dma_start3A_1236 = tpu.memref_squeeze %dma_start3A_1235 : memref<1x128x64xf32, #tpu.memory_space<vmem>> -> memref<128x64xf32, #tpu.memory_space<vmem>>
        %dma_start3A_1237 = arith.constant 0 : i32
        %dma_start3A_1238 = tpu.memref_slice %arg5[%mul3A_1230, %dma_start3A_1237] : memref<204800x64xf32, #tpu.memory_space<hbm>> -> memref<128x64xf32, #tpu.memory_space<hbm>>
        %dma_start3A_1239 = tpu.memref_slice %arg9[%dma_start3A_1232] : memref<10x!tpu.dma_semaphore, #tpu.memory_space<semaphore_mem>> -> memref<1x!tpu.dma_semaphore, #tpu.memory_space<semaphore_mem>>
        %dma_start3A_1240 = tpu.memref_squeeze %dma_start3A_1239 : memref<1x!tpu.dma_semaphore, #tpu.memory_space<semaphore_mem>> -> memref<!tpu.dma_semaphore, #tpu.memory_space<semaphore_mem>>
        %dma_start3A_1241 = arith.constant 0 : i32
        %dma_start3A_1242 = tpu.memref_slice %arg5[%mul3A_1230, %dma_start3A_1241] : memref<204800x64xf32, #tpu.memory_space<hbm>> -> memref<128x64xf32, #tpu.memory_space<hbm>>
        %dma_start3A_1243 = arith.constant 0 : i32
        %dma_start3A_1244 = arith.constant 0 : i32
        %dma_start3A_1245 = tpu.memref_slice %arg7[%dma_start3A_1231, %dma_start3A_1243, %dma_start3A_1244] : memref<10x128x64xf32, #tpu.memory_space<vmem>> -> memref<1x128x64xf32, #tpu.memory_space<vmem>>
        %dma_start3A_1246 = tpu.memref_squeeze %dma_start3A_1245 : memref<1x128x64xf32, #tpu.memory_space<vmem>> -> memref<128x64xf32, #tpu.memory_space<vmem>>
        tpu.enqueue_dma source(%dma_start3A_1246 : memref<128x64xf32, #tpu.memory_space<vmem>>) target(%dma_start3A_1242 : memref<128x64xf32, #tpu.memory_space<hbm>>) target_semaphore(%dma_start3A_1240 : memref<!tpu.dma_semaphore, #tpu.memory_space<semaphore_mem>>)
      } else {
      }
      %dma_wait3A_839 = arith.constant 9 : i32
      %dma_wait3A_840 = arith.constant 9 : i32
      %dma_wait3A_841 = arith.constant 0 : i32
      %dma_wait3A_842 = arith.constant 0 : i32
      %dma_wait3A_843 = tpu.memref_slice %arg7[%dma_wait3A_839, %dma_wait3A_841, %dma_wait3A_842] : memref<10x128x64xf32, #tpu.memory_space<vmem>> -> memref<1x128x64xf32, #tpu.memory_space<vmem>>
      %dma_wait3A_844 = tpu.memref_squeeze %dma_wait3A_843 : memref<1x128x64xf32, #tpu.memory_space<vmem>> -> memref<128x64xf32, #tpu.memory_space<vmem>>
      %dma_wait3A_845 = arith.constant 0 : i32
      %dma_wait3A_846 = tpu.memref_slice %arg6[%dma_wait3A_845] : memref<8960xi32, #tpu.memory_space<vmem>> -> memref<128xi32, #tpu.memory_space<vmem>>
      %dma_wait3A_847 = arith.constant 0 : i32
      %dma_wait3A_848 = arith.constant 0 : i32
      %dma_wait3A_849 = tpu.memref_slice %arg2[%dma_wait3A_847, %dma_wait3A_848] : memref<1000000x64xf32, #tpu.memory_space<hbm>> -> memref<1000000x64xf32, #tpu.memory_space<hbm>>
      %dma_wait3A_850 = tpu.memref_slice %arg8[%dma_wait3A_840] : memref<10x!tpu.dma_semaphore, #tpu.memory_space<semaphore_mem>> -> memref<1x!tpu.dma_semaphore, #tpu.memory_space<semaphore_mem>>
      %dma_wait3A_851 = tpu.memref_squeeze %dma_wait3A_850 : memref<1x!tpu.dma_semaphore, #tpu.memory_space<semaphore_mem>> -> memref<!tpu.dma_semaphore, #tpu.memory_space<semaphore_mem>>
      tpu.wait_indirect_dma semaphore(%dma_wait3A_851 : memref<!tpu.dma_semaphore, #tpu.memory_space<semaphore_mem>>) src(%dma_wait3A_849 : memref<1000000x64xf32, #tpu.memory_space<hbm>>) dst(%dma_wait3A_844 : memref<128x64xf32, #tpu.memory_space<vmem>>)
      %add3A_852 = arith.constant 9 : i32
      %add3A_853 = arith.addi %mul3A_586, %add3A_852 : i32
      %mul3A_854 = arith.constant 70 : i32
      %mul3A_855 = arith.muli %add3A, %mul3A_854 : i32
      %add3A_856 = arith.addi %mul3A_855, %add3A_853 : i32
      %lt3A_857 = arith.constant 640 : i32
      %lt3A_858 = arith.cmpi slt, %add3A_856, %lt3A_857 : i32
      %convert_element_type3A_859 = arith.extui %lt3A_858 : i1 to i32
      %cond3A_860 = arith.constant 0 : i32
      %cond3A_861 = arith.cmpi ne, %convert_element_type3A_859, %cond3A_860 : i32
      scf.if %cond3A_861 {
        %mul3A_1228 = arith.constant 128 : i32
        %mul3A_1229 = arith.muli %add3A_856, %mul3A_1228 : i32
        %dma_start3A_1230 = arith.constant 9 : i32
        %dma_start3A_1231 = arith.constant 9 : i32
        %dma_start3A_1232 = arith.constant 0 : i32
        %dma_start3A_1233 = arith.constant 0 : i32
        %dma_start3A_1234 = tpu.memref_slice %arg7[%dma_start3A_1230, %dma_start3A_1232, %dma_start3A_1233] : memref<10x128x64xf32, #tpu.memory_space<vmem>> -> memref<1x128x64xf32, #tpu.memory_space<vmem>>
        %dma_start3A_1235 = tpu.memref_squeeze %dma_start3A_1234 : memref<1x128x64xf32, #tpu.memory_space<vmem>> -> memref<128x64xf32, #tpu.memory_space<vmem>>
        %dma_start3A_1236 = arith.constant 0 : i32
        %dma_start3A_1237 = tpu.memref_slice %arg4[%mul3A_1229, %dma_start3A_1236] : memref<81920x64xf32, #tpu.memory_space<hbm>> -> memref<128x64xf32, #tpu.memory_space<hbm>>
        %dma_start3A_1238 = tpu.memref_slice %arg9[%dma_start3A_1231] : memref<10x!tpu.dma_semaphore, #tpu.memory_space<semaphore_mem>> -> memref<1x!tpu.dma_semaphore, #tpu.memory_space<semaphore_mem>>
        %dma_start3A_1239 = tpu.memref_squeeze %dma_start3A_1238 : memref<1x!tpu.dma_semaphore, #tpu.memory_space<semaphore_mem>> -> memref<!tpu.dma_semaphore, #tpu.memory_space<semaphore_mem>>
        %dma_start3A_1240 = arith.constant 0 : i32
        %dma_start3A_1241 = tpu.memref_slice %arg4[%mul3A_1229, %dma_start3A_1240] : memref<81920x64xf32, #tpu.memory_space<hbm>> -> memref<128x64xf32, #tpu.memory_space<hbm>>
        %dma_start3A_1242 = arith.constant 0 : i32
        %dma_start3A_1243 = arith.constant 0 : i32
        %dma_start3A_1244 = tpu.memref_slice %arg7[%dma_start3A_1230, %dma_start3A_1242, %dma_start3A_1243] : memref<10x128x64xf32, #tpu.memory_space<vmem>> -> memref<1x128x64xf32, #tpu.memory_space<vmem>>
        %dma_start3A_1245 = tpu.memref_squeeze %dma_start3A_1244 : memref<1x128x64xf32, #tpu.memory_space<vmem>> -> memref<128x64xf32, #tpu.memory_space<vmem>>
        tpu.enqueue_dma source(%dma_start3A_1245 : memref<128x64xf32, #tpu.memory_space<vmem>>) target(%dma_start3A_1241 : memref<128x64xf32, #tpu.memory_space<hbm>>) target_semaphore(%dma_start3A_1239 : memref<!tpu.dma_semaphore, #tpu.memory_space<semaphore_mem>>)
      } else {
      }
      %ge3A_862 = arith.constant 640 : i32
      %ge3A_863 = arith.cmpi sge, %add3A_856, %ge3A_862 : i32
      %convert_element_type3A_864 = arith.extui %ge3A_863 : i1 to i32
      %cond3A_865 = arith.constant 0 : i32
      %cond3A_866 = arith.cmpi ne, %convert_element_type3A_864, %cond3A_865 : i32
      scf.if %cond3A_866 {
        %sub3A = arith.constant 640 : i32
        %sub3A_1228 = arith.subi %add3A_856, %sub3A : i32
        %mul3A_1229 = arith.constant 128 : i32
        %mul3A_1230 = arith.muli %sub3A_1228, %mul3A_1229 : i32
        %dma_start3A_1231 = arith.constant 9 : i32
        %dma_start3A_1232 = arith.constant 9 : i32
        %dma_start3A_1233 = arith.constant 0 : i32
        %dma_start3A_1234 = arith.constant 0 : i32
        %dma_start3A_1235 = tpu.memref_slice %arg7[%dma_start3A_1231, %dma_start3A_1233, %dma_start3A_1234] : memref<10x128x64xf32, #tpu.memory_space<vmem>> -> memref<1x128x64xf32, #tpu.memory_space<vmem>>
        %dma_start3A_1236 = tpu.memref_squeeze %dma_start3A_1235 : memref<1x128x64xf32, #tpu.memory_space<vmem>> -> memref<128x64xf32, #tpu.memory_space<vmem>>
        %dma_start3A_1237 = arith.constant 0 : i32
        %dma_start3A_1238 = tpu.memref_slice %arg5[%mul3A_1230, %dma_start3A_1237] : memref<204800x64xf32, #tpu.memory_space<hbm>> -> memref<128x64xf32, #tpu.memory_space<hbm>>
        %dma_start3A_1239 = tpu.memref_slice %arg9[%dma_start3A_1232] : memref<10x!tpu.dma_semaphore, #tpu.memory_space<semaphore_mem>> -> memref<1x!tpu.dma_semaphore, #tpu.memory_space<semaphore_mem>>
        %dma_start3A_1240 = tpu.memref_squeeze %dma_start3A_1239 : memref<1x!tpu.dma_semaphore, #tpu.memory_space<semaphore_mem>> -> memref<!tpu.dma_semaphore, #tpu.memory_space<semaphore_mem>>
        %dma_start3A_1241 = arith.constant 0 : i32
        %dma_start3A_1242 = tpu.memref_slice %arg5[%mul3A_1230, %dma_start3A_1241] : memref<204800x64xf32, #tpu.memory_space<hbm>> -> memref<128x64xf32, #tpu.memory_space<hbm>>
        %dma_start3A_1243 = arith.constant 0 : i32
        %dma_start3A_1244 = arith.constant 0 : i32
        %dma_start3A_1245 = tpu.memref_slice %arg7[%dma_start3A_1231, %dma_start3A_1243, %dma_start3A_1244] : memref<10x128x64xf32, #tpu.memory_space<vmem>> -> memref<1x128x64xf32, #tpu.memory_space<vmem>>
        %dma_start3A_1246 = tpu.memref_squeeze %dma_start3A_1245 : memref<1x128x64xf32, #tpu.memory_space<vmem>> -> memref<128x64xf32, #tpu.memory_space<vmem>>
        tpu.enqueue_dma source(%dma_start3A_1246 : memref<128x64xf32, #tpu.memory_space<vmem>>) target(%dma_start3A_1242 : memref<128x64xf32, #tpu.memory_space<hbm>>) target_semaphore(%dma_start3A_1240 : memref<!tpu.dma_semaphore, #tpu.memory_space<semaphore_mem>>)
      } else {
      }
      %dma_wait3A_867 = arith.constant 0 : i32
      %dma_wait3A_868 = arith.constant 0 : i32
      %dma_wait3A_869 = arith.constant 0 : i32
      %dma_wait3A_870 = arith.constant 0 : i32
      %dma_wait3A_871 = tpu.memref_slice %arg7[%dma_wait3A_867, %dma_wait3A_869, %dma_wait3A_870] : memref<10x128x64xf32, #tpu.memory_space<vmem>> -> memref<1x128x64xf32, #tpu.memory_space<vmem>>
      %dma_wait3A_872 = tpu.memref_squeeze %dma_wait3A_871 : memref<1x128x64xf32, #tpu.memory_space<vmem>> -> memref<128x64xf32, #tpu.memory_space<vmem>>
      %dma_wait3A_873 = arith.constant 0 : i32
      %dma_wait3A_874 = arith.constant 0 : i32
      %dma_wait3A_875 = tpu.memref_slice %arg4[%dma_wait3A_873, %dma_wait3A_874] : memref<81920x64xf32, #tpu.memory_space<hbm>> -> memref<128x64xf32, #tpu.memory_space<hbm>>
      %dma_wait3A_876 = tpu.memref_slice %arg9[%dma_wait3A_868] : memref<10x!tpu.dma_semaphore, #tpu.memory_space<semaphore_mem>> -> memref<1x!tpu.dma_semaphore, #tpu.memory_space<semaphore_mem>>
      %dma_wait3A_877 = tpu.memref_squeeze %dma_wait3A_876 : memref<1x!tpu.dma_semaphore, #tpu.memory_space<semaphore_mem>> -> memref<!tpu.dma_semaphore, #tpu.memory_space<semaphore_mem>>
      %dma_wait3A_878 = arith.constant 0 : i32
      %dma_wait3A_879 = arith.constant 0 : i32
      %dma_wait3A_880 = tpu.memref_slice %arg4[%dma_wait3A_878, %dma_wait3A_879] : memref<81920x64xf32, #tpu.memory_space<hbm>> -> memref<128x64xf32, #tpu.memory_space<hbm>>
      %dma_wait3A_881 = arith.constant 0 : i32
      %dma_wait3A_882 = arith.constant 0 : i32
      %dma_wait3A_883 = tpu.memref_slice %arg7[%dma_wait3A_867, %dma_wait3A_881, %dma_wait3A_882] : memref<10x128x64xf32, #tpu.memory_space<vmem>> -> memref<1x128x64xf32, #tpu.memory_space<vmem>>
      %dma_wait3A_884 = tpu.memref_squeeze %dma_wait3A_883 : memref<1x128x64xf32, #tpu.memory_space<vmem>> -> memref<128x64xf32, #tpu.memory_space<vmem>>
      tpu.wait_dma2 semaphore(%dma_wait3A_877 : memref<!tpu.dma_semaphore, #tpu.memory_space<semaphore_mem>>) src(%dma_wait3A_884 : memref<128x64xf32, #tpu.memory_space<vmem>>) dst(%dma_wait3A_880 : memref<128x64xf32, #tpu.memory_space<hbm>>)
      %add3A_885 = arith.constant 10 : i32
      %add3A_886 = arith.addi %mul3A_586, %add3A_885 : i32
      %add3A_887 = arith.constant 0 : i32
      %add3A_888 = arith.addi %add3A_886, %add3A_887 : i32
      %mul3A_889 = arith.constant 128 : i32
      %mul3A_890 = arith.muli %add3A_888, %mul3A_889 : i32
      %dma_start3A_891 = arith.constant 0 : i32
      %dma_start3A_892 = arith.constant 0 : i32
      %dma_start3A_893 = arith.constant 0 : i32
      %dma_start3A_894 = arith.constant 0 : i32
      %dma_start3A_895 = tpu.memref_slice %arg7[%dma_start3A_891, %dma_start3A_893, %dma_start3A_894] : memref<10x128x64xf32, #tpu.memory_space<vmem>> -> memref<1x128x64xf32, #tpu.memory_space<vmem>>
      %dma_start3A_896 = tpu.memref_squeeze %dma_start3A_895 : memref<1x128x64xf32, #tpu.memory_space<vmem>> -> memref<128x64xf32, #tpu.memory_space<vmem>>
      %dma_start3A_897 = tpu.memref_slice %arg6[%mul3A_890] : memref<8960xi32, #tpu.memory_space<vmem>> -> memref<128xi32, #tpu.memory_space<vmem>>
      %dma_start3A_898 = arith.constant 0 : i32
      %dma_start3A_899 = arith.constant 0 : i32
      %dma_start3A_900 = tpu.memref_slice %arg2[%dma_start3A_898, %dma_start3A_899] : memref<1000000x64xf32, #tpu.memory_space<hbm>> -> memref<1000000x64xf32, #tpu.memory_space<hbm>>
      %dma_start3A_901 = tpu.memref_slice %arg8[%dma_start3A_892] : memref<10x!tpu.dma_semaphore, #tpu.memory_space<semaphore_mem>> -> memref<1x!tpu.dma_semaphore, #tpu.memory_space<semaphore_mem>>
      %dma_start3A_902 = tpu.memref_squeeze %dma_start3A_901 : memref<1x!tpu.dma_semaphore, #tpu.memory_space<semaphore_mem>> -> memref<!tpu.dma_semaphore, #tpu.memory_space<semaphore_mem>>
      tpu.enqueue_indirect_dma source(%dma_start3A_900 : memref<1000000x64xf32, #tpu.memory_space<hbm>>) target(%dma_start3A_896 : memref<128x64xf32, #tpu.memory_space<vmem>>) offsets(%dma_start3A_897 : memref<128xi32, #tpu.memory_space<vmem>>) semaphore(%dma_start3A_902 : memref<!tpu.dma_semaphore, #tpu.memory_space<semaphore_mem>>)
      %dma_wait3A_903 = arith.constant 1 : i32
      %dma_wait3A_904 = arith.constant 1 : i32
      %dma_wait3A_905 = arith.constant 0 : i32
      %dma_wait3A_906 = arith.constant 0 : i32
      %dma_wait3A_907 = tpu.memref_slice %arg7[%dma_wait3A_903, %dma_wait3A_905, %dma_wait3A_906] : memref<10x128x64xf32, #tpu.memory_space<vmem>> -> memref<1x128x64xf32, #tpu.memory_space<vmem>>
      %dma_wait3A_908 = tpu.memref_squeeze %dma_wait3A_907 : memref<1x128x64xf32, #tpu.memory_space<vmem>> -> memref<128x64xf32, #tpu.memory_space<vmem>>
      %dma_wait3A_909 = arith.constant 0 : i32
      %dma_wait3A_910 = arith.constant 0 : i32
      %dma_wait3A_911 = tpu.memref_slice %arg4[%dma_wait3A_909, %dma_wait3A_910] : memref<81920x64xf32, #tpu.memory_space<hbm>> -> memref<128x64xf32, #tpu.memory_space<hbm>>
      %dma_wait3A_912 = tpu.memref_slice %arg9[%dma_wait3A_904] : memref<10x!tpu.dma_semaphore, #tpu.memory_space<semaphore_mem>> -> memref<1x!tpu.dma_semaphore, #tpu.memory_space<semaphore_mem>>
      %dma_wait3A_913 = tpu.memref_squeeze %dma_wait3A_912 : memref<1x!tpu.dma_semaphore, #tpu.memory_space<semaphore_mem>> -> memref<!tpu.dma_semaphore, #tpu.memory_space<semaphore_mem>>
      %dma_wait3A_914 = arith.constant 0 : i32
      %dma_wait3A_915 = arith.constant 0 : i32
      %dma_wait3A_916 = tpu.memref_slice %arg4[%dma_wait3A_914, %dma_wait3A_915] : memref<81920x64xf32, #tpu.memory_space<hbm>> -> memref<128x64xf32, #tpu.memory_space<hbm>>
      %dma_wait3A_917 = arith.constant 0 : i32
      %dma_wait3A_918 = arith.constant 0 : i32
      %dma_wait3A_919 = tpu.memref_slice %arg7[%dma_wait3A_903, %dma_wait3A_917, %dma_wait3A_918] : memref<10x128x64xf32, #tpu.memory_space<vmem>> -> memref<1x128x64xf32, #tpu.memory_space<vmem>>
      %dma_wait3A_920 = tpu.memref_squeeze %dma_wait3A_919 : memref<1x128x64xf32, #tpu.memory_space<vmem>> -> memref<128x64xf32, #tpu.memory_space<vmem>>
      tpu.wait_dma2 semaphore(%dma_wait3A_913 : memref<!tpu.dma_semaphore, #tpu.memory_space<semaphore_mem>>) src(%dma_wait3A_920 : memref<128x64xf32, #tpu.memory_space<vmem>>) dst(%dma_wait3A_916 : memref<128x64xf32, #tpu.memory_space<hbm>>)
      %add3A_921 = arith.constant 10 : i32
      %add3A_922 = arith.addi %mul3A_586, %add3A_921 : i32
      %add3A_923 = arith.constant 1 : i32
      %add3A_924 = arith.addi %add3A_922, %add3A_923 : i32
      %mul3A_925 = arith.constant 128 : i32
      %mul3A_926 = arith.muli %add3A_924, %mul3A_925 : i32
      %dma_start3A_927 = arith.constant 1 : i32
      %dma_start3A_928 = arith.constant 1 : i32
      %dma_start3A_929 = arith.constant 0 : i32
      %dma_start3A_930 = arith.constant 0 : i32
      %dma_start3A_931 = tpu.memref_slice %arg7[%dma_start3A_927, %dma_start3A_929, %dma_start3A_930] : memref<10x128x64xf32, #tpu.memory_space<vmem>> -> memref<1x128x64xf32, #tpu.memory_space<vmem>>
      %dma_start3A_932 = tpu.memref_squeeze %dma_start3A_931 : memref<1x128x64xf32, #tpu.memory_space<vmem>> -> memref<128x64xf32, #tpu.memory_space<vmem>>
      %dma_start3A_933 = tpu.memref_slice %arg6[%mul3A_926] : memref<8960xi32, #tpu.memory_space<vmem>> -> memref<128xi32, #tpu.memory_space<vmem>>
      %dma_start3A_934 = arith.constant 0 : i32
      %dma_start3A_935 = arith.constant 0 : i32
      %dma_start3A_936 = tpu.memref_slice %arg2[%dma_start3A_934, %dma_start3A_935] : memref<1000000x64xf32, #tpu.memory_space<hbm>> -> memref<1000000x64xf32, #tpu.memory_space<hbm>>
      %dma_start3A_937 = tpu.memref_slice %arg8[%dma_start3A_928] : memref<10x!tpu.dma_semaphore, #tpu.memory_space<semaphore_mem>> -> memref<1x!tpu.dma_semaphore, #tpu.memory_space<semaphore_mem>>
      %dma_start3A_938 = tpu.memref_squeeze %dma_start3A_937 : memref<1x!tpu.dma_semaphore, #tpu.memory_space<semaphore_mem>> -> memref<!tpu.dma_semaphore, #tpu.memory_space<semaphore_mem>>
      tpu.enqueue_indirect_dma source(%dma_start3A_936 : memref<1000000x64xf32, #tpu.memory_space<hbm>>) target(%dma_start3A_932 : memref<128x64xf32, #tpu.memory_space<vmem>>) offsets(%dma_start3A_933 : memref<128xi32, #tpu.memory_space<vmem>>) semaphore(%dma_start3A_938 : memref<!tpu.dma_semaphore, #tpu.memory_space<semaphore_mem>>)
      %dma_wait3A_939 = arith.constant 2 : i32
      %dma_wait3A_940 = arith.constant 2 : i32
      %dma_wait3A_941 = arith.constant 0 : i32
      %dma_wait3A_942 = arith.constant 0 : i32
      %dma_wait3A_943 = tpu.memref_slice %arg7[%dma_wait3A_939, %dma_wait3A_941, %dma_wait3A_942] : memref<10x128x64xf32, #tpu.memory_space<vmem>> -> memref<1x128x64xf32, #tpu.memory_space<vmem>>
      %dma_wait3A_944 = tpu.memref_squeeze %dma_wait3A_943 : memref<1x128x64xf32, #tpu.memory_space<vmem>> -> memref<128x64xf32, #tpu.memory_space<vmem>>
      %dma_wait3A_945 = arith.constant 0 : i32
      %dma_wait3A_946 = arith.constant 0 : i32
      %dma_wait3A_947 = tpu.memref_slice %arg4[%dma_wait3A_945, %dma_wait3A_946] : memref<81920x64xf32, #tpu.memory_space<hbm>> -> memref<128x64xf32, #tpu.memory_space<hbm>>
      %dma_wait3A_948 = tpu.memref_slice %arg9[%dma_wait3A_940] : memref<10x!tpu.dma_semaphore, #tpu.memory_space<semaphore_mem>> -> memref<1x!tpu.dma_semaphore, #tpu.memory_space<semaphore_mem>>
      %dma_wait3A_949 = tpu.memref_squeeze %dma_wait3A_948 : memref<1x!tpu.dma_semaphore, #tpu.memory_space<semaphore_mem>> -> memref<!tpu.dma_semaphore, #tpu.memory_space<semaphore_mem>>
      %dma_wait3A_950 = arith.constant 0 : i32
      %dma_wait3A_951 = arith.constant 0 : i32
      %dma_wait3A_952 = tpu.memref_slice %arg4[%dma_wait3A_950, %dma_wait3A_951] : memref<81920x64xf32, #tpu.memory_space<hbm>> -> memref<128x64xf32, #tpu.memory_space<hbm>>
      %dma_wait3A_953 = arith.constant 0 : i32
      %dma_wait3A_954 = arith.constant 0 : i32
      %dma_wait3A_955 = tpu.memref_slice %arg7[%dma_wait3A_939, %dma_wait3A_953, %dma_wait3A_954] : memref<10x128x64xf32, #tpu.memory_space<vmem>> -> memref<1x128x64xf32, #tpu.memory_space<vmem>>
      %dma_wait3A_956 = tpu.memref_squeeze %dma_wait3A_955 : memref<1x128x64xf32, #tpu.memory_space<vmem>> -> memref<128x64xf32, #tpu.memory_space<vmem>>
      tpu.wait_dma2 semaphore(%dma_wait3A_949 : memref<!tpu.dma_semaphore, #tpu.memory_space<semaphore_mem>>) src(%dma_wait3A_956 : memref<128x64xf32, #tpu.memory_space<vmem>>) dst(%dma_wait3A_952 : memref<128x64xf32, #tpu.memory_space<hbm>>)
      %add3A_957 = arith.constant 10 : i32
      %add3A_958 = arith.addi %mul3A_586, %add3A_957 : i32
      %add3A_959 = arith.constant 2 : i32
      %add3A_960 = arith.addi %add3A_958, %add3A_959 : i32
      %mul3A_961 = arith.constant 128 : i32
      %mul3A_962 = arith.muli %add3A_960, %mul3A_961 : i32
      %dma_start3A_963 = arith.constant 2 : i32
      %dma_start3A_964 = arith.constant 2 : i32
      %dma_start3A_965 = arith.constant 0 : i32
      %dma_start3A_966 = arith.constant 0 : i32
      %dma_start3A_967 = tpu.memref_slice %arg7[%dma_start3A_963, %dma_start3A_965, %dma_start3A_966] : memref<10x128x64xf32, #tpu.memory_space<vmem>> -> memref<1x128x64xf32, #tpu.memory_space<vmem>>
      %dma_start3A_968 = tpu.memref_squeeze %dma_start3A_967 : memref<1x128x64xf32, #tpu.memory_space<vmem>> -> memref<128x64xf32, #tpu.memory_space<vmem>>
      %dma_start3A_969 = tpu.memref_slice %arg6[%mul3A_962] : memref<8960xi32, #tpu.memory_space<vmem>> -> memref<128xi32, #tpu.memory_space<vmem>>
      %dma_start3A_970 = arith.constant 0 : i32
      %dma_start3A_971 = arith.constant 0 : i32
      %dma_start3A_972 = tpu.memref_slice %arg2[%dma_start3A_970, %dma_start3A_971] : memref<1000000x64xf32, #tpu.memory_space<hbm>> -> memref<1000000x64xf32, #tpu.memory_space<hbm>>
      %dma_start3A_973 = tpu.memref_slice %arg8[%dma_start3A_964] : memref<10x!tpu.dma_semaphore, #tpu.memory_space<semaphore_mem>> -> memref<1x!tpu.dma_semaphore, #tpu.memory_space<semaphore_mem>>
      %dma_start3A_974 = tpu.memref_squeeze %dma_start3A_973 : memref<1x!tpu.dma_semaphore, #tpu.memory_space<semaphore_mem>> -> memref<!tpu.dma_semaphore, #tpu.memory_space<semaphore_mem>>
      tpu.enqueue_indirect_dma source(%dma_start3A_972 : memref<1000000x64xf32, #tpu.memory_space<hbm>>) target(%dma_start3A_968 : memref<128x64xf32, #tpu.memory_space<vmem>>) offsets(%dma_start3A_969 : memref<128xi32, #tpu.memory_space<vmem>>) semaphore(%dma_start3A_974 : memref<!tpu.dma_semaphore, #tpu.memory_space<semaphore_mem>>)
      %dma_wait3A_975 = arith.constant 3 : i32
      %dma_wait3A_976 = arith.constant 3 : i32
      %dma_wait3A_977 = arith.constant 0 : i32
      %dma_wait3A_978 = arith.constant 0 : i32
      %dma_wait3A_979 = tpu.memref_slice %arg7[%dma_wait3A_975, %dma_wait3A_977, %dma_wait3A_978] : memref<10x128x64xf32, #tpu.memory_space<vmem>> -> memref<1x128x64xf32, #tpu.memory_space<vmem>>
      %dma_wait3A_980 = tpu.memref_squeeze %dma_wait3A_979 : memref<1x128x64xf32, #tpu.memory_space<vmem>> -> memref<128x64xf32, #tpu.memory_space<vmem>>
      %dma_wait3A_981 = arith.constant 0 : i32
      %dma_wait3A_982 = arith.constant 0 : i32
      %dma_wait3A_983 = tpu.memref_slice %arg4[%dma_wait3A_981, %dma_wait3A_982] : memref<81920x64xf32, #tpu.memory_space<hbm>> -> memref<128x64xf32, #tpu.memory_space<hbm>>
      %dma_wait3A_984 = tpu.memref_slice %arg9[%dma_wait3A_976] : memref<10x!tpu.dma_semaphore, #tpu.memory_space<semaphore_mem>> -> memref<1x!tpu.dma_semaphore, #tpu.memory_space<semaphore_mem>>
      %dma_wait3A_985 = tpu.memref_squeeze %dma_wait3A_984 : memref<1x!tpu.dma_semaphore, #tpu.memory_space<semaphore_mem>> -> memref<!tpu.dma_semaphore, #tpu.memory_space<semaphore_mem>>
      %dma_wait3A_986 = arith.constant 0 : i32
      %dma_wait3A_987 = arith.constant 0 : i32
      %dma_wait3A_988 = tpu.memref_slice %arg4[%dma_wait3A_986, %dma_wait3A_987] : memref<81920x64xf32, #tpu.memory_space<hbm>> -> memref<128x64xf32, #tpu.memory_space<hbm>>
      %dma_wait3A_989 = arith.constant 0 : i32
      %dma_wait3A_990 = arith.constant 0 : i32
      %dma_wait3A_991 = tpu.memref_slice %arg7[%dma_wait3A_975, %dma_wait3A_989, %dma_wait3A_990] : memref<10x128x64xf32, #tpu.memory_space<vmem>> -> memref<1x128x64xf32, #tpu.memory_space<vmem>>
      %dma_wait3A_992 = tpu.memref_squeeze %dma_wait3A_991 : memref<1x128x64xf32, #tpu.memory_space<vmem>> -> memref<128x64xf32, #tpu.memory_space<vmem>>
      tpu.wait_dma2 semaphore(%dma_wait3A_985 : memref<!tpu.dma_semaphore, #tpu.memory_space<semaphore_mem>>) src(%dma_wait3A_992 : memref<128x64xf32, #tpu.memory_space<vmem>>) dst(%dma_wait3A_988 : memref<128x64xf32, #tpu.memory_space<hbm>>)
      %add3A_993 = arith.constant 10 : i32
      %add3A_994 = arith.addi %mul3A_586, %add3A_993 : i32
      %add3A_995 = arith.constant 3 : i32
      %add3A_996 = arith.addi %add3A_994, %add3A_995 : i32
      %mul3A_997 = arith.constant 128 : i32
      %mul3A_998 = arith.muli %add3A_996, %mul3A_997 : i32
      %dma_start3A_999 = arith.constant 3 : i32
      %dma_start3A_1000 = arith.constant 3 : i32
      %dma_start3A_1001 = arith.constant 0 : i32
      %dma_start3A_1002 = arith.constant 0 : i32
      %dma_start3A_1003 = tpu.memref_slice %arg7[%dma_start3A_999, %dma_start3A_1001, %dma_start3A_1002] : memref<10x128x64xf32, #tpu.memory_space<vmem>> -> memref<1x128x64xf32, #tpu.memory_space<vmem>>
      %dma_start3A_1004 = tpu.memref_squeeze %dma_start3A_1003 : memref<1x128x64xf32, #tpu.memory_space<vmem>> -> memref<128x64xf32, #tpu.memory_space<vmem>>
      %dma_start3A_1005 = tpu.memref_slice %arg6[%mul3A_998] : memref<8960xi32, #tpu.memory_space<vmem>> -> memref<128xi32, #tpu.memory_space<vmem>>
      %dma_start3A_1006 = arith.constant 0 : i32
      %dma_start3A_1007 = arith.constant 0 : i32
      %dma_start3A_1008 = tpu.memref_slice %arg2[%dma_start3A_1006, %dma_start3A_1007] : memref<1000000x64xf32, #tpu.memory_space<hbm>> -> memref<1000000x64xf32, #tpu.memory_space<hbm>>
      %dma_start3A_1009 = tpu.memref_slice %arg8[%dma_start3A_1000] : memref<10x!tpu.dma_semaphore, #tpu.memory_space<semaphore_mem>> -> memref<1x!tpu.dma_semaphore, #tpu.memory_space<semaphore_mem>>
      %dma_start3A_1010 = tpu.memref_squeeze %dma_start3A_1009 : memref<1x!tpu.dma_semaphore, #tpu.memory_space<semaphore_mem>> -> memref<!tpu.dma_semaphore, #tpu.memory_space<semaphore_mem>>
      tpu.enqueue_indirect_dma source(%dma_start3A_1008 : memref<1000000x64xf32, #tpu.memory_space<hbm>>) target(%dma_start3A_1004 : memref<128x64xf32, #tpu.memory_space<vmem>>) offsets(%dma_start3A_1005 : memref<128xi32, #tpu.memory_space<vmem>>) semaphore(%dma_start3A_1010 : memref<!tpu.dma_semaphore, #tpu.memory_space<semaphore_mem>>)
      %dma_wait3A_1011 = arith.constant 4 : i32
      %dma_wait3A_1012 = arith.constant 4 : i32
      %dma_wait3A_1013 = arith.constant 0 : i32
      %dma_wait3A_1014 = arith.constant 0 : i32
      %dma_wait3A_1015 = tpu.memref_slice %arg7[%dma_wait3A_1011, %dma_wait3A_1013, %dma_wait3A_1014] : memref<10x128x64xf32, #tpu.memory_space<vmem>> -> memref<1x128x64xf32, #tpu.memory_space<vmem>>
      %dma_wait3A_1016 = tpu.memref_squeeze %dma_wait3A_1015 : memref<1x128x64xf32, #tpu.memory_space<vmem>> -> memref<128x64xf32, #tpu.memory_space<vmem>>
      %dma_wait3A_1017 = arith.constant 0 : i32
      %dma_wait3A_1018 = arith.constant 0 : i32
      %dma_wait3A_1019 = tpu.memref_slice %arg4[%dma_wait3A_1017, %dma_wait3A_1018] : memref<81920x64xf32, #tpu.memory_space<hbm>> -> memref<128x64xf32, #tpu.memory_space<hbm>>
      %dma_wait3A_1020 = tpu.memref_slice %arg9[%dma_wait3A_1012] : memref<10x!tpu.dma_semaphore, #tpu.memory_space<semaphore_mem>> -> memref<1x!tpu.dma_semaphore, #tpu.memory_space<semaphore_mem>>
      %dma_wait3A_1021 = tpu.memref_squeeze %dma_wait3A_1020 : memref<1x!tpu.dma_semaphore, #tpu.memory_space<semaphore_mem>> -> memref<!tpu.dma_semaphore, #tpu.memory_space<semaphore_mem>>
      %dma_wait3A_1022 = arith.constant 0 : i32
      %dma_wait3A_1023 = arith.constant 0 : i32
      %dma_wait3A_1024 = tpu.memref_slice %arg4[%dma_wait3A_1022, %dma_wait3A_1023] : memref<81920x64xf32, #tpu.memory_space<hbm>> -> memref<128x64xf32, #tpu.memory_space<hbm>>
      %dma_wait3A_1025 = arith.constant 0 : i32
      %dma_wait3A_1026 = arith.constant 0 : i32
      %dma_wait3A_1027 = tpu.memref_slice %arg7[%dma_wait3A_1011, %dma_wait3A_1025, %dma_wait3A_1026] : memref<10x128x64xf32, #tpu.memory_space<vmem>> -> memref<1x128x64xf32, #tpu.memory_space<vmem>>
      %dma_wait3A_1028 = tpu.memref_squeeze %dma_wait3A_1027 : memref<1x128x64xf32, #tpu.memory_space<vmem>> -> memref<128x64xf32, #tpu.memory_space<vmem>>
      tpu.wait_dma2 semaphore(%dma_wait3A_1021 : memref<!tpu.dma_semaphore, #tpu.memory_space<semaphore_mem>>) src(%dma_wait3A_1028 : memref<128x64xf32, #tpu.memory_space<vmem>>) dst(%dma_wait3A_1024 : memref<128x64xf32, #tpu.memory_space<hbm>>)
      %add3A_1029 = arith.constant 10 : i32
      %add3A_1030 = arith.addi %mul3A_586, %add3A_1029 : i32
      %add3A_1031 = arith.constant 4 : i32
      %add3A_1032 = arith.addi %add3A_1030, %add3A_1031 : i32
      %mul3A_1033 = arith.constant 128 : i32
      %mul3A_1034 = arith.muli %add3A_1032, %mul3A_1033 : i32
      %dma_start3A_1035 = arith.constant 4 : i32
      %dma_start3A_1036 = arith.constant 4 : i32
      %dma_start3A_1037 = arith.constant 0 : i32
      %dma_start3A_1038 = arith.constant 0 : i32
      %dma_start3A_1039 = tpu.memref_slice %arg7[%dma_start3A_1035, %dma_start3A_1037, %dma_start3A_1038] : memref<10x128x64xf32, #tpu.memory_space<vmem>> -> memref<1x128x64xf32, #tpu.memory_space<vmem>>
      %dma_start3A_1040 = tpu.memref_squeeze %dma_start3A_1039 : memref<1x128x64xf32, #tpu.memory_space<vmem>> -> memref<128x64xf32, #tpu.memory_space<vmem>>
      %dma_start3A_1041 = tpu.memref_slice %arg6[%mul3A_1034] : memref<8960xi32, #tpu.memory_space<vmem>> -> memref<128xi32, #tpu.memory_space<vmem>>
      %dma_start3A_1042 = arith.constant 0 : i32
      %dma_start3A_1043 = arith.constant 0 : i32
      %dma_start3A_1044 = tpu.memref_slice %arg2[%dma_start3A_1042, %dma_start3A_1043] : memref<1000000x64xf32, #tpu.memory_space<hbm>> -> memref<1000000x64xf32, #tpu.memory_space<hbm>>
      %dma_start3A_1045 = tpu.memref_slice %arg8[%dma_start3A_1036] : memref<10x!tpu.dma_semaphore, #tpu.memory_space<semaphore_mem>> -> memref<1x!tpu.dma_semaphore, #tpu.memory_space<semaphore_mem>>
      %dma_start3A_1046 = tpu.memref_squeeze %dma_start3A_1045 : memref<1x!tpu.dma_semaphore, #tpu.memory_space<semaphore_mem>> -> memref<!tpu.dma_semaphore, #tpu.memory_space<semaphore_mem>>
      tpu.enqueue_indirect_dma source(%dma_start3A_1044 : memref<1000000x64xf32, #tpu.memory_space<hbm>>) target(%dma_start3A_1040 : memref<128x64xf32, #tpu.memory_space<vmem>>) offsets(%dma_start3A_1041 : memref<128xi32, #tpu.memory_space<vmem>>) semaphore(%dma_start3A_1046 : memref<!tpu.dma_semaphore, #tpu.memory_space<semaphore_mem>>)
      %dma_wait3A_1047 = arith.constant 5 : i32
      %dma_wait3A_1048 = arith.constant 5 : i32
      %dma_wait3A_1049 = arith.constant 0 : i32
      %dma_wait3A_1050 = arith.constant 0 : i32
      %dma_wait3A_1051 = tpu.memref_slice %arg7[%dma_wait3A_1047, %dma_wait3A_1049, %dma_wait3A_1050] : memref<10x128x64xf32, #tpu.memory_space<vmem>> -> memref<1x128x64xf32, #tpu.memory_space<vmem>>
      %dma_wait3A_1052 = tpu.memref_squeeze %dma_wait3A_1051 : memref<1x128x64xf32, #tpu.memory_space<vmem>> -> memref<128x64xf32, #tpu.memory_space<vmem>>
      %dma_wait3A_1053 = arith.constant 0 : i32
      %dma_wait3A_1054 = arith.constant 0 : i32
      %dma_wait3A_1055 = tpu.memref_slice %arg4[%dma_wait3A_1053, %dma_wait3A_1054] : memref<81920x64xf32, #tpu.memory_space<hbm>> -> memref<128x64xf32, #tpu.memory_space<hbm>>
      %dma_wait3A_1056 = tpu.memref_slice %arg9[%dma_wait3A_1048] : memref<10x!tpu.dma_semaphore, #tpu.memory_space<semaphore_mem>> -> memref<1x!tpu.dma_semaphore, #tpu.memory_space<semaphore_mem>>
      %dma_wait3A_1057 = tpu.memref_squeeze %dma_wait3A_1056 : memref<1x!tpu.dma_semaphore, #tpu.memory_space<semaphore_mem>> -> memref<!tpu.dma_semaphore, #tpu.memory_space<semaphore_mem>>
      %dma_wait3A_1058 = arith.constant 0 : i32
      %dma_wait3A_1059 = arith.constant 0 : i32
      %dma_wait3A_1060 = tpu.memref_slice %arg4[%dma_wait3A_1058, %dma_wait3A_1059] : memref<81920x64xf32, #tpu.memory_space<hbm>> -> memref<128x64xf32, #tpu.memory_space<hbm>>
      %dma_wait3A_1061 = arith.constant 0 : i32
      %dma_wait3A_1062 = arith.constant 0 : i32
      %dma_wait3A_1063 = tpu.memref_slice %arg7[%dma_wait3A_1047, %dma_wait3A_1061, %dma_wait3A_1062] : memref<10x128x64xf32, #tpu.memory_space<vmem>> -> memref<1x128x64xf32, #tpu.memory_space<vmem>>
      %dma_wait3A_1064 = tpu.memref_squeeze %dma_wait3A_1063 : memref<1x128x64xf32, #tpu.memory_space<vmem>> -> memref<128x64xf32, #tpu.memory_space<vmem>>
      tpu.wait_dma2 semaphore(%dma_wait3A_1057 : memref<!tpu.dma_semaphore, #tpu.memory_space<semaphore_mem>>) src(%dma_wait3A_1064 : memref<128x64xf32, #tpu.memory_space<vmem>>) dst(%dma_wait3A_1060 : memref<128x64xf32, #tpu.memory_space<hbm>>)
      %add3A_1065 = arith.constant 10 : i32
      %add3A_1066 = arith.addi %mul3A_586, %add3A_1065 : i32
      %add3A_1067 = arith.constant 5 : i32
      %add3A_1068 = arith.addi %add3A_1066, %add3A_1067 : i32
      %mul3A_1069 = arith.constant 128 : i32
      %mul3A_1070 = arith.muli %add3A_1068, %mul3A_1069 : i32
      %dma_start3A_1071 = arith.constant 5 : i32
      %dma_start3A_1072 = arith.constant 5 : i32
      %dma_start3A_1073 = arith.constant 0 : i32
      %dma_start3A_1074 = arith.constant 0 : i32
      %dma_start3A_1075 = tpu.memref_slice %arg7[%dma_start3A_1071, %dma_start3A_1073, %dma_start3A_1074] : memref<10x128x64xf32, #tpu.memory_space<vmem>> -> memref<1x128x64xf32, #tpu.memory_space<vmem>>
      %dma_start3A_1076 = tpu.memref_squeeze %dma_start3A_1075 : memref<1x128x64xf32, #tpu.memory_space<vmem>> -> memref<128x64xf32, #tpu.memory_space<vmem>>
      %dma_start3A_1077 = tpu.memref_slice %arg6[%mul3A_1070] : memref<8960xi32, #tpu.memory_space<vmem>> -> memref<128xi32, #tpu.memory_space<vmem>>
      %dma_start3A_1078 = arith.constant 0 : i32
      %dma_start3A_1079 = arith.constant 0 : i32
      %dma_start3A_1080 = tpu.memref_slice %arg2[%dma_start3A_1078, %dma_start3A_1079] : memref<1000000x64xf32, #tpu.memory_space<hbm>> -> memref<1000000x64xf32, #tpu.memory_space<hbm>>
      %dma_start3A_1081 = tpu.memref_slice %arg8[%dma_start3A_1072] : memref<10x!tpu.dma_semaphore, #tpu.memory_space<semaphore_mem>> -> memref<1x!tpu.dma_semaphore, #tpu.memory_space<semaphore_mem>>
      %dma_start3A_1082 = tpu.memref_squeeze %dma_start3A_1081 : memref<1x!tpu.dma_semaphore, #tpu.memory_space<semaphore_mem>> -> memref<!tpu.dma_semaphore, #tpu.memory_space<semaphore_mem>>
      tpu.enqueue_indirect_dma source(%dma_start3A_1080 : memref<1000000x64xf32, #tpu.memory_space<hbm>>) target(%dma_start3A_1076 : memref<128x64xf32, #tpu.memory_space<vmem>>) offsets(%dma_start3A_1077 : memref<128xi32, #tpu.memory_space<vmem>>) semaphore(%dma_start3A_1082 : memref<!tpu.dma_semaphore, #tpu.memory_space<semaphore_mem>>)
      %dma_wait3A_1083 = arith.constant 6 : i32
      %dma_wait3A_1084 = arith.constant 6 : i32
      %dma_wait3A_1085 = arith.constant 0 : i32
      %dma_wait3A_1086 = arith.constant 0 : i32
      %dma_wait3A_1087 = tpu.memref_slice %arg7[%dma_wait3A_1083, %dma_wait3A_1085, %dma_wait3A_1086] : memref<10x128x64xf32, #tpu.memory_space<vmem>> -> memref<1x128x64xf32, #tpu.memory_space<vmem>>
      %dma_wait3A_1088 = tpu.memref_squeeze %dma_wait3A_1087 : memref<1x128x64xf32, #tpu.memory_space<vmem>> -> memref<128x64xf32, #tpu.memory_space<vmem>>
      %dma_wait3A_1089 = arith.constant 0 : i32
      %dma_wait3A_1090 = arith.constant 0 : i32
      %dma_wait3A_1091 = tpu.memref_slice %arg4[%dma_wait3A_1089, %dma_wait3A_1090] : memref<81920x64xf32, #tpu.memory_space<hbm>> -> memref<128x64xf32, #tpu.memory_space<hbm>>
      %dma_wait3A_1092 = tpu.memref_slice %arg9[%dma_wait3A_1084] : memref<10x!tpu.dma_semaphore, #tpu.memory_space<semaphore_mem>> -> memref<1x!tpu.dma_semaphore, #tpu.memory_space<semaphore_mem>>
      %dma_wait3A_1093 = tpu.memref_squeeze %dma_wait3A_1092 : memref<1x!tpu.dma_semaphore, #tpu.memory_space<semaphore_mem>> -> memref<!tpu.dma_semaphore, #tpu.memory_space<semaphore_mem>>
      %dma_wait3A_1094 = arith.constant 0 : i32
      %dma_wait3A_1095 = arith.constant 0 : i32
      %dma_wait3A_1096 = tpu.memref_slice %arg4[%dma_wait3A_1094, %dma_wait3A_1095] : memref<81920x64xf32, #tpu.memory_space<hbm>> -> memref<128x64xf32, #tpu.memory_space<hbm>>
      %dma_wait3A_1097 = arith.constant 0 : i32
      %dma_wait3A_1098 = arith.constant 0 : i32
      %dma_wait3A_1099 = tpu.memref_slice %arg7[%dma_wait3A_1083, %dma_wait3A_1097, %dma_wait3A_1098] : memref<10x128x64xf32, #tpu.memory_space<vmem>> -> memref<1x128x64xf32, #tpu.memory_space<vmem>>
      %dma_wait3A_1100 = tpu.memref_squeeze %dma_wait3A_1099 : memref<1x128x64xf32, #tpu.memory_space<vmem>> -> memref<128x64xf32, #tpu.memory_space<vmem>>
      tpu.wait_dma2 semaphore(%dma_wait3A_1093 : memref<!tpu.dma_semaphore, #tpu.memory_space<semaphore_mem>>) src(%dma_wait3A_1100 : memref<128x64xf32, #tpu.memory_space<vmem>>) dst(%dma_wait3A_1096 : memref<128x64xf32, #tpu.memory_space<hbm>>)
      %add3A_1101 = arith.constant 10 : i32
      %add3A_1102 = arith.addi %mul3A_586, %add3A_1101 : i32
      %add3A_1103 = arith.constant 6 : i32
      %add3A_1104 = arith.addi %add3A_1102, %add3A_1103 : i32
      %mul3A_1105 = arith.constant 128 : i32
      %mul3A_1106 = arith.muli %add3A_1104, %mul3A_1105 : i32
      %dma_start3A_1107 = arith.constant 6 : i32
      %dma_start3A_1108 = arith.constant 6 : i32
      %dma_start3A_1109 = arith.constant 0 : i32
      %dma_start3A_1110 = arith.constant 0 : i32
      %dma_start3A_1111 = tpu.memref_slice %arg7[%dma_start3A_1107, %dma_start3A_1109, %dma_start3A_1110] : memref<10x128x64xf32, #tpu.memory_space<vmem>> -> memref<1x128x64xf32, #tpu.memory_space<vmem>>
      %dma_start3A_1112 = tpu.memref_squeeze %dma_start3A_1111 : memref<1x128x64xf32, #tpu.memory_space<vmem>> -> memref<128x64xf32, #tpu.memory_space<vmem>>
      %dma_start3A_1113 = tpu.memref_slice %arg6[%mul3A_1106] : memref<8960xi32, #tpu.memory_space<vmem>> -> memref<128xi32, #tpu.memory_space<vmem>>
      %dma_start3A_1114 = arith.constant 0 : i32
      %dma_start3A_1115 = arith.constant 0 : i32
      %dma_start3A_1116 = tpu.memref_slice %arg2[%dma_start3A_1114, %dma_start3A_1115] : memref<1000000x64xf32, #tpu.memory_space<hbm>> -> memref<1000000x64xf32, #tpu.memory_space<hbm>>
      %dma_start3A_1117 = tpu.memref_slice %arg8[%dma_start3A_1108] : memref<10x!tpu.dma_semaphore, #tpu.memory_space<semaphore_mem>> -> memref<1x!tpu.dma_semaphore, #tpu.memory_space<semaphore_mem>>
      %dma_start3A_1118 = tpu.memref_squeeze %dma_start3A_1117 : memref<1x!tpu.dma_semaphore, #tpu.memory_space<semaphore_mem>> -> memref<!tpu.dma_semaphore, #tpu.memory_space<semaphore_mem>>
      tpu.enqueue_indirect_dma source(%dma_start3A_1116 : memref<1000000x64xf32, #tpu.memory_space<hbm>>) target(%dma_start3A_1112 : memref<128x64xf32, #tpu.memory_space<vmem>>) offsets(%dma_start3A_1113 : memref<128xi32, #tpu.memory_space<vmem>>) semaphore(%dma_start3A_1118 : memref<!tpu.dma_semaphore, #tpu.memory_space<semaphore_mem>>)
      %dma_wait3A_1119 = arith.constant 7 : i32
      %dma_wait3A_1120 = arith.constant 7 : i32
      %dma_wait3A_1121 = arith.constant 0 : i32
      %dma_wait3A_1122 = arith.constant 0 : i32
      %dma_wait3A_1123 = tpu.memref_slice %arg7[%dma_wait3A_1119, %dma_wait3A_1121, %dma_wait3A_1122] : memref<10x128x64xf32, #tpu.memory_space<vmem>> -> memref<1x128x64xf32, #tpu.memory_space<vmem>>
      %dma_wait3A_1124 = tpu.memref_squeeze %dma_wait3A_1123 : memref<1x128x64xf32, #tpu.memory_space<vmem>> -> memref<128x64xf32, #tpu.memory_space<vmem>>
      %dma_wait3A_1125 = arith.constant 0 : i32
      %dma_wait3A_1126 = arith.constant 0 : i32
      %dma_wait3A_1127 = tpu.memref_slice %arg4[%dma_wait3A_1125, %dma_wait3A_1126] : memref<81920x64xf32, #tpu.memory_space<hbm>> -> memref<128x64xf32, #tpu.memory_space<hbm>>
      %dma_wait3A_1128 = tpu.memref_slice %arg9[%dma_wait3A_1120] : memref<10x!tpu.dma_semaphore, #tpu.memory_space<semaphore_mem>> -> memref<1x!tpu.dma_semaphore, #tpu.memory_space<semaphore_mem>>
      %dma_wait3A_1129 = tpu.memref_squeeze %dma_wait3A_1128 : memref<1x!tpu.dma_semaphore, #tpu.memory_space<semaphore_mem>> -> memref<!tpu.dma_semaphore, #tpu.memory_space<semaphore_mem>>
      %dma_wait3A_1130 = arith.constant 0 : i32
      %dma_wait3A_1131 = arith.constant 0 : i32
      %dma_wait3A_1132 = tpu.memref_slice %arg4[%dma_wait3A_1130, %dma_wait3A_1131] : memref<81920x64xf32, #tpu.memory_space<hbm>> -> memref<128x64xf32, #tpu.memory_space<hbm>>
      %dma_wait3A_1133 = arith.constant 0 : i32
      %dma_wait3A_1134 = arith.constant 0 : i32
      %dma_wait3A_1135 = tpu.memref_slice %arg7[%dma_wait3A_1119, %dma_wait3A_1133, %dma_wait3A_1134] : memref<10x128x64xf32, #tpu.memory_space<vmem>> -> memref<1x128x64xf32, #tpu.memory_space<vmem>>
      %dma_wait3A_1136 = tpu.memref_squeeze %dma_wait3A_1135 : memref<1x128x64xf32, #tpu.memory_space<vmem>> -> memref<128x64xf32, #tpu.memory_space<vmem>>
      tpu.wait_dma2 semaphore(%dma_wait3A_1129 : memref<!tpu.dma_semaphore, #tpu.memory_space<semaphore_mem>>) src(%dma_wait3A_1136 : memref<128x64xf32, #tpu.memory_space<vmem>>) dst(%dma_wait3A_1132 : memref<128x64xf32, #tpu.memory_space<hbm>>)
      %add3A_1137 = arith.constant 10 : i32
      %add3A_1138 = arith.addi %mul3A_586, %add3A_1137 : i32
      %add3A_1139 = arith.constant 7 : i32
      %add3A_1140 = arith.addi %add3A_1138, %add3A_1139 : i32
      %mul3A_1141 = arith.constant 128 : i32
      %mul3A_1142 = arith.muli %add3A_1140, %mul3A_1141 : i32
      %dma_start3A_1143 = arith.constant 7 : i32
      %dma_start3A_1144 = arith.constant 7 : i32
      %dma_start3A_1145 = arith.constant 0 : i32
      %dma_start3A_1146 = arith.constant 0 : i32
      %dma_start3A_1147 = tpu.memref_slice %arg7[%dma_start3A_1143, %dma_start3A_1145, %dma_start3A_1146] : memref<10x128x64xf32, #tpu.memory_space<vmem>> -> memref<1x128x64xf32, #tpu.memory_space<vmem>>
      %dma_start3A_1148 = tpu.memref_squeeze %dma_start3A_1147 : memref<1x128x64xf32, #tpu.memory_space<vmem>> -> memref<128x64xf32, #tpu.memory_space<vmem>>
      %dma_start3A_1149 = tpu.memref_slice %arg6[%mul3A_1142] : memref<8960xi32, #tpu.memory_space<vmem>> -> memref<128xi32, #tpu.memory_space<vmem>>
      %dma_start3A_1150 = arith.constant 0 : i32
      %dma_start3A_1151 = arith.constant 0 : i32
      %dma_start3A_1152 = tpu.memref_slice %arg2[%dma_start3A_1150, %dma_start3A_1151] : memref<1000000x64xf32, #tpu.memory_space<hbm>> -> memref<1000000x64xf32, #tpu.memory_space<hbm>>
      %dma_start3A_1153 = tpu.memref_slice %arg8[%dma_start3A_1144] : memref<10x!tpu.dma_semaphore, #tpu.memory_space<semaphore_mem>> -> memref<1x!tpu.dma_semaphore, #tpu.memory_space<semaphore_mem>>
      %dma_start3A_1154 = tpu.memref_squeeze %dma_start3A_1153 : memref<1x!tpu.dma_semaphore, #tpu.memory_space<semaphore_mem>> -> memref<!tpu.dma_semaphore, #tpu.memory_space<semaphore_mem>>
      tpu.enqueue_indirect_dma source(%dma_start3A_1152 : memref<1000000x64xf32, #tpu.memory_space<hbm>>) target(%dma_start3A_1148 : memref<128x64xf32, #tpu.memory_space<vmem>>) offsets(%dma_start3A_1149 : memref<128xi32, #tpu.memory_space<vmem>>) semaphore(%dma_start3A_1154 : memref<!tpu.dma_semaphore, #tpu.memory_space<semaphore_mem>>)
      %dma_wait3A_1155 = arith.constant 8 : i32
      %dma_wait3A_1156 = arith.constant 8 : i32
      %dma_wait3A_1157 = arith.constant 0 : i32
      %dma_wait3A_1158 = arith.constant 0 : i32
      %dma_wait3A_1159 = tpu.memref_slice %arg7[%dma_wait3A_1155, %dma_wait3A_1157, %dma_wait3A_1158] : memref<10x128x64xf32, #tpu.memory_space<vmem>> -> memref<1x128x64xf32, #tpu.memory_space<vmem>>
      %dma_wait3A_1160 = tpu.memref_squeeze %dma_wait3A_1159 : memref<1x128x64xf32, #tpu.memory_space<vmem>> -> memref<128x64xf32, #tpu.memory_space<vmem>>
      %dma_wait3A_1161 = arith.constant 0 : i32
      %dma_wait3A_1162 = arith.constant 0 : i32
      %dma_wait3A_1163 = tpu.memref_slice %arg4[%dma_wait3A_1161, %dma_wait3A_1162] : memref<81920x64xf32, #tpu.memory_space<hbm>> -> memref<128x64xf32, #tpu.memory_space<hbm>>
      %dma_wait3A_1164 = tpu.memref_slice %arg9[%dma_wait3A_1156] : memref<10x!tpu.dma_semaphore, #tpu.memory_space<semaphore_mem>> -> memref<1x!tpu.dma_semaphore, #tpu.memory_space<semaphore_mem>>
      %dma_wait3A_1165 = tpu.memref_squeeze %dma_wait3A_1164 : memref<1x!tpu.dma_semaphore, #tpu.memory_space<semaphore_mem>> -> memref<!tpu.dma_semaphore, #tpu.memory_space<semaphore_mem>>
      %dma_wait3A_1166 = arith.constant 0 : i32
      %dma_wait3A_1167 = arith.constant 0 : i32
      %dma_wait3A_1168 = tpu.memref_slice %arg4[%dma_wait3A_1166, %dma_wait3A_1167] : memref<81920x64xf32, #tpu.memory_space<hbm>> -> memref<128x64xf32, #tpu.memory_space<hbm>>
      %dma_wait3A_1169 = arith.constant 0 : i32
      %dma_wait3A_1170 = arith.constant 0 : i32
      %dma_wait3A_1171 = tpu.memref_slice %arg7[%dma_wait3A_1155, %dma_wait3A_1169, %dma_wait3A_1170] : memref<10x128x64xf32, #tpu.memory_space<vmem>> -> memref<1x128x64xf32, #tpu.memory_space<vmem>>
      %dma_wait3A_1172 = tpu.memref_squeeze %dma_wait3A_1171 : memref<1x128x64xf32, #tpu.memory_space<vmem>> -> memref<128x64xf32, #tpu.memory_space<vmem>>
      tpu.wait_dma2 semaphore(%dma_wait3A_1165 : memref<!tpu.dma_semaphore, #tpu.memory_space<semaphore_mem>>) src(%dma_wait3A_1172 : memref<128x64xf32, #tpu.memory_space<vmem>>) dst(%dma_wait3A_1168 : memref<128x64xf32, #tpu.memory_space<hbm>>)
      %add3A_1173 = arith.constant 10 : i32
      %add3A_1174 = arith.addi %mul3A_586, %add3A_1173 : i32
      %add3A_1175 = arith.constant 8 : i32
      %add3A_1176 = arith.addi %add3A_1174, %add3A_1175 : i32
      %mul3A_1177 = arith.constant 128 : i32
      %mul3A_1178 = arith.muli %add3A_1176, %mul3A_1177 : i32
      %dma_start3A_1179 = arith.constant 8 : i32
      %dma_start3A_1180 = arith.constant 8 : i32
      %dma_start3A_1181 = arith.constant 0 : i32
      %dma_start3A_1182 = arith.constant 0 : i32
      %dma_start3A_1183 = tpu.memref_slice %arg7[%dma_start3A_1179, %dma_start3A_1181, %dma_start3A_1182] : memref<10x128x64xf32, #tpu.memory_space<vmem>> -> memref<1x128x64xf32, #tpu.memory_space<vmem>>
      %dma_start3A_1184 = tpu.memref_squeeze %dma_start3A_1183 : memref<1x128x64xf32, #tpu.memory_space<vmem>> -> memref<128x64xf32, #tpu.memory_space<vmem>>
      %dma_start3A_1185 = tpu.memref_slice %arg6[%mul3A_1178] : memref<8960xi32, #tpu.memory_space<vmem>> -> memref<128xi32, #tpu.memory_space<vmem>>
      %dma_start3A_1186 = arith.constant 0 : i32
      %dma_start3A_1187 = arith.constant 0 : i32
      %dma_start3A_1188 = tpu.memref_slice %arg2[%dma_start3A_1186, %dma_start3A_1187] : memref<1000000x64xf32, #tpu.memory_space<hbm>> -> memref<1000000x64xf32, #tpu.memory_space<hbm>>
      %dma_start3A_1189 = tpu.memref_slice %arg8[%dma_start3A_1180] : memref<10x!tpu.dma_semaphore, #tpu.memory_space<semaphore_mem>> -> memref<1x!tpu.dma_semaphore, #tpu.memory_space<semaphore_mem>>
      %dma_start3A_1190 = tpu.memref_squeeze %dma_start3A_1189 : memref<1x!tpu.dma_semaphore, #tpu.memory_space<semaphore_mem>> -> memref<!tpu.dma_semaphore, #tpu.memory_space<semaphore_mem>>
      tpu.enqueue_indirect_dma source(%dma_start3A_1188 : memref<1000000x64xf32, #tpu.memory_space<hbm>>) target(%dma_start3A_1184 : memref<128x64xf32, #tpu.memory_space<vmem>>) offsets(%dma_start3A_1185 : memref<128xi32, #tpu.memory_space<vmem>>) semaphore(%dma_start3A_1190 : memref<!tpu.dma_semaphore, #tpu.memory_space<semaphore_mem>>)
      %dma_wait3A_1191 = arith.constant 9 : i32
      %dma_wait3A_1192 = arith.constant 9 : i32
      %dma_wait3A_1193 = arith.constant 0 : i32
      %dma_wait3A_1194 = arith.constant 0 : i32
      %dma_wait3A_1195 = tpu.memref_slice %arg7[%dma_wait3A_1191, %dma_wait3A_1193, %dma_wait3A_1194] : memref<10x128x64xf32, #tpu.memory_space<vmem>> -> memref<1x128x64xf32, #tpu.memory_space<vmem>>
      %dma_wait3A_1196 = tpu.memref_squeeze %dma_wait3A_1195 : memref<1x128x64xf32, #tpu.memory_space<vmem>> -> memref<128x64xf32, #tpu.memory_space<vmem>>
      %dma_wait3A_1197 = arith.constant 0 : i32
      %dma_wait3A_1198 = arith.constant 0 : i32
      %dma_wait3A_1199 = tpu.memref_slice %arg4[%dma_wait3A_1197, %dma_wait3A_1198] : memref<81920x64xf32, #tpu.memory_space<hbm>> -> memref<128x64xf32, #tpu.memory_space<hbm>>
      %dma_wait3A_1200 = tpu.memref_slice %arg9[%dma_wait3A_1192] : memref<10x!tpu.dma_semaphore, #tpu.memory_space<semaphore_mem>> -> memref<1x!tpu.dma_semaphore, #tpu.memory_space<semaphore_mem>>
      %dma_wait3A_1201 = tpu.memref_squeeze %dma_wait3A_1200 : memref<1x!tpu.dma_semaphore, #tpu.memory_space<semaphore_mem>> -> memref<!tpu.dma_semaphore, #tpu.memory_space<semaphore_mem>>
      %dma_wait3A_1202 = arith.constant 0 : i32
      %dma_wait3A_1203 = arith.constant 0 : i32
      %dma_wait3A_1204 = tpu.memref_slice %arg4[%dma_wait3A_1202, %dma_wait3A_1203] : memref<81920x64xf32, #tpu.memory_space<hbm>> -> memref<128x64xf32, #tpu.memory_space<hbm>>
      %dma_wait3A_1205 = arith.constant 0 : i32
      %dma_wait3A_1206 = arith.constant 0 : i32
      %dma_wait3A_1207 = tpu.memref_slice %arg7[%dma_wait3A_1191, %dma_wait3A_1205, %dma_wait3A_1206] : memref<10x128x64xf32, #tpu.memory_space<vmem>> -> memref<1x128x64xf32, #tpu.memory_space<vmem>>
      %dma_wait3A_1208 = tpu.memref_squeeze %dma_wait3A_1207 : memref<1x128x64xf32, #tpu.memory_space<vmem>> -> memref<128x64xf32, #tpu.memory_space<vmem>>
      tpu.wait_dma2 semaphore(%dma_wait3A_1201 : memref<!tpu.dma_semaphore, #tpu.memory_space<semaphore_mem>>) src(%dma_wait3A_1208 : memref<128x64xf32, #tpu.memory_space<vmem>>) dst(%dma_wait3A_1204 : memref<128x64xf32, #tpu.memory_space<hbm>>)
      %add3A_1209 = arith.constant 10 : i32
      %add3A_1210 = arith.addi %mul3A_586, %add3A_1209 : i32
      %add3A_1211 = arith.constant 9 : i32
      %add3A_1212 = arith.addi %add3A_1210, %add3A_1211 : i32
      %mul3A_1213 = arith.constant 128 : i32
      %mul3A_1214 = arith.muli %add3A_1212, %mul3A_1213 : i32
      %dma_start3A_1215 = arith.constant 9 : i32
      %dma_start3A_1216 = arith.constant 9 : i32
      %dma_start3A_1217 = arith.constant 0 : i32
      %dma_start3A_1218 = arith.constant 0 : i32
      %dma_start3A_1219 = tpu.memref_slice %arg7[%dma_start3A_1215, %dma_start3A_1217, %dma_start3A_1218] : memref<10x128x64xf32, #tpu.memory_space<vmem>> -> memref<1x128x64xf32, #tpu.memory_space<vmem>>
      %dma_start3A_1220 = tpu.memref_squeeze %dma_start3A_1219 : memref<1x128x64xf32, #tpu.memory_space<vmem>> -> memref<128x64xf32, #tpu.memory_space<vmem>>
      %dma_start3A_1221 = tpu.memref_slice %arg6[%mul3A_1214] : memref<8960xi32, #tpu.memory_space<vmem>> -> memref<128xi32, #tpu.memory_space<vmem>>
      %dma_start3A_1222 = arith.constant 0 : i32
      %dma_start3A_1223 = arith.constant 0 : i32
      %dma_start3A_1224 = tpu.memref_slice %arg2[%dma_start3A_1222, %dma_start3A_1223] : memref<1000000x64xf32, #tpu.memory_space<hbm>> -> memref<1000000x64xf32, #tpu.memory_space<hbm>>
      %dma_start3A_1225 = tpu.memref_slice %arg8[%dma_start3A_1216] : memref<10x!tpu.dma_semaphore, #tpu.memory_space<semaphore_mem>> -> memref<1x!tpu.dma_semaphore, #tpu.memory_space<semaphore_mem>>
      %dma_start3A_1226 = tpu.memref_squeeze %dma_start3A_1225 : memref<1x!tpu.dma_semaphore, #tpu.memory_space<semaphore_mem>> -> memref<!tpu.dma_semaphore, #tpu.memory_space<semaphore_mem>>
      tpu.enqueue_indirect_dma source(%dma_start3A_1224 : memref<1000000x64xf32, #tpu.memory_space<hbm>>) target(%dma_start3A_1220 : memref<128x64xf32, #tpu.memory_space<vmem>>) offsets(%dma_start3A_1221 : memref<128xi32, #tpu.memory_space<vmem>>) semaphore(%dma_start3A_1226 : memref<!tpu.dma_semaphore, #tpu.memory_space<semaphore_mem>>)
      %scan3A_1227 = arith.constant 0 : i32
      scf.yield %scan3A_1227 : i32
    }
    %scan3A_137 = arith.constant 6 : i32
    %dma_wait3A = arith.constant 0 : i32
    %dma_wait3A_138 = arith.constant 0 : i32
    %dma_wait3A_139 = arith.constant 0 : i32
    %dma_wait3A_140 = arith.constant 0 : i32
    %dma_wait3A_141 = tpu.memref_slice %arg7[%dma_wait3A, %dma_wait3A_139, %dma_wait3A_140] : memref<10x128x64xf32, #tpu.memory_space<vmem>> -> memref<1x128x64xf32, #tpu.memory_space<vmem>>
    %dma_wait3A_142 = tpu.memref_squeeze %dma_wait3A_141 : memref<1x128x64xf32, #tpu.memory_space<vmem>> -> memref<128x64xf32, #tpu.memory_space<vmem>>
    %dma_wait3A_143 = arith.constant 0 : i32
    %dma_wait3A_144 = tpu.memref_slice %arg6[%dma_wait3A_143] : memref<8960xi32, #tpu.memory_space<vmem>> -> memref<128xi32, #tpu.memory_space<vmem>>
    %dma_wait3A_145 = arith.constant 0 : i32
    %dma_wait3A_146 = arith.constant 0 : i32
    %dma_wait3A_147 = tpu.memref_slice %arg2[%dma_wait3A_145, %dma_wait3A_146] : memref<1000000x64xf32, #tpu.memory_space<hbm>> -> memref<1000000x64xf32, #tpu.memory_space<hbm>>
    %dma_wait3A_148 = tpu.memref_slice %arg8[%dma_wait3A_138] : memref<10x!tpu.dma_semaphore, #tpu.memory_space<semaphore_mem>> -> memref<1x!tpu.dma_semaphore, #tpu.memory_space<semaphore_mem>>
    %dma_wait3A_149 = tpu.memref_squeeze %dma_wait3A_148 : memref<1x!tpu.dma_semaphore, #tpu.memory_space<semaphore_mem>> -> memref<!tpu.dma_semaphore, #tpu.memory_space<semaphore_mem>>
    tpu.wait_indirect_dma semaphore(%dma_wait3A_149 : memref<!tpu.dma_semaphore, #tpu.memory_space<semaphore_mem>>) src(%dma_wait3A_147 : memref<1000000x64xf32, #tpu.memory_space<hbm>>) dst(%dma_wait3A_142 : memref<128x64xf32, #tpu.memory_space<vmem>>)
    %mul3A_150 = arith.constant 70 : i32
    %mul3A_151 = arith.muli %add3A, %mul3A_150 : i32
    %add3A_152 = arith.constant 60 : i32
    %add3A_153 = arith.addi %mul3A_151, %add3A_152 : i32
    %lt3A = arith.constant 640 : i32
    %lt3A_154 = arith.cmpi slt, %add3A_153, %lt3A : i32
    %convert_element_type3A = arith.extui %lt3A_154 : i1 to i32
    %cond3A = arith.constant 0 : i32
    %cond3A_155 = arith.cmpi ne, %convert_element_type3A, %cond3A : i32
    scf.if %cond3A_155 {
      %mul3A_583 = arith.constant 128 : i32
      %mul3A_584 = arith.muli %add3A_153, %mul3A_583 : i32
      %dma_start3A_585 = arith.constant 0 : i32
      %dma_start3A_586 = arith.constant 0 : i32
      %dma_start3A_587 = arith.constant 0 : i32
      %dma_start3A_588 = arith.constant 0 : i32
      %dma_start3A_589 = tpu.memref_slice %arg7[%dma_start3A_585, %dma_start3A_587, %dma_start3A_588] : memref<10x128x64xf32, #tpu.memory_space<vmem>> -> memref<1x128x64xf32, #tpu.memory_space<vmem>>
      %dma_start3A_590 = tpu.memref_squeeze %dma_start3A_589 : memref<1x128x64xf32, #tpu.memory_space<vmem>> -> memref<128x64xf32, #tpu.memory_space<vmem>>
      %dma_start3A_591 = arith.constant 0 : i32
      %dma_start3A_592 = tpu.memref_slice %arg4[%mul3A_584, %dma_start3A_591] : memref<81920x64xf32, #tpu.memory_space<hbm>> -> memref<128x64xf32, #tpu.memory_space<hbm>>
      %dma_start3A_593 = tpu.memref_slice %arg9[%dma_start3A_586] : memref<10x!tpu.dma_semaphore, #tpu.memory_space<semaphore_mem>> -> memref<1x!tpu.dma_semaphore, #tpu.memory_space<semaphore_mem>>
      %dma_start3A_594 = tpu.memref_squeeze %dma_start3A_593 : memref<1x!tpu.dma_semaphore, #tpu.memory_space<semaphore_mem>> -> memref<!tpu.dma_semaphore, #tpu.memory_space<semaphore_mem>>
      %dma_start3A_595 = arith.constant 0 : i32
      %dma_start3A_596 = tpu.memref_slice %arg4[%mul3A_584, %dma_start3A_595] : memref<81920x64xf32, #tpu.memory_space<hbm>> -> memref<128x64xf32, #tpu.memory_space<hbm>>
      %dma_start3A_597 = arith.constant 0 : i32
      %dma_start3A_598 = arith.constant 0 : i32
      %dma_start3A_599 = tpu.memref_slice %arg7[%dma_start3A_585, %dma_start3A_597, %dma_start3A_598] : memref<10x128x64xf32, #tpu.memory_space<vmem>> -> memref<1x128x64xf32, #tpu.memory_space<vmem>>
      %dma_start3A_600 = tpu.memref_squeeze %dma_start3A_599 : memref<1x128x64xf32, #tpu.memory_space<vmem>> -> memref<128x64xf32, #tpu.memory_space<vmem>>
      tpu.enqueue_dma source(%dma_start3A_600 : memref<128x64xf32, #tpu.memory_space<vmem>>) target(%dma_start3A_596 : memref<128x64xf32, #tpu.memory_space<hbm>>) target_semaphore(%dma_start3A_594 : memref<!tpu.dma_semaphore, #tpu.memory_space<semaphore_mem>>)
    } else {
    }
    %ge3A = arith.constant 640 : i32
    %ge3A_156 = arith.cmpi sge, %add3A_153, %ge3A : i32
    %convert_element_type3A_157 = arith.extui %ge3A_156 : i1 to i32
    %cond3A_158 = arith.constant 0 : i32
    %cond3A_159 = arith.cmpi ne, %convert_element_type3A_157, %cond3A_158 : i32
    scf.if %cond3A_159 {
      %sub3A = arith.constant 640 : i32
      %sub3A_583 = arith.subi %add3A_153, %sub3A : i32
      %mul3A_584 = arith.constant 128 : i32
      %mul3A_585 = arith.muli %sub3A_583, %mul3A_584 : i32
      %dma_start3A_586 = arith.constant 0 : i32
      %dma_start3A_587 = arith.constant 0 : i32
      %dma_start3A_588 = arith.constant 0 : i32
      %dma_start3A_589 = arith.constant 0 : i32
      %dma_start3A_590 = tpu.memref_slice %arg7[%dma_start3A_586, %dma_start3A_588, %dma_start3A_589] : memref<10x128x64xf32, #tpu.memory_space<vmem>> -> memref<1x128x64xf32, #tpu.memory_space<vmem>>
      %dma_start3A_591 = tpu.memref_squeeze %dma_start3A_590 : memref<1x128x64xf32, #tpu.memory_space<vmem>> -> memref<128x64xf32, #tpu.memory_space<vmem>>
      %dma_start3A_592 = arith.constant 0 : i32
      %dma_start3A_593 = tpu.memref_slice %arg5[%mul3A_585, %dma_start3A_592] : memref<204800x64xf32, #tpu.memory_space<hbm>> -> memref<128x64xf32, #tpu.memory_space<hbm>>
      %dma_start3A_594 = tpu.memref_slice %arg9[%dma_start3A_587] : memref<10x!tpu.dma_semaphore, #tpu.memory_space<semaphore_mem>> -> memref<1x!tpu.dma_semaphore, #tpu.memory_space<semaphore_mem>>
      %dma_start3A_595 = tpu.memref_squeeze %dma_start3A_594 : memref<1x!tpu.dma_semaphore, #tpu.memory_space<semaphore_mem>> -> memref<!tpu.dma_semaphore, #tpu.memory_space<semaphore_mem>>
      %dma_start3A_596 = arith.constant 0 : i32
      %dma_start3A_597 = tpu.memref_slice %arg5[%mul3A_585, %dma_start3A_596] : memref<204800x64xf32, #tpu.memory_space<hbm>> -> memref<128x64xf32, #tpu.memory_space<hbm>>
      %dma_start3A_598 = arith.constant 0 : i32
      %dma_start3A_599 = arith.constant 0 : i32
      %dma_start3A_600 = tpu.memref_slice %arg7[%dma_start3A_586, %dma_start3A_598, %dma_start3A_599] : memref<10x128x64xf32, #tpu.memory_space<vmem>> -> memref<1x128x64xf32, #tpu.memory_space<vmem>>
      %dma_start3A_601 = tpu.memref_squeeze %dma_start3A_600 : memref<1x128x64xf32, #tpu.memory_space<vmem>> -> memref<128x64xf32, #tpu.memory_space<vmem>>
      tpu.enqueue_dma source(%dma_start3A_601 : memref<128x64xf32, #tpu.memory_space<vmem>>) target(%dma_start3A_597 : memref<128x64xf32, #tpu.memory_space<hbm>>) target_semaphore(%dma_start3A_595 : memref<!tpu.dma_semaphore, #tpu.memory_space<semaphore_mem>>)
    } else {
    }
    %dma_wait3A_160 = arith.constant 1 : i32
    %dma_wait3A_161 = arith.constant 1 : i32
    %dma_wait3A_162 = arith.constant 0 : i32
    %dma_wait3A_163 = arith.constant 0 : i32
    %dma_wait3A_164 = tpu.memref_slice %arg7[%dma_wait3A_160, %dma_wait3A_162, %dma_wait3A_163] : memref<10x128x64xf32, #tpu.memory_space<vmem>> -> memref<1x128x64xf32, #tpu.memory_space<vmem>>
    %dma_wait3A_165 = tpu.memref_squeeze %dma_wait3A_164 : memref<1x128x64xf32, #tpu.memory_space<vmem>> -> memref<128x64xf32, #tpu.memory_space<vmem>>
    %dma_wait3A_166 = arith.constant 0 : i32
    %dma_wait3A_167 = tpu.memref_slice %arg6[%dma_wait3A_166] : memref<8960xi32, #tpu.memory_space<vmem>> -> memref<128xi32, #tpu.memory_space<vmem>>
    %dma_wait3A_168 = arith.constant 0 : i32
    %dma_wait3A_169 = arith.constant 0 : i32
    %dma_wait3A_170 = tpu.memref_slice %arg2[%dma_wait3A_168, %dma_wait3A_169] : memref<1000000x64xf32, #tpu.memory_space<hbm>> -> memref<1000000x64xf32, #tpu.memory_space<hbm>>
    %dma_wait3A_171 = tpu.memref_slice %arg8[%dma_wait3A_161] : memref<10x!tpu.dma_semaphore, #tpu.memory_space<semaphore_mem>> -> memref<1x!tpu.dma_semaphore, #tpu.memory_space<semaphore_mem>>
    %dma_wait3A_172 = tpu.memref_squeeze %dma_wait3A_171 : memref<1x!tpu.dma_semaphore, #tpu.memory_space<semaphore_mem>> -> memref<!tpu.dma_semaphore, #tpu.memory_space<semaphore_mem>>
    tpu.wait_indirect_dma semaphore(%dma_wait3A_172 : memref<!tpu.dma_semaphore, #tpu.memory_space<semaphore_mem>>) src(%dma_wait3A_170 : memref<1000000x64xf32, #tpu.memory_space<hbm>>) dst(%dma_wait3A_165 : memref<128x64xf32, #tpu.memory_space<vmem>>)
    %mul3A_173 = arith.constant 70 : i32
    %mul3A_174 = arith.muli %add3A, %mul3A_173 : i32
    %add3A_175 = arith.constant 61 : i32
    %add3A_176 = arith.addi %mul3A_174, %add3A_175 : i32
    %lt3A_177 = arith.constant 640 : i32
    %lt3A_178 = arith.cmpi slt, %add3A_176, %lt3A_177 : i32
    %convert_element_type3A_179 = arith.extui %lt3A_178 : i1 to i32
    %cond3A_180 = arith.constant 0 : i32
    %cond3A_181 = arith.cmpi ne, %convert_element_type3A_179, %cond3A_180 : i32
    scf.if %cond3A_181 {
      %mul3A_583 = arith.constant 128 : i32
      %mul3A_584 = arith.muli %add3A_176, %mul3A_583 : i32
      %dma_start3A_585 = arith.constant 1 : i32
      %dma_start3A_586 = arith.constant 1 : i32
      %dma_start3A_587 = arith.constant 0 : i32
      %dma_start3A_588 = arith.constant 0 : i32
      %dma_start3A_589 = tpu.memref_slice %arg7[%dma_start3A_585, %dma_start3A_587, %dma_start3A_588] : memref<10x128x64xf32, #tpu.memory_space<vmem>> -> memref<1x128x64xf32, #tpu.memory_space<vmem>>
      %dma_start3A_590 = tpu.memref_squeeze %dma_start3A_589 : memref<1x128x64xf32, #tpu.memory_space<vmem>> -> memref<128x64xf32, #tpu.memory_space<vmem>>
      %dma_start3A_591 = arith.constant 0 : i32
      %dma_start3A_592 = tpu.memref_slice %arg4[%mul3A_584, %dma_start3A_591] : memref<81920x64xf32, #tpu.memory_space<hbm>> -> memref<128x64xf32, #tpu.memory_space<hbm>>
      %dma_start3A_593 = tpu.memref_slice %arg9[%dma_start3A_586] : memref<10x!tpu.dma_semaphore, #tpu.memory_space<semaphore_mem>> -> memref<1x!tpu.dma_semaphore, #tpu.memory_space<semaphore_mem>>
      %dma_start3A_594 = tpu.memref_squeeze %dma_start3A_593 : memref<1x!tpu.dma_semaphore, #tpu.memory_space<semaphore_mem>> -> memref<!tpu.dma_semaphore, #tpu.memory_space<semaphore_mem>>
      %dma_start3A_595 = arith.constant 0 : i32
      %dma_start3A_596 = tpu.memref_slice %arg4[%mul3A_584, %dma_start3A_595] : memref<81920x64xf32, #tpu.memory_space<hbm>> -> memref<128x64xf32, #tpu.memory_space<hbm>>
      %dma_start3A_597 = arith.constant 0 : i32
      %dma_start3A_598 = arith.constant 0 : i32
      %dma_start3A_599 = tpu.memref_slice %arg7[%dma_start3A_585, %dma_start3A_597, %dma_start3A_598] : memref<10x128x64xf32, #tpu.memory_space<vmem>> -> memref<1x128x64xf32, #tpu.memory_space<vmem>>
      %dma_start3A_600 = tpu.memref_squeeze %dma_start3A_599 : memref<1x128x64xf32, #tpu.memory_space<vmem>> -> memref<128x64xf32, #tpu.memory_space<vmem>>
      tpu.enqueue_dma source(%dma_start3A_600 : memref<128x64xf32, #tpu.memory_space<vmem>>) target(%dma_start3A_596 : memref<128x64xf32, #tpu.memory_space<hbm>>) target_semaphore(%dma_start3A_594 : memref<!tpu.dma_semaphore, #tpu.memory_space<semaphore_mem>>)
    } else {
    }
    %ge3A_182 = arith.constant 640 : i32
    %ge3A_183 = arith.cmpi sge, %add3A_176, %ge3A_182 : i32
    %convert_element_type3A_184 = arith.extui %ge3A_183 : i1 to i32
    %cond3A_185 = arith.constant 0 : i32
    %cond3A_186 = arith.cmpi ne, %convert_element_type3A_184, %cond3A_185 : i32
    scf.if %cond3A_186 {
      %sub3A = arith.constant 640 : i32
      %sub3A_583 = arith.subi %add3A_176, %sub3A : i32
      %mul3A_584 = arith.constant 128 : i32
      %mul3A_585 = arith.muli %sub3A_583, %mul3A_584 : i32
      %dma_start3A_586 = arith.constant 1 : i32
      %dma_start3A_587 = arith.constant 1 : i32
      %dma_start3A_588 = arith.constant 0 : i32
      %dma_start3A_589 = arith.constant 0 : i32
      %dma_start3A_590 = tpu.memref_slice %arg7[%dma_start3A_586, %dma_start3A_588, %dma_start3A_589] : memref<10x128x64xf32, #tpu.memory_space<vmem>> -> memref<1x128x64xf32, #tpu.memory_space<vmem>>
      %dma_start3A_591 = tpu.memref_squeeze %dma_start3A_590 : memref<1x128x64xf32, #tpu.memory_space<vmem>> -> memref<128x64xf32, #tpu.memory_space<vmem>>
      %dma_start3A_592 = arith.constant 0 : i32
      %dma_start3A_593 = tpu.memref_slice %arg5[%mul3A_585, %dma_start3A_592] : memref<204800x64xf32, #tpu.memory_space<hbm>> -> memref<128x64xf32, #tpu.memory_space<hbm>>
      %dma_start3A_594 = tpu.memref_slice %arg9[%dma_start3A_587] : memref<10x!tpu.dma_semaphore, #tpu.memory_space<semaphore_mem>> -> memref<1x!tpu.dma_semaphore, #tpu.memory_space<semaphore_mem>>
      %dma_start3A_595 = tpu.memref_squeeze %dma_start3A_594 : memref<1x!tpu.dma_semaphore, #tpu.memory_space<semaphore_mem>> -> memref<!tpu.dma_semaphore, #tpu.memory_space<semaphore_mem>>
      %dma_start3A_596 = arith.constant 0 : i32
      %dma_start3A_597 = tpu.memref_slice %arg5[%mul3A_585, %dma_start3A_596] : memref<204800x64xf32, #tpu.memory_space<hbm>> -> memref<128x64xf32, #tpu.memory_space<hbm>>
      %dma_start3A_598 = arith.constant 0 : i32
      %dma_start3A_599 = arith.constant 0 : i32
      %dma_start3A_600 = tpu.memref_slice %arg7[%dma_start3A_586, %dma_start3A_598, %dma_start3A_599] : memref<10x128x64xf32, #tpu.memory_space<vmem>> -> memref<1x128x64xf32, #tpu.memory_space<vmem>>
      %dma_start3A_601 = tpu.memref_squeeze %dma_start3A_600 : memref<1x128x64xf32, #tpu.memory_space<vmem>> -> memref<128x64xf32, #tpu.memory_space<vmem>>
      tpu.enqueue_dma source(%dma_start3A_601 : memref<128x64xf32, #tpu.memory_space<vmem>>) target(%dma_start3A_597 : memref<128x64xf32, #tpu.memory_space<hbm>>) target_semaphore(%dma_start3A_595 : memref<!tpu.dma_semaphore, #tpu.memory_space<semaphore_mem>>)
    } else {
    }
    %dma_wait3A_187 = arith.constant 2 : i32
    %dma_wait3A_188 = arith.constant 2 : i32
    %dma_wait3A_189 = arith.constant 0 : i32
    %dma_wait3A_190 = arith.constant 0 : i32
    %dma_wait3A_191 = tpu.memref_slice %arg7[%dma_wait3A_187, %dma_wait3A_189, %dma_wait3A_190] : memref<10x128x64xf32, #tpu.memory_space<vmem>> -> memref<1x128x64xf32, #tpu.memory_space<vmem>>
    %dma_wait3A_192 = tpu.memref_squeeze %dma_wait3A_191 : memref<1x128x64xf32, #tpu.memory_space<vmem>> -> memref<128x64xf32, #tpu.memory_space<vmem>>
    %dma_wait3A_193 = arith.constant 0 : i32
    %dma_wait3A_194 = tpu.memref_slice %arg6[%dma_wait3A_193] : memref<8960xi32, #tpu.memory_space<vmem>> -> memref<128xi32, #tpu.memory_space<vmem>>
    %dma_wait3A_195 = arith.constant 0 : i32
    %dma_wait3A_196 = arith.constant 0 : i32
    %dma_wait3A_197 = tpu.memref_slice %arg2[%dma_wait3A_195, %dma_wait3A_196] : memref<1000000x64xf32, #tpu.memory_space<hbm>> -> memref<1000000x64xf32, #tpu.memory_space<hbm>>
    %dma_wait3A_198 = tpu.memref_slice %arg8[%dma_wait3A_188] : memref<10x!tpu.dma_semaphore, #tpu.memory_space<semaphore_mem>> -> memref<1x!tpu.dma_semaphore, #tpu.memory_space<semaphore_mem>>
    %dma_wait3A_199 = tpu.memref_squeeze %dma_wait3A_198 : memref<1x!tpu.dma_semaphore, #tpu.memory_space<semaphore_mem>> -> memref<!tpu.dma_semaphore, #tpu.memory_space<semaphore_mem>>
    tpu.wait_indirect_dma semaphore(%dma_wait3A_199 : memref<!tpu.dma_semaphore, #tpu.memory_space<semaphore_mem>>) src(%dma_wait3A_197 : memref<1000000x64xf32, #tpu.memory_space<hbm>>) dst(%dma_wait3A_192 : memref<128x64xf32, #tpu.memory_space<vmem>>)
    %mul3A_200 = arith.constant 70 : i32
    %mul3A_201 = arith.muli %add3A, %mul3A_200 : i32
    %add3A_202 = arith.constant 62 : i32
    %add3A_203 = arith.addi %mul3A_201, %add3A_202 : i32
    %lt3A_204 = arith.constant 640 : i32
    %lt3A_205 = arith.cmpi slt, %add3A_203, %lt3A_204 : i32
    %convert_element_type3A_206 = arith.extui %lt3A_205 : i1 to i32
    %cond3A_207 = arith.constant 0 : i32
    %cond3A_208 = arith.cmpi ne, %convert_element_type3A_206, %cond3A_207 : i32
    scf.if %cond3A_208 {
      %mul3A_583 = arith.constant 128 : i32
      %mul3A_584 = arith.muli %add3A_203, %mul3A_583 : i32
      %dma_start3A_585 = arith.constant 2 : i32
      %dma_start3A_586 = arith.constant 2 : i32
      %dma_start3A_587 = arith.constant 0 : i32
      %dma_start3A_588 = arith.constant 0 : i32
      %dma_start3A_589 = tpu.memref_slice %arg7[%dma_start3A_585, %dma_start3A_587, %dma_start3A_588] : memref<10x128x64xf32, #tpu.memory_space<vmem>> -> memref<1x128x64xf32, #tpu.memory_space<vmem>>
      %dma_start3A_590 = tpu.memref_squeeze %dma_start3A_589 : memref<1x128x64xf32, #tpu.memory_space<vmem>> -> memref<128x64xf32, #tpu.memory_space<vmem>>
      %dma_start3A_591 = arith.constant 0 : i32
      %dma_start3A_592 = tpu.memref_slice %arg4[%mul3A_584, %dma_start3A_591] : memref<81920x64xf32, #tpu.memory_space<hbm>> -> memref<128x64xf32, #tpu.memory_space<hbm>>
      %dma_start3A_593 = tpu.memref_slice %arg9[%dma_start3A_586] : memref<10x!tpu.dma_semaphore, #tpu.memory_space<semaphore_mem>> -> memref<1x!tpu.dma_semaphore, #tpu.memory_space<semaphore_mem>>
      %dma_start3A_594 = tpu.memref_squeeze %dma_start3A_593 : memref<1x!tpu.dma_semaphore, #tpu.memory_space<semaphore_mem>> -> memref<!tpu.dma_semaphore, #tpu.memory_space<semaphore_mem>>
      %dma_start3A_595 = arith.constant 0 : i32
      %dma_start3A_596 = tpu.memref_slice %arg4[%mul3A_584, %dma_start3A_595] : memref<81920x64xf32, #tpu.memory_space<hbm>> -> memref<128x64xf32, #tpu.memory_space<hbm>>
      %dma_start3A_597 = arith.constant 0 : i32
      %dma_start3A_598 = arith.constant 0 : i32
      %dma_start3A_599 = tpu.memref_slice %arg7[%dma_start3A_585, %dma_start3A_597, %dma_start3A_598] : memref<10x128x64xf32, #tpu.memory_space<vmem>> -> memref<1x128x64xf32, #tpu.memory_space<vmem>>
      %dma_start3A_600 = tpu.memref_squeeze %dma_start3A_599 : memref<1x128x64xf32, #tpu.memory_space<vmem>> -> memref<128x64xf32, #tpu.memory_space<vmem>>
      tpu.enqueue_dma source(%dma_start3A_600 : memref<128x64xf32, #tpu.memory_space<vmem>>) target(%dma_start3A_596 : memref<128x64xf32, #tpu.memory_space<hbm>>) target_semaphore(%dma_start3A_594 : memref<!tpu.dma_semaphore, #tpu.memory_space<semaphore_mem>>)
    } else {
    }
    %ge3A_209 = arith.constant 640 : i32
    %ge3A_210 = arith.cmpi sge, %add3A_203, %ge3A_209 : i32
    %convert_element_type3A_211 = arith.extui %ge3A_210 : i1 to i32
    %cond3A_212 = arith.constant 0 : i32
    %cond3A_213 = arith.cmpi ne, %convert_element_type3A_211, %cond3A_212 : i32
    scf.if %cond3A_213 {
      %sub3A = arith.constant 640 : i32
      %sub3A_583 = arith.subi %add3A_203, %sub3A : i32
      %mul3A_584 = arith.constant 128 : i32
      %mul3A_585 = arith.muli %sub3A_583, %mul3A_584 : i32
      %dma_start3A_586 = arith.constant 2 : i32
      %dma_start3A_587 = arith.constant 2 : i32
      %dma_start3A_588 = arith.constant 0 : i32
      %dma_start3A_589 = arith.constant 0 : i32
      %dma_start3A_590 = tpu.memref_slice %arg7[%dma_start3A_586, %dma_start3A_588, %dma_start3A_589] : memref<10x128x64xf32, #tpu.memory_space<vmem>> -> memref<1x128x64xf32, #tpu.memory_space<vmem>>
      %dma_start3A_591 = tpu.memref_squeeze %dma_start3A_590 : memref<1x128x64xf32, #tpu.memory_space<vmem>> -> memref<128x64xf32, #tpu.memory_space<vmem>>
      %dma_start3A_592 = arith.constant 0 : i32
      %dma_start3A_593 = tpu.memref_slice %arg5[%mul3A_585, %dma_start3A_592] : memref<204800x64xf32, #tpu.memory_space<hbm>> -> memref<128x64xf32, #tpu.memory_space<hbm>>
      %dma_start3A_594 = tpu.memref_slice %arg9[%dma_start3A_587] : memref<10x!tpu.dma_semaphore, #tpu.memory_space<semaphore_mem>> -> memref<1x!tpu.dma_semaphore, #tpu.memory_space<semaphore_mem>>
      %dma_start3A_595 = tpu.memref_squeeze %dma_start3A_594 : memref<1x!tpu.dma_semaphore, #tpu.memory_space<semaphore_mem>> -> memref<!tpu.dma_semaphore, #tpu.memory_space<semaphore_mem>>
      %dma_start3A_596 = arith.constant 0 : i32
      %dma_start3A_597 = tpu.memref_slice %arg5[%mul3A_585, %dma_start3A_596] : memref<204800x64xf32, #tpu.memory_space<hbm>> -> memref<128x64xf32, #tpu.memory_space<hbm>>
      %dma_start3A_598 = arith.constant 0 : i32
      %dma_start3A_599 = arith.constant 0 : i32
      %dma_start3A_600 = tpu.memref_slice %arg7[%dma_start3A_586, %dma_start3A_598, %dma_start3A_599] : memref<10x128x64xf32, #tpu.memory_space<vmem>> -> memref<1x128x64xf32, #tpu.memory_space<vmem>>
      %dma_start3A_601 = tpu.memref_squeeze %dma_start3A_600 : memref<1x128x64xf32, #tpu.memory_space<vmem>> -> memref<128x64xf32, #tpu.memory_space<vmem>>
      tpu.enqueue_dma source(%dma_start3A_601 : memref<128x64xf32, #tpu.memory_space<vmem>>) target(%dma_start3A_597 : memref<128x64xf32, #tpu.memory_space<hbm>>) target_semaphore(%dma_start3A_595 : memref<!tpu.dma_semaphore, #tpu.memory_space<semaphore_mem>>)
    } else {
    }
    %dma_wait3A_214 = arith.constant 3 : i32
    %dma_wait3A_215 = arith.constant 3 : i32
    %dma_wait3A_216 = arith.constant 0 : i32
    %dma_wait3A_217 = arith.constant 0 : i32
    %dma_wait3A_218 = tpu.memref_slice %arg7[%dma_wait3A_214, %dma_wait3A_216, %dma_wait3A_217] : memref<10x128x64xf32, #tpu.memory_space<vmem>> -> memref<1x128x64xf32, #tpu.memory_space<vmem>>
    %dma_wait3A_219 = tpu.memref_squeeze %dma_wait3A_218 : memref<1x128x64xf32, #tpu.memory_space<vmem>> -> memref<128x64xf32, #tpu.memory_space<vmem>>
    %dma_wait3A_220 = arith.constant 0 : i32
    %dma_wait3A_221 = tpu.memref_slice %arg6[%dma_wait3A_220] : memref<8960xi32, #tpu.memory_space<vmem>> -> memref<128xi32, #tpu.memory_space<vmem>>
    %dma_wait3A_222 = arith.constant 0 : i32
    %dma_wait3A_223 = arith.constant 0 : i32
    %dma_wait3A_224 = tpu.memref_slice %arg2[%dma_wait3A_222, %dma_wait3A_223] : memref<1000000x64xf32, #tpu.memory_space<hbm>> -> memref<1000000x64xf32, #tpu.memory_space<hbm>>
    %dma_wait3A_225 = tpu.memref_slice %arg8[%dma_wait3A_215] : memref<10x!tpu.dma_semaphore, #tpu.memory_space<semaphore_mem>> -> memref<1x!tpu.dma_semaphore, #tpu.memory_space<semaphore_mem>>
    %dma_wait3A_226 = tpu.memref_squeeze %dma_wait3A_225 : memref<1x!tpu.dma_semaphore, #tpu.memory_space<semaphore_mem>> -> memref<!tpu.dma_semaphore, #tpu.memory_space<semaphore_mem>>
    tpu.wait_indirect_dma semaphore(%dma_wait3A_226 : memref<!tpu.dma_semaphore, #tpu.memory_space<semaphore_mem>>) src(%dma_wait3A_224 : memref<1000000x64xf32, #tpu.memory_space<hbm>>) dst(%dma_wait3A_219 : memref<128x64xf32, #tpu.memory_space<vmem>>)
    %mul3A_227 = arith.constant 70 : i32
    %mul3A_228 = arith.muli %add3A, %mul3A_227 : i32
    %add3A_229 = arith.constant 63 : i32
    %add3A_230 = arith.addi %mul3A_228, %add3A_229 : i32
    %lt3A_231 = arith.constant 640 : i32
    %lt3A_232 = arith.cmpi slt, %add3A_230, %lt3A_231 : i32
    %convert_element_type3A_233 = arith.extui %lt3A_232 : i1 to i32
    %cond3A_234 = arith.constant 0 : i32
    %cond3A_235 = arith.cmpi ne, %convert_element_type3A_233, %cond3A_234 : i32
    scf.if %cond3A_235 {
      %mul3A_583 = arith.constant 128 : i32
      %mul3A_584 = arith.muli %add3A_230, %mul3A_583 : i32
      %dma_start3A_585 = arith.constant 3 : i32
      %dma_start3A_586 = arith.constant 3 : i32
      %dma_start3A_587 = arith.constant 0 : i32
      %dma_start3A_588 = arith.constant 0 : i32
      %dma_start3A_589 = tpu.memref_slice %arg7[%dma_start3A_585, %dma_start3A_587, %dma_start3A_588] : memref<10x128x64xf32, #tpu.memory_space<vmem>> -> memref<1x128x64xf32, #tpu.memory_space<vmem>>
      %dma_start3A_590 = tpu.memref_squeeze %dma_start3A_589 : memref<1x128x64xf32, #tpu.memory_space<vmem>> -> memref<128x64xf32, #tpu.memory_space<vmem>>
      %dma_start3A_591 = arith.constant 0 : i32
      %dma_start3A_592 = tpu.memref_slice %arg4[%mul3A_584, %dma_start3A_591] : memref<81920x64xf32, #tpu.memory_space<hbm>> -> memref<128x64xf32, #tpu.memory_space<hbm>>
      %dma_start3A_593 = tpu.memref_slice %arg9[%dma_start3A_586] : memref<10x!tpu.dma_semaphore, #tpu.memory_space<semaphore_mem>> -> memref<1x!tpu.dma_semaphore, #tpu.memory_space<semaphore_mem>>
      %dma_start3A_594 = tpu.memref_squeeze %dma_start3A_593 : memref<1x!tpu.dma_semaphore, #tpu.memory_space<semaphore_mem>> -> memref<!tpu.dma_semaphore, #tpu.memory_space<semaphore_mem>>
      %dma_start3A_595 = arith.constant 0 : i32
      %dma_start3A_596 = tpu.memref_slice %arg4[%mul3A_584, %dma_start3A_595] : memref<81920x64xf32, #tpu.memory_space<hbm>> -> memref<128x64xf32, #tpu.memory_space<hbm>>
      %dma_start3A_597 = arith.constant 0 : i32
      %dma_start3A_598 = arith.constant 0 : i32
      %dma_start3A_599 = tpu.memref_slice %arg7[%dma_start3A_585, %dma_start3A_597, %dma_start3A_598] : memref<10x128x64xf32, #tpu.memory_space<vmem>> -> memref<1x128x64xf32, #tpu.memory_space<vmem>>
      %dma_start3A_600 = tpu.memref_squeeze %dma_start3A_599 : memref<1x128x64xf32, #tpu.memory_space<vmem>> -> memref<128x64xf32, #tpu.memory_space<vmem>>
      tpu.enqueue_dma source(%dma_start3A_600 : memref<128x64xf32, #tpu.memory_space<vmem>>) target(%dma_start3A_596 : memref<128x64xf32, #tpu.memory_space<hbm>>) target_semaphore(%dma_start3A_594 : memref<!tpu.dma_semaphore, #tpu.memory_space<semaphore_mem>>)
    } else {
    }
    %ge3A_236 = arith.constant 640 : i32
    %ge3A_237 = arith.cmpi sge, %add3A_230, %ge3A_236 : i32
    %convert_element_type3A_238 = arith.extui %ge3A_237 : i1 to i32
    %cond3A_239 = arith.constant 0 : i32
    %cond3A_240 = arith.cmpi ne, %convert_element_type3A_238, %cond3A_239 : i32
    scf.if %cond3A_240 {
      %sub3A = arith.constant 640 : i32
      %sub3A_583 = arith.subi %add3A_230, %sub3A : i32
      %mul3A_584 = arith.constant 128 : i32
      %mul3A_585 = arith.muli %sub3A_583, %mul3A_584 : i32
      %dma_start3A_586 = arith.constant 3 : i32
      %dma_start3A_587 = arith.constant 3 : i32
      %dma_start3A_588 = arith.constant 0 : i32
      %dma_start3A_589 = arith.constant 0 : i32
      %dma_start3A_590 = tpu.memref_slice %arg7[%dma_start3A_586, %dma_start3A_588, %dma_start3A_589] : memref<10x128x64xf32, #tpu.memory_space<vmem>> -> memref<1x128x64xf32, #tpu.memory_space<vmem>>
      %dma_start3A_591 = tpu.memref_squeeze %dma_start3A_590 : memref<1x128x64xf32, #tpu.memory_space<vmem>> -> memref<128x64xf32, #tpu.memory_space<vmem>>
      %dma_start3A_592 = arith.constant 0 : i32
      %dma_start3A_593 = tpu.memref_slice %arg5[%mul3A_585, %dma_start3A_592] : memref<204800x64xf32, #tpu.memory_space<hbm>> -> memref<128x64xf32, #tpu.memory_space<hbm>>
      %dma_start3A_594 = tpu.memref_slice %arg9[%dma_start3A_587] : memref<10x!tpu.dma_semaphore, #tpu.memory_space<semaphore_mem>> -> memref<1x!tpu.dma_semaphore, #tpu.memory_space<semaphore_mem>>
      %dma_start3A_595 = tpu.memref_squeeze %dma_start3A_594 : memref<1x!tpu.dma_semaphore, #tpu.memory_space<semaphore_mem>> -> memref<!tpu.dma_semaphore, #tpu.memory_space<semaphore_mem>>
      %dma_start3A_596 = arith.constant 0 : i32
      %dma_start3A_597 = tpu.memref_slice %arg5[%mul3A_585, %dma_start3A_596] : memref<204800x64xf32, #tpu.memory_space<hbm>> -> memref<128x64xf32, #tpu.memory_space<hbm>>
      %dma_start3A_598 = arith.constant 0 : i32
      %dma_start3A_599 = arith.constant 0 : i32
      %dma_start3A_600 = tpu.memref_slice %arg7[%dma_start3A_586, %dma_start3A_598, %dma_start3A_599] : memref<10x128x64xf32, #tpu.memory_space<vmem>> -> memref<1x128x64xf32, #tpu.memory_space<vmem>>
      %dma_start3A_601 = tpu.memref_squeeze %dma_start3A_600 : memref<1x128x64xf32, #tpu.memory_space<vmem>> -> memref<128x64xf32, #tpu.memory_space<vmem>>
      tpu.enqueue_dma source(%dma_start3A_601 : memref<128x64xf32, #tpu.memory_space<vmem>>) target(%dma_start3A_597 : memref<128x64xf32, #tpu.memory_space<hbm>>) target_semaphore(%dma_start3A_595 : memref<!tpu.dma_semaphore, #tpu.memory_space<semaphore_mem>>)
    } else {
    }
    %dma_wait3A_241 = arith.constant 4 : i32
    %dma_wait3A_242 = arith.constant 4 : i32
    %dma_wait3A_243 = arith.constant 0 : i32
    %dma_wait3A_244 = arith.constant 0 : i32
    %dma_wait3A_245 = tpu.memref_slice %arg7[%dma_wait3A_241, %dma_wait3A_243, %dma_wait3A_244] : memref<10x128x64xf32, #tpu.memory_space<vmem>> -> memref<1x128x64xf32, #tpu.memory_space<vmem>>
    %dma_wait3A_246 = tpu.memref_squeeze %dma_wait3A_245 : memref<1x128x64xf32, #tpu.memory_space<vmem>> -> memref<128x64xf32, #tpu.memory_space<vmem>>
    %dma_wait3A_247 = arith.constant 0 : i32
    %dma_wait3A_248 = tpu.memref_slice %arg6[%dma_wait3A_247] : memref<8960xi32, #tpu.memory_space<vmem>> -> memref<128xi32, #tpu.memory_space<vmem>>
    %dma_wait3A_249 = arith.constant 0 : i32
    %dma_wait3A_250 = arith.constant 0 : i32
    %dma_wait3A_251 = tpu.memref_slice %arg2[%dma_wait3A_249, %dma_wait3A_250] : memref<1000000x64xf32, #tpu.memory_space<hbm>> -> memref<1000000x64xf32, #tpu.memory_space<hbm>>
    %dma_wait3A_252 = tpu.memref_slice %arg8[%dma_wait3A_242] : memref<10x!tpu.dma_semaphore, #tpu.memory_space<semaphore_mem>> -> memref<1x!tpu.dma_semaphore, #tpu.memory_space<semaphore_mem>>
    %dma_wait3A_253 = tpu.memref_squeeze %dma_wait3A_252 : memref<1x!tpu.dma_semaphore, #tpu.memory_space<semaphore_mem>> -> memref<!tpu.dma_semaphore, #tpu.memory_space<semaphore_mem>>
    tpu.wait_indirect_dma semaphore(%dma_wait3A_253 : memref<!tpu.dma_semaphore, #tpu.memory_space<semaphore_mem>>) src(%dma_wait3A_251 : memref<1000000x64xf32, #tpu.memory_space<hbm>>) dst(%dma_wait3A_246 : memref<128x64xf32, #tpu.memory_space<vmem>>)
    %mul3A_254 = arith.constant 70 : i32
    %mul3A_255 = arith.muli %add3A, %mul3A_254 : i32
    %add3A_256 = arith.constant 64 : i32
    %add3A_257 = arith.addi %mul3A_255, %add3A_256 : i32
    %lt3A_258 = arith.constant 640 : i32
    %lt3A_259 = arith.cmpi slt, %add3A_257, %lt3A_258 : i32
    %convert_element_type3A_260 = arith.extui %lt3A_259 : i1 to i32
    %cond3A_261 = arith.constant 0 : i32
    %cond3A_262 = arith.cmpi ne, %convert_element_type3A_260, %cond3A_261 : i32
    scf.if %cond3A_262 {
      %mul3A_583 = arith.constant 128 : i32
      %mul3A_584 = arith.muli %add3A_257, %mul3A_583 : i32
      %dma_start3A_585 = arith.constant 4 : i32
      %dma_start3A_586 = arith.constant 4 : i32
      %dma_start3A_587 = arith.constant 0 : i32
      %dma_start3A_588 = arith.constant 0 : i32
      %dma_start3A_589 = tpu.memref_slice %arg7[%dma_start3A_585, %dma_start3A_587, %dma_start3A_588] : memref<10x128x64xf32, #tpu.memory_space<vmem>> -> memref<1x128x64xf32, #tpu.memory_space<vmem>>
      %dma_start3A_590 = tpu.memref_squeeze %dma_start3A_589 : memref<1x128x64xf32, #tpu.memory_space<vmem>> -> memref<128x64xf32, #tpu.memory_space<vmem>>
      %dma_start3A_591 = arith.constant 0 : i32
      %dma_start3A_592 = tpu.memref_slice %arg4[%mul3A_584, %dma_start3A_591] : memref<81920x64xf32, #tpu.memory_space<hbm>> -> memref<128x64xf32, #tpu.memory_space<hbm>>
      %dma_start3A_593 = tpu.memref_slice %arg9[%dma_start3A_586] : memref<10x!tpu.dma_semaphore, #tpu.memory_space<semaphore_mem>> -> memref<1x!tpu.dma_semaphore, #tpu.memory_space<semaphore_mem>>
      %dma_start3A_594 = tpu.memref_squeeze %dma_start3A_593 : memref<1x!tpu.dma_semaphore, #tpu.memory_space<semaphore_mem>> -> memref<!tpu.dma_semaphore, #tpu.memory_space<semaphore_mem>>
      %dma_start3A_595 = arith.constant 0 : i32
      %dma_start3A_596 = tpu.memref_slice %arg4[%mul3A_584, %dma_start3A_595] : memref<81920x64xf32, #tpu.memory_space<hbm>> -> memref<128x64xf32, #tpu.memory_space<hbm>>
      %dma_start3A_597 = arith.constant 0 : i32
      %dma_start3A_598 = arith.constant 0 : i32
      %dma_start3A_599 = tpu.memref_slice %arg7[%dma_start3A_585, %dma_start3A_597, %dma_start3A_598] : memref<10x128x64xf32, #tpu.memory_space<vmem>> -> memref<1x128x64xf32, #tpu.memory_space<vmem>>
      %dma_start3A_600 = tpu.memref_squeeze %dma_start3A_599 : memref<1x128x64xf32, #tpu.memory_space<vmem>> -> memref<128x64xf32, #tpu.memory_space<vmem>>
      tpu.enqueue_dma source(%dma_start3A_600 : memref<128x64xf32, #tpu.memory_space<vmem>>) target(%dma_start3A_596 : memref<128x64xf32, #tpu.memory_space<hbm>>) target_semaphore(%dma_start3A_594 : memref<!tpu.dma_semaphore, #tpu.memory_space<semaphore_mem>>)
    } else {
    }
    %ge3A_263 = arith.constant 640 : i32
    %ge3A_264 = arith.cmpi sge, %add3A_257, %ge3A_263 : i32
    %convert_element_type3A_265 = arith.extui %ge3A_264 : i1 to i32
    %cond3A_266 = arith.constant 0 : i32
    %cond3A_267 = arith.cmpi ne, %convert_element_type3A_265, %cond3A_266 : i32
    scf.if %cond3A_267 {
      %sub3A = arith.constant 640 : i32
      %sub3A_583 = arith.subi %add3A_257, %sub3A : i32
      %mul3A_584 = arith.constant 128 : i32
      %mul3A_585 = arith.muli %sub3A_583, %mul3A_584 : i32
      %dma_start3A_586 = arith.constant 4 : i32
      %dma_start3A_587 = arith.constant 4 : i32
      %dma_start3A_588 = arith.constant 0 : i32
      %dma_start3A_589 = arith.constant 0 : i32
      %dma_start3A_590 = tpu.memref_slice %arg7[%dma_start3A_586, %dma_start3A_588, %dma_start3A_589] : memref<10x128x64xf32, #tpu.memory_space<vmem>> -> memref<1x128x64xf32, #tpu.memory_space<vmem>>
      %dma_start3A_591 = tpu.memref_squeeze %dma_start3A_590 : memref<1x128x64xf32, #tpu.memory_space<vmem>> -> memref<128x64xf32, #tpu.memory_space<vmem>>
      %dma_start3A_592 = arith.constant 0 : i32
      %dma_start3A_593 = tpu.memref_slice %arg5[%mul3A_585, %dma_start3A_592] : memref<204800x64xf32, #tpu.memory_space<hbm>> -> memref<128x64xf32, #tpu.memory_space<hbm>>
      %dma_start3A_594 = tpu.memref_slice %arg9[%dma_start3A_587] : memref<10x!tpu.dma_semaphore, #tpu.memory_space<semaphore_mem>> -> memref<1x!tpu.dma_semaphore, #tpu.memory_space<semaphore_mem>>
      %dma_start3A_595 = tpu.memref_squeeze %dma_start3A_594 : memref<1x!tpu.dma_semaphore, #tpu.memory_space<semaphore_mem>> -> memref<!tpu.dma_semaphore, #tpu.memory_space<semaphore_mem>>
      %dma_start3A_596 = arith.constant 0 : i32
      %dma_start3A_597 = tpu.memref_slice %arg5[%mul3A_585, %dma_start3A_596] : memref<204800x64xf32, #tpu.memory_space<hbm>> -> memref<128x64xf32, #tpu.memory_space<hbm>>
      %dma_start3A_598 = arith.constant 0 : i32
      %dma_start3A_599 = arith.constant 0 : i32
      %dma_start3A_600 = tpu.memref_slice %arg7[%dma_start3A_586, %dma_start3A_598, %dma_start3A_599] : memref<10x128x64xf32, #tpu.memory_space<vmem>> -> memref<1x128x64xf32, #tpu.memory_space<vmem>>
      %dma_start3A_601 = tpu.memref_squeeze %dma_start3A_600 : memref<1x128x64xf32, #tpu.memory_space<vmem>> -> memref<128x64xf32, #tpu.memory_space<vmem>>
      tpu.enqueue_dma source(%dma_start3A_601 : memref<128x64xf32, #tpu.memory_space<vmem>>) target(%dma_start3A_597 : memref<128x64xf32, #tpu.memory_space<hbm>>) target_semaphore(%dma_start3A_595 : memref<!tpu.dma_semaphore, #tpu.memory_space<semaphore_mem>>)
    } else {
    }
    %dma_wait3A_268 = arith.constant 5 : i32
    %dma_wait3A_269 = arith.constant 5 : i32
    %dma_wait3A_270 = arith.constant 0 : i32
    %dma_wait3A_271 = arith.constant 0 : i32
    %dma_wait3A_272 = tpu.memref_slice %arg7[%dma_wait3A_268, %dma_wait3A_270, %dma_wait3A_271] : memref<10x128x64xf32, #tpu.memory_space<vmem>> -> memref<1x128x64xf32, #tpu.memory_space<vmem>>
    %dma_wait3A_273 = tpu.memref_squeeze %dma_wait3A_272 : memref<1x128x64xf32, #tpu.memory_space<vmem>> -> memref<128x64xf32, #tpu.memory_space<vmem>>
    %dma_wait3A_274 = arith.constant 0 : i32
    %dma_wait3A_275 = tpu.memref_slice %arg6[%dma_wait3A_274] : memref<8960xi32, #tpu.memory_space<vmem>> -> memref<128xi32, #tpu.memory_space<vmem>>
    %dma_wait3A_276 = arith.constant 0 : i32
    %dma_wait3A_277 = arith.constant 0 : i32
    %dma_wait3A_278 = tpu.memref_slice %arg2[%dma_wait3A_276, %dma_wait3A_277] : memref<1000000x64xf32, #tpu.memory_space<hbm>> -> memref<1000000x64xf32, #tpu.memory_space<hbm>>
    %dma_wait3A_279 = tpu.memref_slice %arg8[%dma_wait3A_269] : memref<10x!tpu.dma_semaphore, #tpu.memory_space<semaphore_mem>> -> memref<1x!tpu.dma_semaphore, #tpu.memory_space<semaphore_mem>>
    %dma_wait3A_280 = tpu.memref_squeeze %dma_wait3A_279 : memref<1x!tpu.dma_semaphore, #tpu.memory_space<semaphore_mem>> -> memref<!tpu.dma_semaphore, #tpu.memory_space<semaphore_mem>>
    tpu.wait_indirect_dma semaphore(%dma_wait3A_280 : memref<!tpu.dma_semaphore, #tpu.memory_space<semaphore_mem>>) src(%dma_wait3A_278 : memref<1000000x64xf32, #tpu.memory_space<hbm>>) dst(%dma_wait3A_273 : memref<128x64xf32, #tpu.memory_space<vmem>>)
    %mul3A_281 = arith.constant 70 : i32
    %mul3A_282 = arith.muli %add3A, %mul3A_281 : i32
    %add3A_283 = arith.constant 65 : i32
    %add3A_284 = arith.addi %mul3A_282, %add3A_283 : i32
    %lt3A_285 = arith.constant 640 : i32
    %lt3A_286 = arith.cmpi slt, %add3A_284, %lt3A_285 : i32
    %convert_element_type3A_287 = arith.extui %lt3A_286 : i1 to i32
    %cond3A_288 = arith.constant 0 : i32
    %cond3A_289 = arith.cmpi ne, %convert_element_type3A_287, %cond3A_288 : i32
    scf.if %cond3A_289 {
      %mul3A_583 = arith.constant 128 : i32
      %mul3A_584 = arith.muli %add3A_284, %mul3A_583 : i32
      %dma_start3A_585 = arith.constant 5 : i32
      %dma_start3A_586 = arith.constant 5 : i32
      %dma_start3A_587 = arith.constant 0 : i32
      %dma_start3A_588 = arith.constant 0 : i32
      %dma_start3A_589 = tpu.memref_slice %arg7[%dma_start3A_585, %dma_start3A_587, %dma_start3A_588] : memref<10x128x64xf32, #tpu.memory_space<vmem>> -> memref<1x128x64xf32, #tpu.memory_space<vmem>>
      %dma_start3A_590 = tpu.memref_squeeze %dma_start3A_589 : memref<1x128x64xf32, #tpu.memory_space<vmem>> -> memref<128x64xf32, #tpu.memory_space<vmem>>
      %dma_start3A_591 = arith.constant 0 : i32
      %dma_start3A_592 = tpu.memref_slice %arg4[%mul3A_584, %dma_start3A_591] : memref<81920x64xf32, #tpu.memory_space<hbm>> -> memref<128x64xf32, #tpu.memory_space<hbm>>
      %dma_start3A_593 = tpu.memref_slice %arg9[%dma_start3A_586] : memref<10x!tpu.dma_semaphore, #tpu.memory_space<semaphore_mem>> -> memref<1x!tpu.dma_semaphore, #tpu.memory_space<semaphore_mem>>
      %dma_start3A_594 = tpu.memref_squeeze %dma_start3A_593 : memref<1x!tpu.dma_semaphore, #tpu.memory_space<semaphore_mem>> -> memref<!tpu.dma_semaphore, #tpu.memory_space<semaphore_mem>>
      %dma_start3A_595 = arith.constant 0 : i32
      %dma_start3A_596 = tpu.memref_slice %arg4[%mul3A_584, %dma_start3A_595] : memref<81920x64xf32, #tpu.memory_space<hbm>> -> memref<128x64xf32, #tpu.memory_space<hbm>>
      %dma_start3A_597 = arith.constant 0 : i32
      %dma_start3A_598 = arith.constant 0 : i32
      %dma_start3A_599 = tpu.memref_slice %arg7[%dma_start3A_585, %dma_start3A_597, %dma_start3A_598] : memref<10x128x64xf32, #tpu.memory_space<vmem>> -> memref<1x128x64xf32, #tpu.memory_space<vmem>>
      %dma_start3A_600 = tpu.memref_squeeze %dma_start3A_599 : memref<1x128x64xf32, #tpu.memory_space<vmem>> -> memref<128x64xf32, #tpu.memory_space<vmem>>
      tpu.enqueue_dma source(%dma_start3A_600 : memref<128x64xf32, #tpu.memory_space<vmem>>) target(%dma_start3A_596 : memref<128x64xf32, #tpu.memory_space<hbm>>) target_semaphore(%dma_start3A_594 : memref<!tpu.dma_semaphore, #tpu.memory_space<semaphore_mem>>)
    } else {
    }
    %ge3A_290 = arith.constant 640 : i32
    %ge3A_291 = arith.cmpi sge, %add3A_284, %ge3A_290 : i32
    %convert_element_type3A_292 = arith.extui %ge3A_291 : i1 to i32
    %cond3A_293 = arith.constant 0 : i32
    %cond3A_294 = arith.cmpi ne, %convert_element_type3A_292, %cond3A_293 : i32
    scf.if %cond3A_294 {
      %sub3A = arith.constant 640 : i32
      %sub3A_583 = arith.subi %add3A_284, %sub3A : i32
      %mul3A_584 = arith.constant 128 : i32
      %mul3A_585 = arith.muli %sub3A_583, %mul3A_584 : i32
      %dma_start3A_586 = arith.constant 5 : i32
      %dma_start3A_587 = arith.constant 5 : i32
      %dma_start3A_588 = arith.constant 0 : i32
      %dma_start3A_589 = arith.constant 0 : i32
      %dma_start3A_590 = tpu.memref_slice %arg7[%dma_start3A_586, %dma_start3A_588, %dma_start3A_589] : memref<10x128x64xf32, #tpu.memory_space<vmem>> -> memref<1x128x64xf32, #tpu.memory_space<vmem>>
      %dma_start3A_591 = tpu.memref_squeeze %dma_start3A_590 : memref<1x128x64xf32, #tpu.memory_space<vmem>> -> memref<128x64xf32, #tpu.memory_space<vmem>>
      %dma_start3A_592 = arith.constant 0 : i32
      %dma_start3A_593 = tpu.memref_slice %arg5[%mul3A_585, %dma_start3A_592] : memref<204800x64xf32, #tpu.memory_space<hbm>> -> memref<128x64xf32, #tpu.memory_space<hbm>>
      %dma_start3A_594 = tpu.memref_slice %arg9[%dma_start3A_587] : memref<10x!tpu.dma_semaphore, #tpu.memory_space<semaphore_mem>> -> memref<1x!tpu.dma_semaphore, #tpu.memory_space<semaphore_mem>>
      %dma_start3A_595 = tpu.memref_squeeze %dma_start3A_594 : memref<1x!tpu.dma_semaphore, #tpu.memory_space<semaphore_mem>> -> memref<!tpu.dma_semaphore, #tpu.memory_space<semaphore_mem>>
      %dma_start3A_596 = arith.constant 0 : i32
      %dma_start3A_597 = tpu.memref_slice %arg5[%mul3A_585, %dma_start3A_596] : memref<204800x64xf32, #tpu.memory_space<hbm>> -> memref<128x64xf32, #tpu.memory_space<hbm>>
      %dma_start3A_598 = arith.constant 0 : i32
      %dma_start3A_599 = arith.constant 0 : i32
      %dma_start3A_600 = tpu.memref_slice %arg7[%dma_start3A_586, %dma_start3A_598, %dma_start3A_599] : memref<10x128x64xf32, #tpu.memory_space<vmem>> -> memref<1x128x64xf32, #tpu.memory_space<vmem>>
      %dma_start3A_601 = tpu.memref_squeeze %dma_start3A_600 : memref<1x128x64xf32, #tpu.memory_space<vmem>> -> memref<128x64xf32, #tpu.memory_space<vmem>>
      tpu.enqueue_dma source(%dma_start3A_601 : memref<128x64xf32, #tpu.memory_space<vmem>>) target(%dma_start3A_597 : memref<128x64xf32, #tpu.memory_space<hbm>>) target_semaphore(%dma_start3A_595 : memref<!tpu.dma_semaphore, #tpu.memory_space<semaphore_mem>>)
    } else {
    }
    %dma_wait3A_295 = arith.constant 6 : i32
    %dma_wait3A_296 = arith.constant 6 : i32
    %dma_wait3A_297 = arith.constant 0 : i32
    %dma_wait3A_298 = arith.constant 0 : i32
    %dma_wait3A_299 = tpu.memref_slice %arg7[%dma_wait3A_295, %dma_wait3A_297, %dma_wait3A_298] : memref<10x128x64xf32, #tpu.memory_space<vmem>> -> memref<1x128x64xf32, #tpu.memory_space<vmem>>
    %dma_wait3A_300 = tpu.memref_squeeze %dma_wait3A_299 : memref<1x128x64xf32, #tpu.memory_space<vmem>> -> memref<128x64xf32, #tpu.memory_space<vmem>>
    %dma_wait3A_301 = arith.constant 0 : i32
    %dma_wait3A_302 = tpu.memref_slice %arg6[%dma_wait3A_301] : memref<8960xi32, #tpu.memory_space<vmem>> -> memref<128xi32, #tpu.memory_space<vmem>>
    %dma_wait3A_303 = arith.constant 0 : i32
    %dma_wait3A_304 = arith.constant 0 : i32
    %dma_wait3A_305 = tpu.memref_slice %arg2[%dma_wait3A_303, %dma_wait3A_304] : memref<1000000x64xf32, #tpu.memory_space<hbm>> -> memref<1000000x64xf32, #tpu.memory_space<hbm>>
    %dma_wait3A_306 = tpu.memref_slice %arg8[%dma_wait3A_296] : memref<10x!tpu.dma_semaphore, #tpu.memory_space<semaphore_mem>> -> memref<1x!tpu.dma_semaphore, #tpu.memory_space<semaphore_mem>>
    %dma_wait3A_307 = tpu.memref_squeeze %dma_wait3A_306 : memref<1x!tpu.dma_semaphore, #tpu.memory_space<semaphore_mem>> -> memref<!tpu.dma_semaphore, #tpu.memory_space<semaphore_mem>>
    tpu.wait_indirect_dma semaphore(%dma_wait3A_307 : memref<!tpu.dma_semaphore, #tpu.memory_space<semaphore_mem>>) src(%dma_wait3A_305 : memref<1000000x64xf32, #tpu.memory_space<hbm>>) dst(%dma_wait3A_300 : memref<128x64xf32, #tpu.memory_space<vmem>>)
    %mul3A_308 = arith.constant 70 : i32
    %mul3A_309 = arith.muli %add3A, %mul3A_308 : i32
    %add3A_310 = arith.constant 66 : i32
    %add3A_311 = arith.addi %mul3A_309, %add3A_310 : i32
    %lt3A_312 = arith.constant 640 : i32
    %lt3A_313 = arith.cmpi slt, %add3A_311, %lt3A_312 : i32
    %convert_element_type3A_314 = arith.extui %lt3A_313 : i1 to i32
    %cond3A_315 = arith.constant 0 : i32
    %cond3A_316 = arith.cmpi ne, %convert_element_type3A_314, %cond3A_315 : i32
    scf.if %cond3A_316 {
      %mul3A_583 = arith.constant 128 : i32
      %mul3A_584 = arith.muli %add3A_311, %mul3A_583 : i32
      %dma_start3A_585 = arith.constant 6 : i32
      %dma_start3A_586 = arith.constant 6 : i32
      %dma_start3A_587 = arith.constant 0 : i32
      %dma_start3A_588 = arith.constant 0 : i32
      %dma_start3A_589 = tpu.memref_slice %arg7[%dma_start3A_585, %dma_start3A_587, %dma_start3A_588] : memref<10x128x64xf32, #tpu.memory_space<vmem>> -> memref<1x128x64xf32, #tpu.memory_space<vmem>>
      %dma_start3A_590 = tpu.memref_squeeze %dma_start3A_589 : memref<1x128x64xf32, #tpu.memory_space<vmem>> -> memref<128x64xf32, #tpu.memory_space<vmem>>
      %dma_start3A_591 = arith.constant 0 : i32
      %dma_start3A_592 = tpu.memref_slice %arg4[%mul3A_584, %dma_start3A_591] : memref<81920x64xf32, #tpu.memory_space<hbm>> -> memref<128x64xf32, #tpu.memory_space<hbm>>
      %dma_start3A_593 = tpu.memref_slice %arg9[%dma_start3A_586] : memref<10x!tpu.dma_semaphore, #tpu.memory_space<semaphore_mem>> -> memref<1x!tpu.dma_semaphore, #tpu.memory_space<semaphore_mem>>
      %dma_start3A_594 = tpu.memref_squeeze %dma_start3A_593 : memref<1x!tpu.dma_semaphore, #tpu.memory_space<semaphore_mem>> -> memref<!tpu.dma_semaphore, #tpu.memory_space<semaphore_mem>>
      %dma_start3A_595 = arith.constant 0 : i32
      %dma_start3A_596 = tpu.memref_slice %arg4[%mul3A_584, %dma_start3A_595] : memref<81920x64xf32, #tpu.memory_space<hbm>> -> memref<128x64xf32, #tpu.memory_space<hbm>>
      %dma_start3A_597 = arith.constant 0 : i32
      %dma_start3A_598 = arith.constant 0 : i32
      %dma_start3A_599 = tpu.memref_slice %arg7[%dma_start3A_585, %dma_start3A_597, %dma_start3A_598] : memref<10x128x64xf32, #tpu.memory_space<vmem>> -> memref<1x128x64xf32, #tpu.memory_space<vmem>>
      %dma_start3A_600 = tpu.memref_squeeze %dma_start3A_599 : memref<1x128x64xf32, #tpu.memory_space<vmem>> -> memref<128x64xf32, #tpu.memory_space<vmem>>
      tpu.enqueue_dma source(%dma_start3A_600 : memref<128x64xf32, #tpu.memory_space<vmem>>) target(%dma_start3A_596 : memref<128x64xf32, #tpu.memory_space<hbm>>) target_semaphore(%dma_start3A_594 : memref<!tpu.dma_semaphore, #tpu.memory_space<semaphore_mem>>)
    } else {
    }
    %ge3A_317 = arith.constant 640 : i32
    %ge3A_318 = arith.cmpi sge, %add3A_311, %ge3A_317 : i32
    %convert_element_type3A_319 = arith.extui %ge3A_318 : i1 to i32
    %cond3A_320 = arith.constant 0 : i32
    %cond3A_321 = arith.cmpi ne, %convert_element_type3A_319, %cond3A_320 : i32
    scf.if %cond3A_321 {
      %sub3A = arith.constant 640 : i32
      %sub3A_583 = arith.subi %add3A_311, %sub3A : i32
      %mul3A_584 = arith.constant 128 : i32
      %mul3A_585 = arith.muli %sub3A_583, %mul3A_584 : i32
      %dma_start3A_586 = arith.constant 6 : i32
      %dma_start3A_587 = arith.constant 6 : i32
      %dma_start3A_588 = arith.constant 0 : i32
      %dma_start3A_589 = arith.constant 0 : i32
      %dma_start3A_590 = tpu.memref_slice %arg7[%dma_start3A_586, %dma_start3A_588, %dma_start3A_589] : memref<10x128x64xf32, #tpu.memory_space<vmem>> -> memref<1x128x64xf32, #tpu.memory_space<vmem>>
      %dma_start3A_591 = tpu.memref_squeeze %dma_start3A_590 : memref<1x128x64xf32, #tpu.memory_space<vmem>> -> memref<128x64xf32, #tpu.memory_space<vmem>>
      %dma_start3A_592 = arith.constant 0 : i32
      %dma_start3A_593 = tpu.memref_slice %arg5[%mul3A_585, %dma_start3A_592] : memref<204800x64xf32, #tpu.memory_space<hbm>> -> memref<128x64xf32, #tpu.memory_space<hbm>>
      %dma_start3A_594 = tpu.memref_slice %arg9[%dma_start3A_587] : memref<10x!tpu.dma_semaphore, #tpu.memory_space<semaphore_mem>> -> memref<1x!tpu.dma_semaphore, #tpu.memory_space<semaphore_mem>>
      %dma_start3A_595 = tpu.memref_squeeze %dma_start3A_594 : memref<1x!tpu.dma_semaphore, #tpu.memory_space<semaphore_mem>> -> memref<!tpu.dma_semaphore, #tpu.memory_space<semaphore_mem>>
      %dma_start3A_596 = arith.constant 0 : i32
      %dma_start3A_597 = tpu.memref_slice %arg5[%mul3A_585, %dma_start3A_596] : memref<204800x64xf32, #tpu.memory_space<hbm>> -> memref<128x64xf32, #tpu.memory_space<hbm>>
      %dma_start3A_598 = arith.constant 0 : i32
      %dma_start3A_599 = arith.constant 0 : i32
      %dma_start3A_600 = tpu.memref_slice %arg7[%dma_start3A_586, %dma_start3A_598, %dma_start3A_599] : memref<10x128x64xf32, #tpu.memory_space<vmem>> -> memref<1x128x64xf32, #tpu.memory_space<vmem>>
      %dma_start3A_601 = tpu.memref_squeeze %dma_start3A_600 : memref<1x128x64xf32, #tpu.memory_space<vmem>> -> memref<128x64xf32, #tpu.memory_space<vmem>>
      tpu.enqueue_dma source(%dma_start3A_601 : memref<128x64xf32, #tpu.memory_space<vmem>>) target(%dma_start3A_597 : memref<128x64xf32, #tpu.memory_space<hbm>>) target_semaphore(%dma_start3A_595 : memref<!tpu.dma_semaphore, #tpu.memory_space<semaphore_mem>>)
    } else {
    }
    %dma_wait3A_322 = arith.constant 7 : i32
    %dma_wait3A_323 = arith.constant 7 : i32
    %dma_wait3A_324 = arith.constant 0 : i32
    %dma_wait3A_325 = arith.constant 0 : i32
    %dma_wait3A_326 = tpu.memref_slice %arg7[%dma_wait3A_322, %dma_wait3A_324, %dma_wait3A_325] : memref<10x128x64xf32, #tpu.memory_space<vmem>> -> memref<1x128x64xf32, #tpu.memory_space<vmem>>
    %dma_wait3A_327 = tpu.memref_squeeze %dma_wait3A_326 : memref<1x128x64xf32, #tpu.memory_space<vmem>> -> memref<128x64xf32, #tpu.memory_space<vmem>>
    %dma_wait3A_328 = arith.constant 0 : i32
    %dma_wait3A_329 = tpu.memref_slice %arg6[%dma_wait3A_328] : memref<8960xi32, #tpu.memory_space<vmem>> -> memref<128xi32, #tpu.memory_space<vmem>>
    %dma_wait3A_330 = arith.constant 0 : i32
    %dma_wait3A_331 = arith.constant 0 : i32
    %dma_wait3A_332 = tpu.memref_slice %arg2[%dma_wait3A_330, %dma_wait3A_331] : memref<1000000x64xf32, #tpu.memory_space<hbm>> -> memref<1000000x64xf32, #tpu.memory_space<hbm>>
    %dma_wait3A_333 = tpu.memref_slice %arg8[%dma_wait3A_323] : memref<10x!tpu.dma_semaphore, #tpu.memory_space<semaphore_mem>> -> memref<1x!tpu.dma_semaphore, #tpu.memory_space<semaphore_mem>>
    %dma_wait3A_334 = tpu.memref_squeeze %dma_wait3A_333 : memref<1x!tpu.dma_semaphore, #tpu.memory_space<semaphore_mem>> -> memref<!tpu.dma_semaphore, #tpu.memory_space<semaphore_mem>>
    tpu.wait_indirect_dma semaphore(%dma_wait3A_334 : memref<!tpu.dma_semaphore, #tpu.memory_space<semaphore_mem>>) src(%dma_wait3A_332 : memref<1000000x64xf32, #tpu.memory_space<hbm>>) dst(%dma_wait3A_327 : memref<128x64xf32, #tpu.memory_space<vmem>>)
    %mul3A_335 = arith.constant 70 : i32
    %mul3A_336 = arith.muli %add3A, %mul3A_335 : i32
    %add3A_337 = arith.constant 67 : i32
    %add3A_338 = arith.addi %mul3A_336, %add3A_337 : i32
    %lt3A_339 = arith.constant 640 : i32
    %lt3A_340 = arith.cmpi slt, %add3A_338, %lt3A_339 : i32
    %convert_element_type3A_341 = arith.extui %lt3A_340 : i1 to i32
    %cond3A_342 = arith.constant 0 : i32
    %cond3A_343 = arith.cmpi ne, %convert_element_type3A_341, %cond3A_342 : i32
    scf.if %cond3A_343 {
      %mul3A_583 = arith.constant 128 : i32
      %mul3A_584 = arith.muli %add3A_338, %mul3A_583 : i32
      %dma_start3A_585 = arith.constant 7 : i32
      %dma_start3A_586 = arith.constant 7 : i32
      %dma_start3A_587 = arith.constant 0 : i32
      %dma_start3A_588 = arith.constant 0 : i32
      %dma_start3A_589 = tpu.memref_slice %arg7[%dma_start3A_585, %dma_start3A_587, %dma_start3A_588] : memref<10x128x64xf32, #tpu.memory_space<vmem>> -> memref<1x128x64xf32, #tpu.memory_space<vmem>>
      %dma_start3A_590 = tpu.memref_squeeze %dma_start3A_589 : memref<1x128x64xf32, #tpu.memory_space<vmem>> -> memref<128x64xf32, #tpu.memory_space<vmem>>
      %dma_start3A_591 = arith.constant 0 : i32
      %dma_start3A_592 = tpu.memref_slice %arg4[%mul3A_584, %dma_start3A_591] : memref<81920x64xf32, #tpu.memory_space<hbm>> -> memref<128x64xf32, #tpu.memory_space<hbm>>
      %dma_start3A_593 = tpu.memref_slice %arg9[%dma_start3A_586] : memref<10x!tpu.dma_semaphore, #tpu.memory_space<semaphore_mem>> -> memref<1x!tpu.dma_semaphore, #tpu.memory_space<semaphore_mem>>
      %dma_start3A_594 = tpu.memref_squeeze %dma_start3A_593 : memref<1x!tpu.dma_semaphore, #tpu.memory_space<semaphore_mem>> -> memref<!tpu.dma_semaphore, #tpu.memory_space<semaphore_mem>>
      %dma_start3A_595 = arith.constant 0 : i32
      %dma_start3A_596 = tpu.memref_slice %arg4[%mul3A_584, %dma_start3A_595] : memref<81920x64xf32, #tpu.memory_space<hbm>> -> memref<128x64xf32, #tpu.memory_space<hbm>>
      %dma_start3A_597 = arith.constant 0 : i32
      %dma_start3A_598 = arith.constant 0 : i32
      %dma_start3A_599 = tpu.memref_slice %arg7[%dma_start3A_585, %dma_start3A_597, %dma_start3A_598] : memref<10x128x64xf32, #tpu.memory_space<vmem>> -> memref<1x128x64xf32, #tpu.memory_space<vmem>>
      %dma_start3A_600 = tpu.memref_squeeze %dma_start3A_599 : memref<1x128x64xf32, #tpu.memory_space<vmem>> -> memref<128x64xf32, #tpu.memory_space<vmem>>
      tpu.enqueue_dma source(%dma_start3A_600 : memref<128x64xf32, #tpu.memory_space<vmem>>) target(%dma_start3A_596 : memref<128x64xf32, #tpu.memory_space<hbm>>) target_semaphore(%dma_start3A_594 : memref<!tpu.dma_semaphore, #tpu.memory_space<semaphore_mem>>)
    } else {
    }
    %ge3A_344 = arith.constant 640 : i32
    %ge3A_345 = arith.cmpi sge, %add3A_338, %ge3A_344 : i32
    %convert_element_type3A_346 = arith.extui %ge3A_345 : i1 to i32
    %cond3A_347 = arith.constant 0 : i32
    %cond3A_348 = arith.cmpi ne, %convert_element_type3A_346, %cond3A_347 : i32
    scf.if %cond3A_348 {
      %sub3A = arith.constant 640 : i32
      %sub3A_583 = arith.subi %add3A_338, %sub3A : i32
      %mul3A_584 = arith.constant 128 : i32
      %mul3A_585 = arith.muli %sub3A_583, %mul3A_584 : i32
      %dma_start3A_586 = arith.constant 7 : i32
      %dma_start3A_587 = arith.constant 7 : i32
      %dma_start3A_588 = arith.constant 0 : i32
      %dma_start3A_589 = arith.constant 0 : i32
      %dma_start3A_590 = tpu.memref_slice %arg7[%dma_start3A_586, %dma_start3A_588, %dma_start3A_589] : memref<10x128x64xf32, #tpu.memory_space<vmem>> -> memref<1x128x64xf32, #tpu.memory_space<vmem>>
      %dma_start3A_591 = tpu.memref_squeeze %dma_start3A_590 : memref<1x128x64xf32, #tpu.memory_space<vmem>> -> memref<128x64xf32, #tpu.memory_space<vmem>>
      %dma_start3A_592 = arith.constant 0 : i32
      %dma_start3A_593 = tpu.memref_slice %arg5[%mul3A_585, %dma_start3A_592] : memref<204800x64xf32, #tpu.memory_space<hbm>> -> memref<128x64xf32, #tpu.memory_space<hbm>>
      %dma_start3A_594 = tpu.memref_slice %arg9[%dma_start3A_587] : memref<10x!tpu.dma_semaphore, #tpu.memory_space<semaphore_mem>> -> memref<1x!tpu.dma_semaphore, #tpu.memory_space<semaphore_mem>>
      %dma_start3A_595 = tpu.memref_squeeze %dma_start3A_594 : memref<1x!tpu.dma_semaphore, #tpu.memory_space<semaphore_mem>> -> memref<!tpu.dma_semaphore, #tpu.memory_space<semaphore_mem>>
      %dma_start3A_596 = arith.constant 0 : i32
      %dma_start3A_597 = tpu.memref_slice %arg5[%mul3A_585, %dma_start3A_596] : memref<204800x64xf32, #tpu.memory_space<hbm>> -> memref<128x64xf32, #tpu.memory_space<hbm>>
      %dma_start3A_598 = arith.constant 0 : i32
      %dma_start3A_599 = arith.constant 0 : i32
      %dma_start3A_600 = tpu.memref_slice %arg7[%dma_start3A_586, %dma_start3A_598, %dma_start3A_599] : memref<10x128x64xf32, #tpu.memory_space<vmem>> -> memref<1x128x64xf32, #tpu.memory_space<vmem>>
      %dma_start3A_601 = tpu.memref_squeeze %dma_start3A_600 : memref<1x128x64xf32, #tpu.memory_space<vmem>> -> memref<128x64xf32, #tpu.memory_space<vmem>>
      tpu.enqueue_dma source(%dma_start3A_601 : memref<128x64xf32, #tpu.memory_space<vmem>>) target(%dma_start3A_597 : memref<128x64xf32, #tpu.memory_space<hbm>>) target_semaphore(%dma_start3A_595 : memref<!tpu.dma_semaphore, #tpu.memory_space<semaphore_mem>>)
    } else {
    }
    %dma_wait3A_349 = arith.constant 8 : i32
    %dma_wait3A_350 = arith.constant 8 : i32
    %dma_wait3A_351 = arith.constant 0 : i32
    %dma_wait3A_352 = arith.constant 0 : i32
    %dma_wait3A_353 = tpu.memref_slice %arg7[%dma_wait3A_349, %dma_wait3A_351, %dma_wait3A_352] : memref<10x128x64xf32, #tpu.memory_space<vmem>> -> memref<1x128x64xf32, #tpu.memory_space<vmem>>
    %dma_wait3A_354 = tpu.memref_squeeze %dma_wait3A_353 : memref<1x128x64xf32, #tpu.memory_space<vmem>> -> memref<128x64xf32, #tpu.memory_space<vmem>>
    %dma_wait3A_355 = arith.constant 0 : i32
    %dma_wait3A_356 = tpu.memref_slice %arg6[%dma_wait3A_355] : memref<8960xi32, #tpu.memory_space<vmem>> -> memref<128xi32, #tpu.memory_space<vmem>>
    %dma_wait3A_357 = arith.constant 0 : i32
    %dma_wait3A_358 = arith.constant 0 : i32
    %dma_wait3A_359 = tpu.memref_slice %arg2[%dma_wait3A_357, %dma_wait3A_358] : memref<1000000x64xf32, #tpu.memory_space<hbm>> -> memref<1000000x64xf32, #tpu.memory_space<hbm>>
    %dma_wait3A_360 = tpu.memref_slice %arg8[%dma_wait3A_350] : memref<10x!tpu.dma_semaphore, #tpu.memory_space<semaphore_mem>> -> memref<1x!tpu.dma_semaphore, #tpu.memory_space<semaphore_mem>>
    %dma_wait3A_361 = tpu.memref_squeeze %dma_wait3A_360 : memref<1x!tpu.dma_semaphore, #tpu.memory_space<semaphore_mem>> -> memref<!tpu.dma_semaphore, #tpu.memory_space<semaphore_mem>>
    tpu.wait_indirect_dma semaphore(%dma_wait3A_361 : memref<!tpu.dma_semaphore, #tpu.memory_space<semaphore_mem>>) src(%dma_wait3A_359 : memref<1000000x64xf32, #tpu.memory_space<hbm>>) dst(%dma_wait3A_354 : memref<128x64xf32, #tpu.memory_space<vmem>>)
    %mul3A_362 = arith.constant 70 : i32
    %mul3A_363 = arith.muli %add3A, %mul3A_362 : i32
    %add3A_364 = arith.constant 68 : i32
    %add3A_365 = arith.addi %mul3A_363, %add3A_364 : i32
    %lt3A_366 = arith.constant 640 : i32
    %lt3A_367 = arith.cmpi slt, %add3A_365, %lt3A_366 : i32
    %convert_element_type3A_368 = arith.extui %lt3A_367 : i1 to i32
    %cond3A_369 = arith.constant 0 : i32
    %cond3A_370 = arith.cmpi ne, %convert_element_type3A_368, %cond3A_369 : i32
    scf.if %cond3A_370 {
      %mul3A_583 = arith.constant 128 : i32
      %mul3A_584 = arith.muli %add3A_365, %mul3A_583 : i32
      %dma_start3A_585 = arith.constant 8 : i32
      %dma_start3A_586 = arith.constant 8 : i32
      %dma_start3A_587 = arith.constant 0 : i32
      %dma_start3A_588 = arith.constant 0 : i32
      %dma_start3A_589 = tpu.memref_slice %arg7[%dma_start3A_585, %dma_start3A_587, %dma_start3A_588] : memref<10x128x64xf32, #tpu.memory_space<vmem>> -> memref<1x128x64xf32, #tpu.memory_space<vmem>>
      %dma_start3A_590 = tpu.memref_squeeze %dma_start3A_589 : memref<1x128x64xf32, #tpu.memory_space<vmem>> -> memref<128x64xf32, #tpu.memory_space<vmem>>
      %dma_start3A_591 = arith.constant 0 : i32
      %dma_start3A_592 = tpu.memref_slice %arg4[%mul3A_584, %dma_start3A_591] : memref<81920x64xf32, #tpu.memory_space<hbm>> -> memref<128x64xf32, #tpu.memory_space<hbm>>
      %dma_start3A_593 = tpu.memref_slice %arg9[%dma_start3A_586] : memref<10x!tpu.dma_semaphore, #tpu.memory_space<semaphore_mem>> -> memref<1x!tpu.dma_semaphore, #tpu.memory_space<semaphore_mem>>
      %dma_start3A_594 = tpu.memref_squeeze %dma_start3A_593 : memref<1x!tpu.dma_semaphore, #tpu.memory_space<semaphore_mem>> -> memref<!tpu.dma_semaphore, #tpu.memory_space<semaphore_mem>>
      %dma_start3A_595 = arith.constant 0 : i32
      %dma_start3A_596 = tpu.memref_slice %arg4[%mul3A_584, %dma_start3A_595] : memref<81920x64xf32, #tpu.memory_space<hbm>> -> memref<128x64xf32, #tpu.memory_space<hbm>>
      %dma_start3A_597 = arith.constant 0 : i32
      %dma_start3A_598 = arith.constant 0 : i32
      %dma_start3A_599 = tpu.memref_slice %arg7[%dma_start3A_585, %dma_start3A_597, %dma_start3A_598] : memref<10x128x64xf32, #tpu.memory_space<vmem>> -> memref<1x128x64xf32, #tpu.memory_space<vmem>>
      %dma_start3A_600 = tpu.memref_squeeze %dma_start3A_599 : memref<1x128x64xf32, #tpu.memory_space<vmem>> -> memref<128x64xf32, #tpu.memory_space<vmem>>
      tpu.enqueue_dma source(%dma_start3A_600 : memref<128x64xf32, #tpu.memory_space<vmem>>) target(%dma_start3A_596 : memref<128x64xf32, #tpu.memory_space<hbm>>) target_semaphore(%dma_start3A_594 : memref<!tpu.dma_semaphore, #tpu.memory_space<semaphore_mem>>)
    } else {
    }
    %ge3A_371 = arith.constant 640 : i32
    %ge3A_372 = arith.cmpi sge, %add3A_365, %ge3A_371 : i32
    %convert_element_type3A_373 = arith.extui %ge3A_372 : i1 to i32
    %cond3A_374 = arith.constant 0 : i32
    %cond3A_375 = arith.cmpi ne, %convert_element_type3A_373, %cond3A_374 : i32
    scf.if %cond3A_375 {
      %sub3A = arith.constant 640 : i32
      %sub3A_583 = arith.subi %add3A_365, %sub3A : i32
      %mul3A_584 = arith.constant 128 : i32
      %mul3A_585 = arith.muli %sub3A_583, %mul3A_584 : i32
      %dma_start3A_586 = arith.constant 8 : i32
      %dma_start3A_587 = arith.constant 8 : i32
      %dma_start3A_588 = arith.constant 0 : i32
      %dma_start3A_589 = arith.constant 0 : i32
      %dma_start3A_590 = tpu.memref_slice %arg7[%dma_start3A_586, %dma_start3A_588, %dma_start3A_589] : memref<10x128x64xf32, #tpu.memory_space<vmem>> -> memref<1x128x64xf32, #tpu.memory_space<vmem>>
      %dma_start3A_591 = tpu.memref_squeeze %dma_start3A_590 : memref<1x128x64xf32, #tpu.memory_space<vmem>> -> memref<128x64xf32, #tpu.memory_space<vmem>>
      %dma_start3A_592 = arith.constant 0 : i32
      %dma_start3A_593 = tpu.memref_slice %arg5[%mul3A_585, %dma_start3A_592] : memref<204800x64xf32, #tpu.memory_space<hbm>> -> memref<128x64xf32, #tpu.memory_space<hbm>>
      %dma_start3A_594 = tpu.memref_slice %arg9[%dma_start3A_587] : memref<10x!tpu.dma_semaphore, #tpu.memory_space<semaphore_mem>> -> memref<1x!tpu.dma_semaphore, #tpu.memory_space<semaphore_mem>>
      %dma_start3A_595 = tpu.memref_squeeze %dma_start3A_594 : memref<1x!tpu.dma_semaphore, #tpu.memory_space<semaphore_mem>> -> memref<!tpu.dma_semaphore, #tpu.memory_space<semaphore_mem>>
      %dma_start3A_596 = arith.constant 0 : i32
      %dma_start3A_597 = tpu.memref_slice %arg5[%mul3A_585, %dma_start3A_596] : memref<204800x64xf32, #tpu.memory_space<hbm>> -> memref<128x64xf32, #tpu.memory_space<hbm>>
      %dma_start3A_598 = arith.constant 0 : i32
      %dma_start3A_599 = arith.constant 0 : i32
      %dma_start3A_600 = tpu.memref_slice %arg7[%dma_start3A_586, %dma_start3A_598, %dma_start3A_599] : memref<10x128x64xf32, #tpu.memory_space<vmem>> -> memref<1x128x64xf32, #tpu.memory_space<vmem>>
      %dma_start3A_601 = tpu.memref_squeeze %dma_start3A_600 : memref<1x128x64xf32, #tpu.memory_space<vmem>> -> memref<128x64xf32, #tpu.memory_space<vmem>>
      tpu.enqueue_dma source(%dma_start3A_601 : memref<128x64xf32, #tpu.memory_space<vmem>>) target(%dma_start3A_597 : memref<128x64xf32, #tpu.memory_space<hbm>>) target_semaphore(%dma_start3A_595 : memref<!tpu.dma_semaphore, #tpu.memory_space<semaphore_mem>>)
    } else {
    }
    %dma_wait3A_376 = arith.constant 9 : i32
    %dma_wait3A_377 = arith.constant 9 : i32
    %dma_wait3A_378 = arith.constant 0 : i32
    %dma_wait3A_379 = arith.constant 0 : i32
    %dma_wait3A_380 = tpu.memref_slice %arg7[%dma_wait3A_376, %dma_wait3A_378, %dma_wait3A_379] : memref<10x128x64xf32, #tpu.memory_space<vmem>> -> memref<1x128x64xf32, #tpu.memory_space<vmem>>
    %dma_wait3A_381 = tpu.memref_squeeze %dma_wait3A_380 : memref<1x128x64xf32, #tpu.memory_space<vmem>> -> memref<128x64xf32, #tpu.memory_space<vmem>>
    %dma_wait3A_382 = arith.constant 0 : i32
    %dma_wait3A_383 = tpu.memref_slice %arg6[%dma_wait3A_382] : memref<8960xi32, #tpu.memory_space<vmem>> -> memref<128xi32, #tpu.memory_space<vmem>>
    %dma_wait3A_384 = arith.constant 0 : i32
    %dma_wait3A_385 = arith.constant 0 : i32
    %dma_wait3A_386 = tpu.memref_slice %arg2[%dma_wait3A_384, %dma_wait3A_385] : memref<1000000x64xf32, #tpu.memory_space<hbm>> -> memref<1000000x64xf32, #tpu.memory_space<hbm>>
    %dma_wait3A_387 = tpu.memref_slice %arg8[%dma_wait3A_377] : memref<10x!tpu.dma_semaphore, #tpu.memory_space<semaphore_mem>> -> memref<1x!tpu.dma_semaphore, #tpu.memory_space<semaphore_mem>>
    %dma_wait3A_388 = tpu.memref_squeeze %dma_wait3A_387 : memref<1x!tpu.dma_semaphore, #tpu.memory_space<semaphore_mem>> -> memref<!tpu.dma_semaphore, #tpu.memory_space<semaphore_mem>>
    tpu.wait_indirect_dma semaphore(%dma_wait3A_388 : memref<!tpu.dma_semaphore, #tpu.memory_space<semaphore_mem>>) src(%dma_wait3A_386 : memref<1000000x64xf32, #tpu.memory_space<hbm>>) dst(%dma_wait3A_381 : memref<128x64xf32, #tpu.memory_space<vmem>>)
    %mul3A_389 = arith.constant 70 : i32
    %mul3A_390 = arith.muli %add3A, %mul3A_389 : i32
    %add3A_391 = arith.constant 69 : i32
    %add3A_392 = arith.addi %mul3A_390, %add3A_391 : i32
    %lt3A_393 = arith.constant 640 : i32
    %lt3A_394 = arith.cmpi slt, %add3A_392, %lt3A_393 : i32
    %convert_element_type3A_395 = arith.extui %lt3A_394 : i1 to i32
    %cond3A_396 = arith.constant 0 : i32
    %cond3A_397 = arith.cmpi ne, %convert_element_type3A_395, %cond3A_396 : i32
    scf.if %cond3A_397 {
      %mul3A_583 = arith.constant 128 : i32
      %mul3A_584 = arith.muli %add3A_392, %mul3A_583 : i32
      %dma_start3A_585 = arith.constant 9 : i32
      %dma_start3A_586 = arith.constant 9 : i32
      %dma_start3A_587 = arith.constant 0 : i32
      %dma_start3A_588 = arith.constant 0 : i32
      %dma_start3A_589 = tpu.memref_slice %arg7[%dma_start3A_585, %dma_start3A_587, %dma_start3A_588] : memref<10x128x64xf32, #tpu.memory_space<vmem>> -> memref<1x128x64xf32, #tpu.memory_space<vmem>>
      %dma_start3A_590 = tpu.memref_squeeze %dma_start3A_589 : memref<1x128x64xf32, #tpu.memory_space<vmem>> -> memref<128x64xf32, #tpu.memory_space<vmem>>
      %dma_start3A_591 = arith.constant 0 : i32
      %dma_start3A_592 = tpu.memref_slice %arg4[%mul3A_584, %dma_start3A_591] : memref<81920x64xf32, #tpu.memory_space<hbm>> -> memref<128x64xf32, #tpu.memory_space<hbm>>
      %dma_start3A_593 = tpu.memref_slice %arg9[%dma_start3A_586] : memref<10x!tpu.dma_semaphore, #tpu.memory_space<semaphore_mem>> -> memref<1x!tpu.dma_semaphore, #tpu.memory_space<semaphore_mem>>
      %dma_start3A_594 = tpu.memref_squeeze %dma_start3A_593 : memref<1x!tpu.dma_semaphore, #tpu.memory_space<semaphore_mem>> -> memref<!tpu.dma_semaphore, #tpu.memory_space<semaphore_mem>>
      %dma_start3A_595 = arith.constant 0 : i32
      %dma_start3A_596 = tpu.memref_slice %arg4[%mul3A_584, %dma_start3A_595] : memref<81920x64xf32, #tpu.memory_space<hbm>> -> memref<128x64xf32, #tpu.memory_space<hbm>>
      %dma_start3A_597 = arith.constant 0 : i32
      %dma_start3A_598 = arith.constant 0 : i32
      %dma_start3A_599 = tpu.memref_slice %arg7[%dma_start3A_585, %dma_start3A_597, %dma_start3A_598] : memref<10x128x64xf32, #tpu.memory_space<vmem>> -> memref<1x128x64xf32, #tpu.memory_space<vmem>>
      %dma_start3A_600 = tpu.memref_squeeze %dma_start3A_599 : memref<1x128x64xf32, #tpu.memory_space<vmem>> -> memref<128x64xf32, #tpu.memory_space<vmem>>
      tpu.enqueue_dma source(%dma_start3A_600 : memref<128x64xf32, #tpu.memory_space<vmem>>) target(%dma_start3A_596 : memref<128x64xf32, #tpu.memory_space<hbm>>) target_semaphore(%dma_start3A_594 : memref<!tpu.dma_semaphore, #tpu.memory_space<semaphore_mem>>)
    } else {
    }
    %ge3A_398 = arith.constant 640 : i32
    %ge3A_399 = arith.cmpi sge, %add3A_392, %ge3A_398 : i32
    %convert_element_type3A_400 = arith.extui %ge3A_399 : i1 to i32
    %cond3A_401 = arith.constant 0 : i32
    %cond3A_402 = arith.cmpi ne, %convert_element_type3A_400, %cond3A_401 : i32
    scf.if %cond3A_402 {
      %sub3A = arith.constant 640 : i32
      %sub3A_583 = arith.subi %add3A_392, %sub3A : i32
      %mul3A_584 = arith.constant 128 : i32
      %mul3A_585 = arith.muli %sub3A_583, %mul3A_584 : i32
      %dma_start3A_586 = arith.constant 9 : i32
      %dma_start3A_587 = arith.constant 9 : i32
      %dma_start3A_588 = arith.constant 0 : i32
      %dma_start3A_589 = arith.constant 0 : i32
      %dma_start3A_590 = tpu.memref_slice %arg7[%dma_start3A_586, %dma_start3A_588, %dma_start3A_589] : memref<10x128x64xf32, #tpu.memory_space<vmem>> -> memref<1x128x64xf32, #tpu.memory_space<vmem>>
      %dma_start3A_591 = tpu.memref_squeeze %dma_start3A_590 : memref<1x128x64xf32, #tpu.memory_space<vmem>> -> memref<128x64xf32, #tpu.memory_space<vmem>>
      %dma_start3A_592 = arith.constant 0 : i32
      %dma_start3A_593 = tpu.memref_slice %arg5[%mul3A_585, %dma_start3A_592] : memref<204800x64xf32, #tpu.memory_space<hbm>> -> memref<128x64xf32, #tpu.memory_space<hbm>>
      %dma_start3A_594 = tpu.memref_slice %arg9[%dma_start3A_587] : memref<10x!tpu.dma_semaphore, #tpu.memory_space<semaphore_mem>> -> memref<1x!tpu.dma_semaphore, #tpu.memory_space<semaphore_mem>>
      %dma_start3A_595 = tpu.memref_squeeze %dma_start3A_594 : memref<1x!tpu.dma_semaphore, #tpu.memory_space<semaphore_mem>> -> memref<!tpu.dma_semaphore, #tpu.memory_space<semaphore_mem>>
      %dma_start3A_596 = arith.constant 0 : i32
      %dma_start3A_597 = tpu.memref_slice %arg5[%mul3A_585, %dma_start3A_596] : memref<204800x64xf32, #tpu.memory_space<hbm>> -> memref<128x64xf32, #tpu.memory_space<hbm>>
      %dma_start3A_598 = arith.constant 0 : i32
      %dma_start3A_599 = arith.constant 0 : i32
      %dma_start3A_600 = tpu.memref_slice %arg7[%dma_start3A_586, %dma_start3A_598, %dma_start3A_599] : memref<10x128x64xf32, #tpu.memory_space<vmem>> -> memref<1x128x64xf32, #tpu.memory_space<vmem>>
      %dma_start3A_601 = tpu.memref_squeeze %dma_start3A_600 : memref<1x128x64xf32, #tpu.memory_space<vmem>> -> memref<128x64xf32, #tpu.memory_space<vmem>>
      tpu.enqueue_dma source(%dma_start3A_601 : memref<128x64xf32, #tpu.memory_space<vmem>>) target(%dma_start3A_597 : memref<128x64xf32, #tpu.memory_space<hbm>>) target_semaphore(%dma_start3A_595 : memref<!tpu.dma_semaphore, #tpu.memory_space<semaphore_mem>>)
    } else {
    }
    %dma_wait3A_403 = arith.constant 0 : i32
    %dma_wait3A_404 = arith.constant 0 : i32
    %dma_wait3A_405 = arith.constant 0 : i32
    %dma_wait3A_406 = arith.constant 0 : i32
    %dma_wait3A_407 = tpu.memref_slice %arg7[%dma_wait3A_403, %dma_wait3A_405, %dma_wait3A_406] : memref<10x128x64xf32, #tpu.memory_space<vmem>> -> memref<1x128x64xf32, #tpu.memory_space<vmem>>
    %dma_wait3A_408 = tpu.memref_squeeze %dma_wait3A_407 : memref<1x128x64xf32, #tpu.memory_space<vmem>> -> memref<128x64xf32, #tpu.memory_space<vmem>>
    %dma_wait3A_409 = arith.constant 0 : i32
    %dma_wait3A_410 = arith.constant 0 : i32
    %dma_wait3A_411 = tpu.memref_slice %arg4[%dma_wait3A_409, %dma_wait3A_410] : memref<81920x64xf32, #tpu.memory_space<hbm>> -> memref<128x64xf32, #tpu.memory_space<hbm>>
    %dma_wait3A_412 = tpu.memref_slice %arg9[%dma_wait3A_404] : memref<10x!tpu.dma_semaphore, #tpu.memory_space<semaphore_mem>> -> memref<1x!tpu.dma_semaphore, #tpu.memory_space<semaphore_mem>>
    %dma_wait3A_413 = tpu.memref_squeeze %dma_wait3A_412 : memref<1x!tpu.dma_semaphore, #tpu.memory_space<semaphore_mem>> -> memref<!tpu.dma_semaphore, #tpu.memory_space<semaphore_mem>>
    %dma_wait3A_414 = arith.constant 0 : i32
    %dma_wait3A_415 = arith.constant 0 : i32
    %dma_wait3A_416 = tpu.memref_slice %arg4[%dma_wait3A_414, %dma_wait3A_415] : memref<81920x64xf32, #tpu.memory_space<hbm>> -> memref<128x64xf32, #tpu.memory_space<hbm>>
    %dma_wait3A_417 = arith.constant 0 : i32
    %dma_wait3A_418 = arith.constant 0 : i32
    %dma_wait3A_419 = tpu.memref_slice %arg7[%dma_wait3A_403, %dma_wait3A_417, %dma_wait3A_418] : memref<10x128x64xf32, #tpu.memory_space<vmem>> -> memref<1x128x64xf32, #tpu.memory_space<vmem>>
    %dma_wait3A_420 = tpu.memref_squeeze %dma_wait3A_419 : memref<1x128x64xf32, #tpu.memory_space<vmem>> -> memref<128x64xf32, #tpu.memory_space<vmem>>
    tpu.wait_dma2 semaphore(%dma_wait3A_413 : memref<!tpu.dma_semaphore, #tpu.memory_space<semaphore_mem>>) src(%dma_wait3A_420 : memref<128x64xf32, #tpu.memory_space<vmem>>) dst(%dma_wait3A_416 : memref<128x64xf32, #tpu.memory_space<hbm>>)
    %dma_wait3A_421 = arith.constant 1 : i32
    %dma_wait3A_422 = arith.constant 1 : i32
    %dma_wait3A_423 = arith.constant 0 : i32
    %dma_wait3A_424 = arith.constant 0 : i32
    %dma_wait3A_425 = tpu.memref_slice %arg7[%dma_wait3A_421, %dma_wait3A_423, %dma_wait3A_424] : memref<10x128x64xf32, #tpu.memory_space<vmem>> -> memref<1x128x64xf32, #tpu.memory_space<vmem>>
    %dma_wait3A_426 = tpu.memref_squeeze %dma_wait3A_425 : memref<1x128x64xf32, #tpu.memory_space<vmem>> -> memref<128x64xf32, #tpu.memory_space<vmem>>
    %dma_wait3A_427 = arith.constant 0 : i32
    %dma_wait3A_428 = arith.constant 0 : i32
    %dma_wait3A_429 = tpu.memref_slice %arg4[%dma_wait3A_427, %dma_wait3A_428] : memref<81920x64xf32, #tpu.memory_space<hbm>> -> memref<128x64xf32, #tpu.memory_space<hbm>>
    %dma_wait3A_430 = tpu.memref_slice %arg9[%dma_wait3A_422] : memref<10x!tpu.dma_semaphore, #tpu.memory_space<semaphore_mem>> -> memref<1x!tpu.dma_semaphore, #tpu.memory_space<semaphore_mem>>
    %dma_wait3A_431 = tpu.memref_squeeze %dma_wait3A_430 : memref<1x!tpu.dma_semaphore, #tpu.memory_space<semaphore_mem>> -> memref<!tpu.dma_semaphore, #tpu.memory_space<semaphore_mem>>
    %dma_wait3A_432 = arith.constant 0 : i32
    %dma_wait3A_433 = arith.constant 0 : i32
    %dma_wait3A_434 = tpu.memref_slice %arg4[%dma_wait3A_432, %dma_wait3A_433] : memref<81920x64xf32, #tpu.memory_space<hbm>> -> memref<128x64xf32, #tpu.memory_space<hbm>>
    %dma_wait3A_435 = arith.constant 0 : i32
    %dma_wait3A_436 = arith.constant 0 : i32
    %dma_wait3A_437 = tpu.memref_slice %arg7[%dma_wait3A_421, %dma_wait3A_435, %dma_wait3A_436] : memref<10x128x64xf32, #tpu.memory_space<vmem>> -> memref<1x128x64xf32, #tpu.memory_space<vmem>>
    %dma_wait3A_438 = tpu.memref_squeeze %dma_wait3A_437 : memref<1x128x64xf32, #tpu.memory_space<vmem>> -> memref<128x64xf32, #tpu.memory_space<vmem>>
    tpu.wait_dma2 semaphore(%dma_wait3A_431 : memref<!tpu.dma_semaphore, #tpu.memory_space<semaphore_mem>>) src(%dma_wait3A_438 : memref<128x64xf32, #tpu.memory_space<vmem>>) dst(%dma_wait3A_434 : memref<128x64xf32, #tpu.memory_space<hbm>>)
    %dma_wait3A_439 = arith.constant 2 : i32
    %dma_wait3A_440 = arith.constant 2 : i32
    %dma_wait3A_441 = arith.constant 0 : i32
    %dma_wait3A_442 = arith.constant 0 : i32
    %dma_wait3A_443 = tpu.memref_slice %arg7[%dma_wait3A_439, %dma_wait3A_441, %dma_wait3A_442] : memref<10x128x64xf32, #tpu.memory_space<vmem>> -> memref<1x128x64xf32, #tpu.memory_space<vmem>>
    %dma_wait3A_444 = tpu.memref_squeeze %dma_wait3A_443 : memref<1x128x64xf32, #tpu.memory_space<vmem>> -> memref<128x64xf32, #tpu.memory_space<vmem>>
    %dma_wait3A_445 = arith.constant 0 : i32
    %dma_wait3A_446 = arith.constant 0 : i32
    %dma_wait3A_447 = tpu.memref_slice %arg4[%dma_wait3A_445, %dma_wait3A_446] : memref<81920x64xf32, #tpu.memory_space<hbm>> -> memref<128x64xf32, #tpu.memory_space<hbm>>
    %dma_wait3A_448 = tpu.memref_slice %arg9[%dma_wait3A_440] : memref<10x!tpu.dma_semaphore, #tpu.memory_space<semaphore_mem>> -> memref<1x!tpu.dma_semaphore, #tpu.memory_space<semaphore_mem>>
    %dma_wait3A_449 = tpu.memref_squeeze %dma_wait3A_448 : memref<1x!tpu.dma_semaphore, #tpu.memory_space<semaphore_mem>> -> memref<!tpu.dma_semaphore, #tpu.memory_space<semaphore_mem>>
    %dma_wait3A_450 = arith.constant 0 : i32
    %dma_wait3A_451 = arith.constant 0 : i32
    %dma_wait3A_452 = tpu.memref_slice %arg4[%dma_wait3A_450, %dma_wait3A_451] : memref<81920x64xf32, #tpu.memory_space<hbm>> -> memref<128x64xf32, #tpu.memory_space<hbm>>
    %dma_wait3A_453 = arith.constant 0 : i32
    %dma_wait3A_454 = arith.constant 0 : i32
    %dma_wait3A_455 = tpu.memref_slice %arg7[%dma_wait3A_439, %dma_wait3A_453, %dma_wait3A_454] : memref<10x128x64xf32, #tpu.memory_space<vmem>> -> memref<1x128x64xf32, #tpu.memory_space<vmem>>
    %dma_wait3A_456 = tpu.memref_squeeze %dma_wait3A_455 : memref<1x128x64xf32, #tpu.memory_space<vmem>> -> memref<128x64xf32, #tpu.memory_space<vmem>>
    tpu.wait_dma2 semaphore(%dma_wait3A_449 : memref<!tpu.dma_semaphore, #tpu.memory_space<semaphore_mem>>) src(%dma_wait3A_456 : memref<128x64xf32, #tpu.memory_space<vmem>>) dst(%dma_wait3A_452 : memref<128x64xf32, #tpu.memory_space<hbm>>)
    %dma_wait3A_457 = arith.constant 3 : i32
    %dma_wait3A_458 = arith.constant 3 : i32
    %dma_wait3A_459 = arith.constant 0 : i32
    %dma_wait3A_460 = arith.constant 0 : i32
    %dma_wait3A_461 = tpu.memref_slice %arg7[%dma_wait3A_457, %dma_wait3A_459, %dma_wait3A_460] : memref<10x128x64xf32, #tpu.memory_space<vmem>> -> memref<1x128x64xf32, #tpu.memory_space<vmem>>
    %dma_wait3A_462 = tpu.memref_squeeze %dma_wait3A_461 : memref<1x128x64xf32, #tpu.memory_space<vmem>> -> memref<128x64xf32, #tpu.memory_space<vmem>>
    %dma_wait3A_463 = arith.constant 0 : i32
    %dma_wait3A_464 = arith.constant 0 : i32
    %dma_wait3A_465 = tpu.memref_slice %arg4[%dma_wait3A_463, %dma_wait3A_464] : memref<81920x64xf32, #tpu.memory_space<hbm>> -> memref<128x64xf32, #tpu.memory_space<hbm>>
    %dma_wait3A_466 = tpu.memref_slice %arg9[%dma_wait3A_458] : memref<10x!tpu.dma_semaphore, #tpu.memory_space<semaphore_mem>> -> memref<1x!tpu.dma_semaphore, #tpu.memory_space<semaphore_mem>>
    %dma_wait3A_467 = tpu.memref_squeeze %dma_wait3A_466 : memref<1x!tpu.dma_semaphore, #tpu.memory_space<semaphore_mem>> -> memref<!tpu.dma_semaphore, #tpu.memory_space<semaphore_mem>>
    %dma_wait3A_468 = arith.constant 0 : i32
    %dma_wait3A_469 = arith.constant 0 : i32
    %dma_wait3A_470 = tpu.memref_slice %arg4[%dma_wait3A_468, %dma_wait3A_469] : memref<81920x64xf32, #tpu.memory_space<hbm>> -> memref<128x64xf32, #tpu.memory_space<hbm>>
    %dma_wait3A_471 = arith.constant 0 : i32
    %dma_wait3A_472 = arith.constant 0 : i32
    %dma_wait3A_473 = tpu.memref_slice %arg7[%dma_wait3A_457, %dma_wait3A_471, %dma_wait3A_472] : memref<10x128x64xf32, #tpu.memory_space<vmem>> -> memref<1x128x64xf32, #tpu.memory_space<vmem>>
    %dma_wait3A_474 = tpu.memref_squeeze %dma_wait3A_473 : memref<1x128x64xf32, #tpu.memory_space<vmem>> -> memref<128x64xf32, #tpu.memory_space<vmem>>
    tpu.wait_dma2 semaphore(%dma_wait3A_467 : memref<!tpu.dma_semaphore, #tpu.memory_space<semaphore_mem>>) src(%dma_wait3A_474 : memref<128x64xf32, #tpu.memory_space<vmem>>) dst(%dma_wait3A_470 : memref<128x64xf32, #tpu.memory_space<hbm>>)
    %dma_wait3A_475 = arith.constant 4 : i32
    %dma_wait3A_476 = arith.constant 4 : i32
    %dma_wait3A_477 = arith.constant 0 : i32
    %dma_wait3A_478 = arith.constant 0 : i32
    %dma_wait3A_479 = tpu.memref_slice %arg7[%dma_wait3A_475, %dma_wait3A_477, %dma_wait3A_478] : memref<10x128x64xf32, #tpu.memory_space<vmem>> -> memref<1x128x64xf32, #tpu.memory_space<vmem>>
    %dma_wait3A_480 = tpu.memref_squeeze %dma_wait3A_479 : memref<1x128x64xf32, #tpu.memory_space<vmem>> -> memref<128x64xf32, #tpu.memory_space<vmem>>
    %dma_wait3A_481 = arith.constant 0 : i32
    %dma_wait3A_482 = arith.constant 0 : i32
    %dma_wait3A_483 = tpu.memref_slice %arg4[%dma_wait3A_481, %dma_wait3A_482] : memref<81920x64xf32, #tpu.memory_space<hbm>> -> memref<128x64xf32, #tpu.memory_space<hbm>>
    %dma_wait3A_484 = tpu.memref_slice %arg9[%dma_wait3A_476] : memref<10x!tpu.dma_semaphore, #tpu.memory_space<semaphore_mem>> -> memref<1x!tpu.dma_semaphore, #tpu.memory_space<semaphore_mem>>
    %dma_wait3A_485 = tpu.memref_squeeze %dma_wait3A_484 : memref<1x!tpu.dma_semaphore, #tpu.memory_space<semaphore_mem>> -> memref<!tpu.dma_semaphore, #tpu.memory_space<semaphore_mem>>
    %dma_wait3A_486 = arith.constant 0 : i32
    %dma_wait3A_487 = arith.constant 0 : i32
    %dma_wait3A_488 = tpu.memref_slice %arg4[%dma_wait3A_486, %dma_wait3A_487] : memref<81920x64xf32, #tpu.memory_space<hbm>> -> memref<128x64xf32, #tpu.memory_space<hbm>>
    %dma_wait3A_489 = arith.constant 0 : i32
    %dma_wait3A_490 = arith.constant 0 : i32
    %dma_wait3A_491 = tpu.memref_slice %arg7[%dma_wait3A_475, %dma_wait3A_489, %dma_wait3A_490] : memref<10x128x64xf32, #tpu.memory_space<vmem>> -> memref<1x128x64xf32, #tpu.memory_space<vmem>>
    %dma_wait3A_492 = tpu.memref_squeeze %dma_wait3A_491 : memref<1x128x64xf32, #tpu.memory_space<vmem>> -> memref<128x64xf32, #tpu.memory_space<vmem>>
    tpu.wait_dma2 semaphore(%dma_wait3A_485 : memref<!tpu.dma_semaphore, #tpu.memory_space<semaphore_mem>>) src(%dma_wait3A_492 : memref<128x64xf32, #tpu.memory_space<vmem>>) dst(%dma_wait3A_488 : memref<128x64xf32, #tpu.memory_space<hbm>>)
    %dma_wait3A_493 = arith.constant 5 : i32
    %dma_wait3A_494 = arith.constant 5 : i32
    %dma_wait3A_495 = arith.constant 0 : i32
    %dma_wait3A_496 = arith.constant 0 : i32
    %dma_wait3A_497 = tpu.memref_slice %arg7[%dma_wait3A_493, %dma_wait3A_495, %dma_wait3A_496] : memref<10x128x64xf32, #tpu.memory_space<vmem>> -> memref<1x128x64xf32, #tpu.memory_space<vmem>>
    %dma_wait3A_498 = tpu.memref_squeeze %dma_wait3A_497 : memref<1x128x64xf32, #tpu.memory_space<vmem>> -> memref<128x64xf32, #tpu.memory_space<vmem>>
    %dma_wait3A_499 = arith.constant 0 : i32
    %dma_wait3A_500 = arith.constant 0 : i32
    %dma_wait3A_501 = tpu.memref_slice %arg4[%dma_wait3A_499, %dma_wait3A_500] : memref<81920x64xf32, #tpu.memory_space<hbm>> -> memref<128x64xf32, #tpu.memory_space<hbm>>
    %dma_wait3A_502 = tpu.memref_slice %arg9[%dma_wait3A_494] : memref<10x!tpu.dma_semaphore, #tpu.memory_space<semaphore_mem>> -> memref<1x!tpu.dma_semaphore, #tpu.memory_space<semaphore_mem>>
    %dma_wait3A_503 = tpu.memref_squeeze %dma_wait3A_502 : memref<1x!tpu.dma_semaphore, #tpu.memory_space<semaphore_mem>> -> memref<!tpu.dma_semaphore, #tpu.memory_space<semaphore_mem>>
    %dma_wait3A_504 = arith.constant 0 : i32
    %dma_wait3A_505 = arith.constant 0 : i32
    %dma_wait3A_506 = tpu.memref_slice %arg4[%dma_wait3A_504, %dma_wait3A_505] : memref<81920x64xf32, #tpu.memory_space<hbm>> -> memref<128x64xf32, #tpu.memory_space<hbm>>
    %dma_wait3A_507 = arith.constant 0 : i32
    %dma_wait3A_508 = arith.constant 0 : i32
    %dma_wait3A_509 = tpu.memref_slice %arg7[%dma_wait3A_493, %dma_wait3A_507, %dma_wait3A_508] : memref<10x128x64xf32, #tpu.memory_space<vmem>> -> memref<1x128x64xf32, #tpu.memory_space<vmem>>
    %dma_wait3A_510 = tpu.memref_squeeze %dma_wait3A_509 : memref<1x128x64xf32, #tpu.memory_space<vmem>> -> memref<128x64xf32, #tpu.memory_space<vmem>>
    tpu.wait_dma2 semaphore(%dma_wait3A_503 : memref<!tpu.dma_semaphore, #tpu.memory_space<semaphore_mem>>) src(%dma_wait3A_510 : memref<128x64xf32, #tpu.memory_space<vmem>>) dst(%dma_wait3A_506 : memref<128x64xf32, #tpu.memory_space<hbm>>)
    %dma_wait3A_511 = arith.constant 6 : i32
    %dma_wait3A_512 = arith.constant 6 : i32
    %dma_wait3A_513 = arith.constant 0 : i32
    %dma_wait3A_514 = arith.constant 0 : i32
    %dma_wait3A_515 = tpu.memref_slice %arg7[%dma_wait3A_511, %dma_wait3A_513, %dma_wait3A_514] : memref<10x128x64xf32, #tpu.memory_space<vmem>> -> memref<1x128x64xf32, #tpu.memory_space<vmem>>
    %dma_wait3A_516 = tpu.memref_squeeze %dma_wait3A_515 : memref<1x128x64xf32, #tpu.memory_space<vmem>> -> memref<128x64xf32, #tpu.memory_space<vmem>>
    %dma_wait3A_517 = arith.constant 0 : i32
    %dma_wait3A_518 = arith.constant 0 : i32
    %dma_wait3A_519 = tpu.memref_slice %arg4[%dma_wait3A_517, %dma_wait3A_518] : memref<81920x64xf32, #tpu.memory_space<hbm>> -> memref<128x64xf32, #tpu.memory_space<hbm>>
    %dma_wait3A_520 = tpu.memref_slice %arg9[%dma_wait3A_512] : memref<10x!tpu.dma_semaphore, #tpu.memory_space<semaphore_mem>> -> memref<1x!tpu.dma_semaphore, #tpu.memory_space<semaphore_mem>>
    %dma_wait3A_521 = tpu.memref_squeeze %dma_wait3A_520 : memref<1x!tpu.dma_semaphore, #tpu.memory_space<semaphore_mem>> -> memref<!tpu.dma_semaphore, #tpu.memory_space<semaphore_mem>>
    %dma_wait3A_522 = arith.constant 0 : i32
    %dma_wait3A_523 = arith.constant 0 : i32
    %dma_wait3A_524 = tpu.memref_slice %arg4[%dma_wait3A_522, %dma_wait3A_523] : memref<81920x64xf32, #tpu.memory_space<hbm>> -> memref<128x64xf32, #tpu.memory_space<hbm>>
    %dma_wait3A_525 = arith.constant 0 : i32
    %dma_wait3A_526 = arith.constant 0 : i32
    %dma_wait3A_527 = tpu.memref_slice %arg7[%dma_wait3A_511, %dma_wait3A_525, %dma_wait3A_526] : memref<10x128x64xf32, #tpu.memory_space<vmem>> -> memref<1x128x64xf32, #tpu.memory_space<vmem>>
    %dma_wait3A_528 = tpu.memref_squeeze %dma_wait3A_527 : memref<1x128x64xf32, #tpu.memory_space<vmem>> -> memref<128x64xf32, #tpu.memory_space<vmem>>
    tpu.wait_dma2 semaphore(%dma_wait3A_521 : memref<!tpu.dma_semaphore, #tpu.memory_space<semaphore_mem>>) src(%dma_wait3A_528 : memref<128x64xf32, #tpu.memory_space<vmem>>) dst(%dma_wait3A_524 : memref<128x64xf32, #tpu.memory_space<hbm>>)
    %dma_wait3A_529 = arith.constant 7 : i32
    %dma_wait3A_530 = arith.constant 7 : i32
    %dma_wait3A_531 = arith.constant 0 : i32
    %dma_wait3A_532 = arith.constant 0 : i32
    %dma_wait3A_533 = tpu.memref_slice %arg7[%dma_wait3A_529, %dma_wait3A_531, %dma_wait3A_532] : memref<10x128x64xf32, #tpu.memory_space<vmem>> -> memref<1x128x64xf32, #tpu.memory_space<vmem>>
    %dma_wait3A_534 = tpu.memref_squeeze %dma_wait3A_533 : memref<1x128x64xf32, #tpu.memory_space<vmem>> -> memref<128x64xf32, #tpu.memory_space<vmem>>
    %dma_wait3A_535 = arith.constant 0 : i32
    %dma_wait3A_536 = arith.constant 0 : i32
    %dma_wait3A_537 = tpu.memref_slice %arg4[%dma_wait3A_535, %dma_wait3A_536] : memref<81920x64xf32, #tpu.memory_space<hbm>> -> memref<128x64xf32, #tpu.memory_space<hbm>>
    %dma_wait3A_538 = tpu.memref_slice %arg9[%dma_wait3A_530] : memref<10x!tpu.dma_semaphore, #tpu.memory_space<semaphore_mem>> -> memref<1x!tpu.dma_semaphore, #tpu.memory_space<semaphore_mem>>
    %dma_wait3A_539 = tpu.memref_squeeze %dma_wait3A_538 : memref<1x!tpu.dma_semaphore, #tpu.memory_space<semaphore_mem>> -> memref<!tpu.dma_semaphore, #tpu.memory_space<semaphore_mem>>
    %dma_wait3A_540 = arith.constant 0 : i32
    %dma_wait3A_541 = arith.constant 0 : i32
    %dma_wait3A_542 = tpu.memref_slice %arg4[%dma_wait3A_540, %dma_wait3A_541] : memref<81920x64xf32, #tpu.memory_space<hbm>> -> memref<128x64xf32, #tpu.memory_space<hbm>>
    %dma_wait3A_543 = arith.constant 0 : i32
    %dma_wait3A_544 = arith.constant 0 : i32
    %dma_wait3A_545 = tpu.memref_slice %arg7[%dma_wait3A_529, %dma_wait3A_543, %dma_wait3A_544] : memref<10x128x64xf32, #tpu.memory_space<vmem>> -> memref<1x128x64xf32, #tpu.memory_space<vmem>>
    %dma_wait3A_546 = tpu.memref_squeeze %dma_wait3A_545 : memref<1x128x64xf32, #tpu.memory_space<vmem>> -> memref<128x64xf32, #tpu.memory_space<vmem>>
    tpu.wait_dma2 semaphore(%dma_wait3A_539 : memref<!tpu.dma_semaphore, #tpu.memory_space<semaphore_mem>>) src(%dma_wait3A_546 : memref<128x64xf32, #tpu.memory_space<vmem>>) dst(%dma_wait3A_542 : memref<128x64xf32, #tpu.memory_space<hbm>>)
    %dma_wait3A_547 = arith.constant 8 : i32
    %dma_wait3A_548 = arith.constant 8 : i32
    %dma_wait3A_549 = arith.constant 0 : i32
    %dma_wait3A_550 = arith.constant 0 : i32
    %dma_wait3A_551 = tpu.memref_slice %arg7[%dma_wait3A_547, %dma_wait3A_549, %dma_wait3A_550] : memref<10x128x64xf32, #tpu.memory_space<vmem>> -> memref<1x128x64xf32, #tpu.memory_space<vmem>>
    %dma_wait3A_552 = tpu.memref_squeeze %dma_wait3A_551 : memref<1x128x64xf32, #tpu.memory_space<vmem>> -> memref<128x64xf32, #tpu.memory_space<vmem>>
    %dma_wait3A_553 = arith.constant 0 : i32
    %dma_wait3A_554 = arith.constant 0 : i32
    %dma_wait3A_555 = tpu.memref_slice %arg4[%dma_wait3A_553, %dma_wait3A_554] : memref<81920x64xf32, #tpu.memory_space<hbm>> -> memref<128x64xf32, #tpu.memory_space<hbm>>
    %dma_wait3A_556 = tpu.memref_slice %arg9[%dma_wait3A_548] : memref<10x!tpu.dma_semaphore, #tpu.memory_space<semaphore_mem>> -> memref<1x!tpu.dma_semaphore, #tpu.memory_space<semaphore_mem>>
    %dma_wait3A_557 = tpu.memref_squeeze %dma_wait3A_556 : memref<1x!tpu.dma_semaphore, #tpu.memory_space<semaphore_mem>> -> memref<!tpu.dma_semaphore, #tpu.memory_space<semaphore_mem>>
    %dma_wait3A_558 = arith.constant 0 : i32
    %dma_wait3A_559 = arith.constant 0 : i32
    %dma_wait3A_560 = tpu.memref_slice %arg4[%dma_wait3A_558, %dma_wait3A_559] : memref<81920x64xf32, #tpu.memory_space<hbm>> -> memref<128x64xf32, #tpu.memory_space<hbm>>
    %dma_wait3A_561 = arith.constant 0 : i32
    %dma_wait3A_562 = arith.constant 0 : i32
    %dma_wait3A_563 = tpu.memref_slice %arg7[%dma_wait3A_547, %dma_wait3A_561, %dma_wait3A_562] : memref<10x128x64xf32, #tpu.memory_space<vmem>> -> memref<1x128x64xf32, #tpu.memory_space<vmem>>
    %dma_wait3A_564 = tpu.memref_squeeze %dma_wait3A_563 : memref<1x128x64xf32, #tpu.memory_space<vmem>> -> memref<128x64xf32, #tpu.memory_space<vmem>>
    tpu.wait_dma2 semaphore(%dma_wait3A_557 : memref<!tpu.dma_semaphore, #tpu.memory_space<semaphore_mem>>) src(%dma_wait3A_564 : memref<128x64xf32, #tpu.memory_space<vmem>>) dst(%dma_wait3A_560 : memref<128x64xf32, #tpu.memory_space<hbm>>)
    %dma_wait3A_565 = arith.constant 9 : i32
    %dma_wait3A_566 = arith.constant 9 : i32
    %dma_wait3A_567 = arith.constant 0 : i32
    %dma_wait3A_568 = arith.constant 0 : i32
    %dma_wait3A_569 = tpu.memref_slice %arg7[%dma_wait3A_565, %dma_wait3A_567, %dma_wait3A_568] : memref<10x128x64xf32, #tpu.memory_space<vmem>> -> memref<1x128x64xf32, #tpu.memory_space<vmem>>
    %dma_wait3A_570 = tpu.memref_squeeze %dma_wait3A_569 : memref<1x128x64xf32, #tpu.memory_space<vmem>> -> memref<128x64xf32, #tpu.memory_space<vmem>>
    %dma_wait3A_571 = arith.constant 0 : i32
    %dma_wait3A_572 = arith.constant 0 : i32
    %dma_wait3A_573 = tpu.memref_slice %arg4[%dma_wait3A_571, %dma_wait3A_572] : memref<81920x64xf32, #tpu.memory_space<hbm>> -> memref<128x64xf32, #tpu.memory_space<hbm>>
    %dma_wait3A_574 = tpu.memref_slice %arg9[%dma_wait3A_566] : memref<10x!tpu.dma_semaphore, #tpu.memory_space<semaphore_mem>> -> memref<1x!tpu.dma_semaphore, #tpu.memory_space<semaphore_mem>>
    %dma_wait3A_575 = tpu.memref_squeeze %dma_wait3A_574 : memref<1x!tpu.dma_semaphore, #tpu.memory_space<semaphore_mem>> -> memref<!tpu.dma_semaphore, #tpu.memory_space<semaphore_mem>>
    %dma_wait3A_576 = arith.constant 0 : i32
    %dma_wait3A_577 = arith.constant 0 : i32
    %dma_wait3A_578 = tpu.memref_slice %arg4[%dma_wait3A_576, %dma_wait3A_577] : memref<81920x64xf32, #tpu.memory_space<hbm>> -> memref<128x64xf32, #tpu.memory_space<hbm>>
    %dma_wait3A_579 = arith.constant 0 : i32
    %dma_wait3A_580 = arith.constant 0 : i32
    %dma_wait3A_581 = tpu.memref_slice %arg7[%dma_wait3A_565, %dma_wait3A_579, %dma_wait3A_580] : memref<10x128x64xf32, #tpu.memory_space<vmem>> -> memref<1x128x64xf32, #tpu.memory_space<vmem>>
    %dma_wait3A_582 = tpu.memref_squeeze %dma_wait3A_581 : memref<1x128x64xf32, #tpu.memory_space<vmem>> -> memref<128x64xf32, #tpu.memory_space<vmem>>
    tpu.wait_dma2 semaphore(%dma_wait3A_575 : memref<!tpu.dma_semaphore, #tpu.memory_space<semaphore_mem>>) src(%dma_wait3A_582 : memref<128x64xf32, #tpu.memory_space<vmem>>) dst(%dma_wait3A_578 : memref<128x64xf32, #tpu.memory_space<hbm>>)
    return
  }
}

</mosaic_0001>

<sc_bundles>
// kernel: kernel.3.cloned.1.call-start
scs
__scs_entry_jumppad:
0x0: {  	(pc) =	sbr.rel $0x88, $3  }
0x1: {  	(tag) =	ssettag $0x0;
	lr =	simm.s32 $0x1  }
0x2: {  	[smem:$0x3F9E] =	sst lr;
	_ =	strace $0xD0000000  }
0x3: {  	_ = 	snop  }
0x4: {  	_ = 	snop  }
0x5: {  	_ = 	snop  }
0x6: {  	_ = 	snop  }
0x7: {  	_ = 	snop  }
__scs_overlays_trampoline_lowered:
0x8: {  	[smem:$0x3FAD] =	sst s0  }
0x9: {  	[smem:$0x3FAE] =	sst s1  }
0xa: {  	[smem:$0x3FAF] =	sst s2  }
0xb: {  	[smem:$0x3FB0] =	sst s3  }
0xc: {  	[smem:$0x3FB1] =	sst s4  }
0xd: {  	[smem:$0x3FB2] =	sst s5  }
0xe: {  	[smem:$0x3FB3] =	sst s6  }
0xf: {  	[smem:$0x3FB4] =	sst s7  }
0x10: {  	[smem:$0x3FB5] =	sst s8  }
0x11: {  	[smem:$0x3FB6] =	sst s9;
	s0 =	simm.s32 @!p0 $0x0  }
0x12: {  	s1 =	sld [smem:$0x3F9C];
	s0 =	simm.s32 @p0 $0x1  }
0x13: {  	[smem:$0x3FB7] =	sst s0;
	s0 =	simm.s32 @!p1 $0x0  }
0x14: {  	s2 =	sld [smem:$0x3F9B];
	s0 =	simm.s32 @p1 $0x1  }
0x15: {  	[smem:$0x3FB8] =	sst s0;
	s0 =	simm.s32 @!p2 $0x0  }
0x16: {  	s3 =	sld [smem:$0x3FDB];
	s0 =	simm.s32 @p2 $0x1  }
0x17: {  	s4 =	simm.s32 $0x1BF5;
	[smem:$0x3FBA] =	sst s0  }
0x18: {  	s0 =	sld [smem:$0x3F9D];
	_ =	swait.ge [sflag:s4], $0x0  }
0x19: {  	s7 =	sld [smem:$0x3F9E]  }
0x1a: {  	s8 =	sadd.s32 $0xFFFFE003, lr  }
0x1b: {  	s9 =	sadd.s32 $0xFFFFFEF7, lr;
	s5 =	simm.s32 $0xFFFFFFFF;
	p2 =	slt.u32 s8, $0xFFFFF086  }
0x1c: {  	p1 =	slt.u32 s9, $0xF7A;
	s5 =	simm.s32 @!p2 $0x0  }
0x1d: {  	s5 =	simm.s32 @p1 $0x1;
	p0 =	seq.s32 s7, s2  }
0x1e: {  	s7 =	smul.u32 @!p0 $0xF7A, s2;
	p2 =	seq.s32 @!p0 s5, $0x0  }
0x1f: {  	s9 =	smul.u32 $0xF7A, s1;
	s8 =	simm.s32 @!p0 $0x1BF5;
	p2 =	por !p2, p0  }
0x20: {  	[sflag:s8] =	ssyncset.s32 @!p0 $0xFFFFF086;
	s6 =	sadd.s32 @!p0 s3, s7;
	s7 =	simm.s32 @!p0 $0x108  }
0x21: {  	s3 =	sadd.s32 s3, s9;
	s6 =	sadd.s32 @!p0 $0x88, s6;
	s7 =	simm.s32 @p2 $0x1082  }
0x22: {  	[simem:s7], [sflag:s8] =	dma.local @!p0 [hbm:s6], $0xF7A  }
0x23: {  	s9 =	sor.u32 $0xD0000000, s2;
	s6 =	simm.s32 $0x108;
	_ =	swait.ge @!p0 [sflag:s8], $0x0  }
0x24: {  	s3 =	sadd.s32 $0x88, s3;
	s6 =	simm.s32 @!p1 $0x1082;
	[sflag:s4] =	ssyncset.s32 $0xFFFFF086  }
0x25: {  	[simem:s6], [sflag:s4] =	dma.local [hbm:s3], $0xF7A  }
0x26: {  	[smem:$0x3F9E] =	sst s1;
	(tag) =	ssettag s2;
	_ =	strace s9  }
0x27: {  	s1 =	sld [smem:$0x3FAE]  }
0x28: {  	s2 =	sld [smem:$0x3FAF]  }
0x29: {  	s4 =	sld [smem:$0x3FB1]  }
0x2a: {  	p0 =	seq.s32 s5, $0x0;
	s5 =	sld [smem:$0x3FB2]  }
0x2b: {  	s6 =	sld [smem:$0x3FB3]  }
0x2c: {  	s7 =	sld [smem:$0x3FB4]  }
0x2d: {  	s3 =	simm.s32 $0x108;
	s8 =	sld [smem:$0x3FB5]  }
0x2e: {  	s3 =	simm.s32 @!p0 $0x1082;
	s9 =	sld [smem:$0x3FB6]  }
0x2f: {  	lr =	sadd.s32 s0, s3;
	s0 =	sld [smem:$0x3FAD]  }
0x30: {  	s3 =	sld [smem:$0x3FB0]  }
0x31: {  	[smem:$0x3FB9] =	sst s10  }
0x32: {  	s10 =	sld [smem:$0x3FB7];
	_ =	sdelay $0x3  }
0x33: {  	p0 =	seq.s32 s10, $0x1;
	s10 =	sld [smem:$0x3FB9];
	_ =	sdelay $0x3  }
0x34: {  	[smem:$0x3FB9] =	sst s10  }
0x35: {  	s10 =	sld [smem:$0x3FB8];
	_ =	sdelay $0x3  }
0x36: {  	p1 =	seq.s32 s10, $0x1;
	s10 =	sld [smem:$0x3FB9];
	_ =	sdelay $0x3  }
0x37: {  	[smem:$0x3FB9] =	sst s10  }
0x38: {  	s10 =	sld [smem:$0x3FBA]  }
0x39: {  	_ = 	snop;
	(pc) =	sbr.ind lr, $3  }
0x3a: {  	_ = 	snop  }
0x3b: {  	_ = 	snop  }
0x3c: {  	p2 =	seq.s32 s10, $0x1;
	s10 =	sld [smem:$0x3FB9]  }
0x3d: {  	_ =	shalt  }
0x3e: {  	_ =	shalt  }
0x3f: {  	_ =	shalt  }
0x40: {  	_ =	shalt  }
0x41: {  	_ =	shalt  }
0x42: {  	_ =	shalt  }
0x43: {  	_ =	shalt  }
0x44: {  	_ =	shalt  }
0x45: {  	_ =	shalt  }
0x46: {  	_ =	shalt  }
0x47: {  	_ =	shalt  }
0x48: {  	_ =	shalt  }
0x49: {  	_ =	shalt  }
0x4a: {  	_ =	shalt  }
0x4b: {  	_ =	shalt  }
0x4c: {  	_ =	shalt  }
0x4d: {  	_ =	shalt  }
0x4e: {  	_ =	shalt  }
0x4f: {  	_ =	shalt  }
0x50: {  	_ =	shalt  }
0x51: {  	_ =	shalt  }
0x52: {  	_ =	shalt  }
0x53: {  	_ =	shalt  }
0x54: {  	_ =	shalt  }
0x55: {  	_ =	shalt  }
0x56: {  	_ =	shalt  }
0x57: {  	_ =	shalt  }
0x58: {  	_ =	shalt  }
0x59: {  	_ =	shalt  }
0x5a: {  	_ =	shalt  }
0x5b: {  	_ =	shalt  }
0x5c: {  	_ =	shalt  }
0x5d: {  	_ =	shalt  }
0x5e: {  	_ =	shalt  }
0x5f: {  	_ =	shalt  }
0x60: {  	_ =	shalt  }
0x61: {  	_ =	shalt  }
0x62: {  	_ =	shalt  }
0x63: {  	_ =	shalt  }
0x64: {  	_ =	shalt  }
0x65: {  	_ =	shalt  }
0x66: {  	_ =	shalt  }
0x67: {  	_ =	shalt  }
0x68: {  	_ =	shalt  }
0x69: {  	_ =	shalt  }
0x6a: {  	_ =	shalt  }
0x6b: {  	_ =	shalt  }
0x6c: {  	_ =	shalt  }
0x6d: {  	_ =	shalt  }
0x6e: {  	_ =	shalt  }
0x6f: {  	_ =	shalt  }
0x70: {  	_ =	shalt  }
0x71: {  	_ =	shalt  }
0x72: {  	_ =	shalt  }
0x73: {  	_ =	shalt  }
0x74: {  	_ =	shalt  }
0x75: {  	_ =	shalt  }
0x76: {  	_ =	shalt  }
0x77: {  	_ =	shalt  }
0x78: {  	_ =	shalt  }
0x79: {  	_ =	shalt  }
0x7a: {  	_ =	shalt  }
0x7b: {  	_ =	shalt  }
0x7c: {  	_ =	shalt  }
0x7d: {  	_ =	shalt  }
0x7e: {  	_ =	shalt  }
0x7f: {  	_ =	shalt  }
0x80: {  	_ =	shalt  }
0x81: {  	_ =	shalt  }
0x82: {  	_ =	shalt  }
0x83: {  	_ =	shalt  }
0x84: {  	_ =	shalt  }
0x85: {  	_ =	shalt  }
0x86: {  	_ =	shalt  }
0x87: {  	_ =	shalt  }
.Lfunc_end0:
.L_simem_size_0:
called_computation.1_lowered:
.L_overlay_start_0:
0x88: {  	s2 =	sld [smem:$0x3FD9]  }
0x89: {  	s3 =	sld [smem:$0x3FFE];
	_ =	sdelay $0x1  }
0x8a: {  	s1 =	srdreg.scid  }
0x8b: {  	s0 =	sand.u32 $0x1, s1  }
0x8c: {  	s14 =	sshll.u32 s0, $0xA;
	s2 =	sadd.s32 s3, s2  }
0x8d: {  	s2 =	sadd.s32 s2, s14  }
0x8e: {  	[smem:$0x3FC5] =	sst s2  }
0x8f: {  	_ = 	snop  }
0x90: {  	s2 =	sld [smem:$0x3FD0];
	_ =	sdelay $0x2  }
0x91: {  	s15 =	simm.s32 $0xA;
	s4 =	simm.s32 $0x10  }
0x92: {  	[smem:s4], [sflag:s15] =	dma.local [hbm:s2], $0x1  }
0x93: {  	_ =	swait.eq [sflag:s15], $0x1  }
0x94: {  	[sflag:s15] =	ssyncset.done $0x0  }
0x95: {  	s16 =	sld [smem:$0x10];
	[sflag:s15] =	ssyncadd.s32 $0xFFFFFFFF  }
0x96: {  	s17 =	sld [smem:$0x11];
	(tm) =	ssettm $0x1  }
0x97: {  	s18 =	sld [smem:$0x3FFB];
	_ =	sdelay $0x3  }
0x98: {  	_ =	strace s18  }
0x99: {  	s4 =	sld [smem:$0x3FFC];
	_ =	sdelay $0x3  }
0x9a: {  	_ =	strace s4  }
0x9b: {  	s4 =	sld [smem:$0x3FFD];
	_ =	sdelay $0x3  }
0x9c: {  	_ =	strace s4  }
0x9d: {  	_ =	strace $0x8FFFFFFF  }
0x9e: {  	s19 =	sld [smem:$0x3FDB];
	_ =	sdelay $0x1  }
0x9f: {  	s5 =	simm.s32 $_scs_section_size  }
0xa0: {  	s6 =	simm.s32 $_size__tile_overlayer_lowered;
	s7 =	simm.s32 $_tile_overlayer_lowered  }
0xa1: {  	s22 =	simm.s32 $0x1BFF;
	s21 =	sshll.u32 s7, $0x1;
	s4 =	sadd.s32 s5, s19  }
0xa2: {  	s8 =	simm.s32 $0x0;
	s20 =	sshll.u32 s6, $0x1;
	s6 =	sadd.s32 s21, s4  }
0xa3: {  	[timem:s8], [sflag:s22] =	dma.local [hbm:s6], s20  }
0xa4: {  	_ =	swait.ge [sflag:s22], s20  }
0xa5: {  	s5 =	ssub.s32 $0x0, s20;
	[sflag:s22] =	ssyncset.done $0x0  }
0xa6: {  	[sflag:s22] =	ssyncadd.s32 s5;
	_ =	sdelay $0x1  }
0xa7: {  	s23 =	simm.s32 $0x1B8B  }
0xa8: {  	_ =	swait.ge [sflag:s23], $0x1  }
0xa9: {  	[sflag:s23] =	ssyncset.done $0x0  }
0xaa: {  	s25 =	simm.s32 $0x1B8E;
	s24 =	sld [smem:$0x3FFE];
	[sflag:s23] =	ssyncadd.s32 $0xFFFFFFFF  }
0xab: {  	s26 =	simm.s32 $execute0_lowered;
	[smem:$0x3FD2] =	sst s25  }
0xac: {  	s6 =	sshll.u32 s26, $0x1;
	_ =	strace $0x80000046;
	[dreg:$0x1] =	wrdreg $0xFFFFFFFF  }
0xad: {  	s28 =	simm.s32 $_size_execute0_lowered;
	s4 =	sadd.s32 s4, s6;
	[dreg:$0x0] =	wrdreg $0x0  }
0xae: {  	s6 =	sshll.u32 s28, $0x1;
	[dreg:$0x2] =	wrdreg s4  }
0xaf: {  	[dreg:$0x3] =	wrdreg s6  }
0xb0: {  	[dreg:$0x4] =	wrdreg $0xC0  }
0xb1: {  	_ =	task [dreg:s8], $0x5FFFF  }
0xb2: {  	[dreg:$0x1] =	wrdreg $0xFFFFFFFF  }
0xb3: {  	[dreg:$0x0] =	wrdreg $0x60  }
0xb4: {  	[dreg:$0x2] =	wrdreg s24  }
0xb5: {  	[dreg:$0x3] =	wrdreg s16  }
0xb6: {  	[dreg:$0x4] =	wrdreg s17  }
0xb7: {  	[dreg:$0x5] =	wrdreg $0x9  }
0xb8: {  	_ =	task.clear_ibuf [dreg:s8], $0x6FFFF;
	_ =	strace $0x90000046  }
0xb9: {  	s29 =	simm.s32 $0x9;
	_ =	strace $0x80000048  }
0xba: {  	_ =	swait.ge [sflag:s29], $0x1  }
0xbb: {  	[sflag:s29] =	ssyncadd.s32 $0xFFFFFFFF  }
0xbc: {  	_ =	strace $0x90000048  }
0xbd: {  	_ =	sfence  }
0xbe: {  	s30 =	sld [smem:$0x0];
	_ =	sdelay $0x2  }
0xbf: {  	s31 =	sshll.u32 s1, $0xD;
	s1 =	sshrl.u32 s1, $0x2  }
0xc0: {  	s3 =	sand.u32 $0x4000, s31;
	s1 =	sadd.s32 s1, s30  }
0xc1: {  	s0 =	sor.u32 s3, s0;
	s1 =	sshll.u32 s1, $0x11  }
0xc2: {  	s0 =	sor.u32 s1, s0  }
0xc3: {  	s0 =	sadd.s32 $0x8F2B, s0  }
0xc4: {  	[sflag:s0] =	ssyncadd.remote.s32 $0x1  }
0xc5: {  	_ =	sfence.sel $0xFFFF  }
0xc6: {  	[dreg:$0x0] =	wrdreg $0xFFFFFFFF;
	(pc) =	sbr.abs _section_cstart, $3  }
0xc7: {  	[dreg:$0x1] =	wrdreg $0xFFFFFFFF  }
0xc8: {  	_ =	task.clear_ibuf [dreg:s8], $0x2FFFF;
	_ =	strace $0x9FFFFFFF  }
0xc9: {  	(tm) =	ssettm $0x7FFFFFFF  }
tec
execute0_lowered:
.L_overlay_start_1:
0x0: {  	(tag) =	ssettag $0x1  }
0x1: {  	s5 =	rddreg [dreg:$0x0]  }
0x2: {  	s1 =	srdreg.scid;
	s13 =	stileid.u32  }
0x3: {  	s0 =	rddreg [dreg:$0x1];
	s1 =	sand.u32 $0x1, s1;
	s3 =	sshll.u32 s13, $0x1  }
0x4: {  	s2 =	rddreg [dreg:$0x2];
	s4 =	sadd.s32 $0xF43600, s5;
	s6 =	sor.u32 s1, s3  }
0x5: {  	s3 =	simm.s32 $0x0;
	s8 =	ssub.s32 $0x2, s1;
	s7 =	smul.u32 $0x460, s6  }
0x6: {  	[smem:$0x7FF] =	sst s3;
	s9 =	smul.u32 $0x8C000, s6;
	s10 =	sshrl.u32 s8, $0x1  }
0x7: {  	p0 =	slt.u32 s6, $0x9;
	s6 =	smul.u32 $0x11800, s6;
	_ =	strace $0x80000047  }
0x8: {  	s5 =	sadd.s32 s7, s5;
	s7 =	ssub.s32 s8, s10;
	s20 =	sadd.s32 $0xFFB78000, s9  }
0x9: {  	s22 =	sadd.s32 $0xFFB7A000, s9;
	s24 =	sadd.s32 $0xFFB7C000, s9;
	s25 =	sadd.s32 $0xFFB7E000, s9  }
0xa: {  	s26 =	sadd.s32 $0xFFB80000, s9;
	s29 =	sadd.s32 $0xFFB82000, s9;
	s30 =	sadd.s32 $0xFFB84000, s9  }
0xb: {  	s31 =	sadd.s32 $0xFFB86000, s9;
	s11 =	sadd.s32 $0xFFB88000, s9;
	s9 =	sadd.s32 $0xFFB8A000, s9  }
0xc: {  	s5 =	sadd.s32 $0x1200, s5;
	s21 =	sshrl.u32 s20, $0x3;
	s23 =	sshrl.u32 s22, $0x3  }
0xd: {  	s8 =	sshrl.u32 s25, $0x3;
	s28 =	sshrl.u32 s26, $0x3;
	s25 =	smul.u32 $0x8C000, s1  }
0xe: {  	s10 =	sshrl.u32 s31, $0x3;
	s22 =	sshrl.u32 s9, $0x3;
	s26 =	smul.u32 $0x23000, s13  }
0xf: {  	s7 =	smax.u32 s7, $0x1;
	[dreg:$0x4] =	wrdreg s5;
	s12 =	sadd.s32 s2, s21  }
0x10: {  	s14 =	sadd.s32 s2, s23;
	s5 =	sshrl.u32 s24, $0x3;
	s16 =	sadd.s32 s2, s8  }
0x11: {  	s17 =	sadd.s32 s2, s28;
	s8 =	sshrl.u32 s30, $0x3;
	s20 =	sadd.s32 s2, s10  }
0x12: {  	s21 =	sshrl.u32 s11, $0x3;
	s22 =	sadd.s32 s2, s22;
	s24 =	smul.u32 $0x118000, s13  }
0x13: {  	s23 =	sadd.s32 s6, s0;
	s28 =	smul.u32 $0x11800, s1;
	[dreg:$0xf] =	wrdreg s7  }
0x14: {  	s1 =	smul.u32 $0x46, s1;
	s15 =	sadd.s32 s2, s5;
	s5 =	sshrl.u32 s29, $0x3  }
0x15: {  	s19 =	sadd.s32 s2, s8;
	s21 =	sadd.s32 s2, s21;
	s6 =	sadd.s32 $0xF000, s23  }
0x16: {  	s8 =	sadd.s32 $0xF400, s23;
	s9 =	sadd.s32 $0xF800, s23;
	s10 =	sadd.s32 $0xFC00, s23  }
0x17: {  	s11 =	sadd.s32 $0x10000, s23;
	s29 =	smul.u32 $0x8C, s13;
	s0 =	sadd.s32 s26, s0  }
0x18: {  	s18 =	sadd.s32 s2, s5;
	s12 =	smov.u32 @p0 s6;
	s6 =	sadd.s32 $0x10400, s23  }
0x19: {  	s14 =	smov.u32 @p0 s8;
	s15 =	smov.u32 @p0 s9;
	[dreg:$0x5] =	wrdreg s12  }
0x1a: {  	s8 =	sadd.s32 $0x10800, s23;
	s16 =	smov.u32 @p0 s10;
	[dreg:$0x6] =	wrdreg s14  }
0x1b: {  	s10 =	sadd.s32 $0x10C00, s23;
	s17 =	smov.u32 @p0 s11;
	[dreg:$0x7] =	wrdreg s15  }
0x1c: {  	s5 =	sadd.s32 $0x11400, s23;
	s30 =	sadd.s32 s25, s24;
	[dreg:$0x8] =	wrdreg s16  }
0x1d: {  	s0 =	sadd.s32 s28, s0;
	[dreg:$0x9] =	wrdreg s17;
	s18 =	smov.u32 @p0 s6  }
0x1e: {  	s25 =	simm.s32 $0x14;
	s19 =	smov.u32 @p0 s8;
	[dreg:$0xa] =	wrdreg s18  }
0x1f: {  	s12 =	sadd.s32 $0x11000, s23;
	s20 =	smov.u32 @p0 s10;
	[dreg:$0xb] =	wrdreg s19  }
0x20: {  	s22 =	smov.u32 @p0 s5;
	s5 =	sadd.s32 $0xFFB00000, s30;
	[dreg:$0xc] =	wrdreg s20  }
0x21: {  	s0 =	sadd.s32 $0x2400, s0;
	s31 =	sadd.s32 s1, s29;
	[dreg:$0xe] =	wrdreg s22  }
0x22: {  	s23 =	simm.s32 $0x13;
	s1 =	simm.s32 $0x0;
	[dreg:$0x10] =	wrdreg s5  }
0x23: {  	s21 =	smov.u32 @p0 s12;
	[dreg:$0x11] =	wrdreg s0;
	s0 =	sadd.s32 $0x9, s31  }
0x24: {  	s18 =	simm.s32 $0x10;
	s19 =	simm.s32 $0x11;
	[dreg:$0xd] =	wrdreg s21  }
0x25: {  	s22 =	simm.s32 $0x12;
	[dreg:$0x12] =	wrdreg s0;
	s21 =	simm.s32 $0x80  }
.LBB2_1:
0x26: {  	[dreg:$0x13] =	wrdreg s1  }
0x27: {  	s0 =	rddreg [dreg:$0x4];
	s17 =	simm.s32 $0x15  }
0x28: {  	[tilespmem:s3], [sflag:$0x15] =	stream.linear.gather [hbm4b:s0+s3], $0x2300, $0x38;
	[tilespmem:$0x16300] =	vst v63  }
0x29: {  	_ =	swait.ge [sflag:s17], $0x2300  }
0x2a: {  	[sflag:s17] =	ssyncset.done $0x0  }
0x2b: {  	s8 =	simm.s32 $0x2300;
	[sflag:s17] =	ssyncadd.s32 $0xFFFFDD00  }
0x2c: {  	[tilespmem:s8], [sflag:$0x1] =	stream.indirect.gather [hbm4b:s4+s21], $0x40, s3, s21, $0xb8;
	[tilespmem:$0x16300] =	vst v63  }
0x2d: {  	s9 =	simm.s32 $0x4300  }
0x2e: {  	[tilespmem:s9], [sflag:$0x2] =	stream.indirect.gather [hbm4b:s4+s21], $0x40, s21, s21, $0xb8;
	[tilespmem:$0x16300] =	vst v63  }
0x2f: {  	s20 =	simm.s32 $0x100;
	s10 =	simm.s32 $0x6300  }
0x30: {  	[tilespmem:s10], [sflag:$0x3] =	stream.indirect.gather [hbm4b:s4+s21], $0x40, s20, s21, $0xb8;
	[tilespmem:$0x16300] =	vst v63  }
0x31: {  	s24 =	simm.s32 $0x180;
	s16 =	simm.s32 $0x8300  }
0x32: {  	[tilespmem:s16], [sflag:$0x4] =	stream.indirect.gather [hbm4b:s4+s21], $0x40, s24, s21, $0xb8;
	[tilespmem:$0x16300] =	vst v63  }
0x33: {  	s26 =	simm.s32 $0x200;
	s11 =	simm.s32 $0xA300  }
0x34: {  	[tilespmem:s11], [sflag:$0x5] =	stream.indirect.gather [hbm4b:s4+s21], $0x40, s26, s21, $0xb8;
	[tilespmem:$0x16300] =	vst v63  }
0x35: {  	s29 =	simm.s32 $0x280;
	s12 =	simm.s32 $0xC300  }
0x36: {  	[tilespmem:s12], [sflag:$0x6] =	stream.indirect.gather [hbm4b:s4+s21], $0x40, s29, s21, $0xb8;
	[tilespmem:$0x16300] =	vst v63  }
0x37: {  	s1 =	simm.s32 $0x300;
	s13 =	simm.s32 $0xE300;
	s5 =	simm.s32 $0x380  }
0x38: {  	[tilespmem:s13], [sflag:$0x7] =	stream.indirect.gather [hbm4b:s4+s21], $0x40, s1, s21, $0xb8;
	[tilespmem:$0x16300] =	vst v63  }
0x39: {  	s14 =	simm.s32 $0x10300;
	s6 =	simm.s32 $0x400;
	s15 =	simm.s32 $0x12300  }
0x3a: {  	[tilespmem:s14], [sflag:$0x8] =	stream.indirect.gather [hbm4b:s4+s21], $0x40, s5, s21, $0xb8;
	[tilespmem:$0x16300] =	vst v63  }
0x3b: {  	s7 =	simm.s32 $0x480;
	s17 =	simm.s32 $0x14300;
	s5 =	rddreg [dreg:$0x10]  }
0x3c: {  	s28 =	sadd.s32 $0x2000, s5;
	s29 =	sadd.s32 $0x6000, s5;
	s30 =	sshrl.u32 s5, $0x3  }
0x3d: {  	[tilespmem:s15], [sflag:$0x9] =	stream.indirect.gather [hbm4b:s4+s21], $0x40, s6, s21, $0xb8;
	[tilespmem:$0x16300] =	vst v63  }
0x3e: {  	s0 =	sadd.s32 $0x4000, s5;
	s6 =	rddreg [dreg:$0x11];
	s28 =	sshrl.u32 s28, $0x3  }
0x3f: {  	[tilespmem:s17], [sflag:$0xA] =	stream.indirect.gather [hbm4b:s4+s21], $0x40, s7, s21, $0xb8;
	[tilespmem:$0x16300] =	vst v63  }
0x40: {  	s30 =	sadd.s32 s2, s30;
	s0 =	sshrl.u32 s0, $0x3;
	s7 =	rddreg [dreg:$0x12]  }
0x41: {  	s1 =	sadd.s32 $0xFFFFDC00, s6;
	s0 =	sadd.s32 s2, s0;
	s20 =	sadd.s32 $0xFFFFFFF7, s7  }
0x42: {  	s24 =	sadd.s32 $0xFFFFFFF9, s7;
	p1 =	slt.u32 s20, $0x280;
	s20 =	simm.s32 $0x1  }
0x43: {  	s26 =	sadd.s32 $0xFFFFFFFA, s7;
	p0 =	slt.u32 s24, $0x280;
	_ =	swait.ge [sflag:s20], $0x2000  }
0x44: {  	s24 =	sadd.s32 $0xFFFFE400, s6;
	s30 =	smov.u32 @p1 s1;
	[sflag:s20] =	ssyncset.done $0x0  }
0x45: {  	s1 =	sadd.s32 $0xFFFFFFF8, s7;
	[sflag:s20] =	ssyncadd.s32 $0xFFFFE000;
	s20 =	simm.s32 $0x2  }
0x46: {  	[hbm4b:s30+s3] =	stream.linear.scatter [tilespmem:s8], [sflag:$0xB], $0x2000, $0x38;
	[tilespmem:$0x16300] =	vst v63  }
0x47: {  	p1 =	slt.u32 s26, $0x280;
	p2 =	slt.u32 s1, $0x280;
	_ =	swait.ge [sflag:s20], $0x2000  }
0x48: {  	s1 =	sadd.s32 s2, s28;
	s28 =	sadd.s32 $0xFFFFE000, s6;
	[sflag:s20] =	ssyncset.done $0x0  }
0x49: {  	s26 =	simm.s32 $0x3;
	s1 =	smov.u32 @p2 s28;
	[sflag:s20] =	ssyncadd.s32 $0xFFFFE000  }
0x4a: {  	[hbm4b:s1+s3] =	stream.linear.scatter [tilespmem:s9], [sflag:$0xC], $0x2000, $0x38;
	[tilespmem:$0x16300] =	vst v63  }
0x4b: {  	s0 =	smov.u32 @p0 s24;
	s24 =	sadd.s32 $0xFFFFF800, s6;
	_ =	swait.ge [sflag:s26], $0x2000  }
0x4c: {  	s28 =	sadd.s32 $0xFFFFF400, s6;
	s20 =	sshrl.u32 s29, $0x3;
	[sflag:s26] =	ssyncset.done $0x0  }
0x4d: {  	s1 =	sadd.s32 s2, s20;
	s20 =	simm.s32 $0x4;
	[sflag:s26] =	ssyncadd.s32 $0xFFFFE000  }
0x4e: {  	[hbm4b:s0+s3] =	stream.linear.scatter [tilespmem:s10], [sflag:$0xD], $0x2000, $0x38;
	[tilespmem:$0x16300] =	vst v63  }
0x4f: {  	s30 =	sadd.s32 $0xFFFFEC00, s6;
	s29 =	sadd.s32 $0xFFFFE800, s6;
	_ =	swait.ge [sflag:s20], $0x2000  }
0x50: {  	s1 =	smov.u32 @p1 s29;
	s29 =	sadd.s32 $0x8000, s5;
	[sflag:s20] =	ssyncset.done $0x0  }
0x51: {  	s29 =	sshrl.u32 s29, $0x3;
	[sflag:s20] =	ssyncadd.s32 $0xFFFFE000;
	s20 =	simm.s32 $0x5  }
0x52: {  	[hbm4b:s1+s3] =	stream.linear.scatter [tilespmem:s16], [sflag:$0xE], $0x2000, $0x38;
	[tilespmem:$0x16300] =	vst v63  }
0x53: {  	s26 =	sadd.s32 $0xFFFFFC00, s6;
	s1 =	sadd.s32 $0xFFFFFFFB, s7;
	_ =	swait.ge [sflag:s20], $0x2000  }
0x54: {  	p0 =	slt.u32 s1, $0x280;
	s1 =	sadd.s32 s2, s29;
	[sflag:s20] =	ssyncset.done $0x0  }
0x55: {  	s0 =	sadd.s32 $0xFFFFF000, s6;
	s1 =	smov.u32 @p0 s30;
	[sflag:s20] =	ssyncadd.s32 $0xFFFFE000  }
0x56: {  	[hbm4b:s1+s3] =	stream.linear.scatter [tilespmem:s11], [sflag:$0xF], $0x2000, $0x38;
	[tilespmem:$0x16300] =	vst v63  }
0x57: {  	s29 =	sadd.s32 $0xA000, s5;
	s20 =	simm.s32 $0x6;
	s1 =	sadd.s32 $0xFFFFFFFC, s7  }
0x58: {  	s29 =	sshrl.u32 s29, $0x3;
	_ =	swait.ge [sflag:s20], $0x2000;
	p0 =	slt.u32 s1, $0x280  }
0x59: {  	s1 =	sadd.s32 s2, s29;
	s29 =	sadd.s32 $0xFFFFFFFD, s7;
	[sflag:s20] =	ssyncset.done $0x0  }
0x5a: {  	s1 =	smov.u32 @p0 s0;
	s0 =	sadd.s32 $0xC000, s5;
	p0 =	slt.u32 s29, $0x280  }
0x5b: {  	[sflag:s20] =	ssyncadd.s32 $0xFFFFE000;
	s20 =	simm.s32 $0x7;
	s0 =	sshrl.u32 s0, $0x3  }
0x5c: {  	[hbm4b:s1+s3] =	stream.linear.scatter [tilespmem:s12], [sflag:$0x10], $0x2000, $0x38;
	[tilespmem:$0x16300] =	vst v63  }
0x5d: {  	s29 =	sadd.s32 $0xFFFFFFFE, s7;
	s0 =	sadd.s32 s2, s0;
	_ =	swait.ge [sflag:s20], $0x2000  }
0x5e: {  	s1 =	sadd.s32 $0xE000, s5;
	s0 =	smov.u32 @p0 s28;
	[sflag:s20] =	ssyncset.done $0x0  }
0x5f: {  	s1 =	sshrl.u32 s1, $0x3;
	[sflag:s20] =	ssyncadd.s32 $0xFFFFE000;
	s20 =	simm.s32 $0x8  }
0x60: {  	[hbm4b:s0+s3] =	stream.linear.scatter [tilespmem:s13], [sflag:$0x11], $0x2000, $0x38;
	[tilespmem:$0x16300] =	vst v63  }
0x61: {  	p0 =	slt.u32 s29, $0x280;
	s0 =	sadd.s32 s2, s1;
	_ =	swait.ge [sflag:s20], $0x2000  }
0x62: {  	s29 =	sadd.s32 $0xFFFFFFFF, s7;
	s0 =	smov.u32 @p0 s24;
	[sflag:s20] =	ssyncset.done $0x0  }
0x63: {  	s24 =	simm.s32 $0x9;
	[sflag:s20] =	ssyncadd.s32 $0xFFFFE000;
	s20 =	sadd.s32 $0x10000, s5  }
0x64: {  	[hbm4b:s0+s3] =	stream.linear.scatter [tilespmem:s14], [sflag:$0x12], $0x2000, $0x38;
	[tilespmem:$0x16300] =	vst v63  }
0x65: {  	p0 =	slt.u32 s29, $0x280;
	s1 =	sshrl.u32 s20, $0x3;
	_ =	swait.ge [sflag:s24], $0x2000  }
0x66: {  	s14 =	sadd.s32 $0x12000, s5;
	s0 =	sadd.s32 s2, s1;
	[sflag:s24] =	ssyncset.done $0x0  }
0x67: {  	s20 =	simm.s32 $0xA;
	s0 =	smov.u32 @p0 s26;
	[sflag:s24] =	ssyncadd.s32 $0xFFFFE000  }
0x68: {  	[hbm4b:s0+s3] =	stream.linear.scatter [tilespmem:s15], [sflag:$0x13], $0x2000, $0x38;
	[tilespmem:$0x16300] =	vst v63  }
0x69: {  	s24 =	sshrl.u32 s14, $0x3;
	_ =	swait.ge [sflag:s20], $0x2000  }
0x6a: {  	p0 =	slt.u32 s7, $0x280;
	s0 =	sadd.s32 s2, s24;
	[sflag:s20] =	ssyncset.done $0x0  }
0x6b: {  	s26 =	simm.s32 $0xB;
	s0 =	smov.u32 @p0 s6;
	[sflag:s20] =	ssyncadd.s32 $0xFFFFE000  }
0x6c: {  	[hbm4b:s0+s3] =	stream.linear.scatter [tilespmem:s17], [sflag:$0x14], $0x2000, $0x38;
	[tilespmem:$0x16300] =	vst v63  }
0x6d: {  	_ =	swait.ge [sflag:s26], $0x2000  }
0x6e: {  	[sflag:s26] =	ssyncset.done $0x0  }
0x6f: {  	s29 =	simm.s32 $0x500;
	s1 =	simm.s32 $0xC;
	[sflag:s26] =	ssyncadd.s32 $0xFFFFE000  }
0x70: {  	[tilespmem:s8], [sflag:$0x1] =	stream.indirect.gather [hbm4b:s4+s21], $0x40, s29, s21, $0xb8;
	[tilespmem:$0x16300] =	vst v63  }
0x71: {  	_ =	swait.ge [sflag:s1], $0x2000  }
0x72: {  	[sflag:s1] =	ssyncset.done $0x0  }
0x73: {  	s8 =	simm.s32 $0x580;
	[sflag:s1] =	ssyncadd.s32 $0xFFFFE000  }
0x74: {  	[tilespmem:s9], [sflag:$0x2] =	stream.indirect.gather [hbm4b:s4+s21], $0x40, s8, s21, $0xb8;
	[tilespmem:$0x16300] =	vst v63  }
0x75: {  	s9 =	simm.s32 $0xD  }
0x76: {  	_ =	swait.ge [sflag:s9], $0x2000  }
0x77: {  	[sflag:s9] =	ssyncset.done $0x0  }
0x78: {  	s14 =	simm.s32 $0x600;
	s15 =	simm.s32 $0xE;
	[sflag:s9] =	ssyncadd.s32 $0xFFFFE000  }
0x79: {  	[tilespmem:s10], [sflag:$0x3] =	stream.indirect.gather [hbm4b:s4+s21], $0x40, s14, s21, $0xb8;
	[tilespmem:$0x16300] =	vst v63  }
0x7a: {  	_ =	swait.ge [sflag:s15], $0x2000  }
0x7b: {  	[sflag:s15] =	ssyncset.done $0x0  }
0x7c: {  	s20 =	simm.s32 $0xF;
	s17 =	simm.s32 $0x680;
	[sflag:s15] =	ssyncadd.s32 $0xFFFFE000  }
0x7d: {  	[tilespmem:s16], [sflag:$0x4] =	stream.indirect.gather [hbm4b:s4+s21], $0x40, s17, s21, $0xb8;
	[tilespmem:$0x16300] =	vst v63  }
0x7e: {  	_ =	swait.ge [sflag:s20], $0x2000  }
0x7f: {  	[sflag:s20] =	ssyncset.done $0x0  }
0x80: {  	s24 =	simm.s32 $0x700;
	[sflag:s20] =	ssyncadd.s32 $0xFFFFE000  }
0x81: {  	[tilespmem:s11], [sflag:$0x5] =	stream.indirect.gather [hbm4b:s4+s21], $0x40, s24, s21, $0xb8;
	[tilespmem:$0x16300] =	vst v63  }
0x82: {  	_ =	swait.ge [sflag:s18], $0x2000  }
0x83: {  	[sflag:s18] =	ssyncset.done $0x0  }
0x84: {  	s26 =	simm.s32 $0x780;
	[sflag:s18] =	ssyncadd.s32 $0xFFFFE000  }
0x85: {  	[tilespmem:s12], [sflag:$0x6] =	stream.indirect.gather [hbm4b:s4+s21], $0x40, s26, s21, $0xb8;
	[tilespmem:$0x16300] =	vst v63  }
0x86: {  	s31 =	simm.s32 $0x980;
	s30 =	sadd.s32 $0x14000, s5;
	_ =	swait.ge [sflag:s19], $0x2000  }
0x87: {  	s28 =	simm.s32 $0x1400;
	s0 =	simm.s32 $0x900;
	[sflag:s19] =	ssyncset.done $0x0  }
0x88: {  	s29 =	simm.s32 $0x800;
	s1 =	sadd.s32 $0x2800, s6;
	[sflag:s19] =	ssyncadd.s32 $0xFFFFE000  }
0x89: {  	[tilespmem:s13], [sflag:$0x7] =	stream.indirect.gather [hbm4b:s4+s21], $0x40, s29, s21, $0xb8;
	[tilespmem:$0x16300] =	vst v63  }
0x8a: {  	s24 =	sadd.s32 $0xA, s7;
	s26 =	simm.s32 $0x880;
	_ =	swait.ge [sflag:s22], $0x2000  }
.LBB2_2:
0x8b: {  	s5 =	sadd.s32 $0xFFFFFFF7, s24  }
0x8c: {  	s6 =	sadd.s32 $0xFFFFDC00, s1;
	[sflag:s22] =	ssyncset.done $0x0;
	s29 =	smov.u32 s28  }
0x8d: {  	s7 =	sadd.s32 $0xFFFFFFF9, s24;
	s8 =	sadd.s32 $0xFFFFFFFA, s24;
	s15 =	simm.s32 $0x10300  }
0x8e: {  	s9 =	sadd.s32 $0x6000, s30;
	s10 =	sshrl.u32 s30, $0x3;
	s16 =	sadd.s32 $0xFFFFE400, s1  }
0x8f: {  	s20 =	simm.s32 $0x12300;
	s17 =	simm.s32 $0x14300;
	[sflag:s22] =	ssyncadd.s32 $0xFFFFE000  }
0x90: {  	[tilespmem:s15], [sflag:$0x8] =	stream.indirect.gather [hbm4b:s4+s21], $0x40, s26, s21, $0xb8;
	[tilespmem:$0x16300] =	vst v63  }
0x91: {  	s11 =	simm.s32 $0x1;
	s26 =	sadd.s32 $0x2000, s30;
	_ =	swait.ge [sflag:s23], $0x2000  }
0x92: {  	p0 =	slt.u32 s7, $0x280;
	s7 =	sadd.s32 $0x4000, s30;
	s26 =	sshrl.u32 s26, $0x3  }
0x93: {  	p1 =	slt.u32 s8, $0x280;
	p3 =	slt.u32 s5, $0x280;
	[sflag:s23] =	ssyncset.done $0x0  }
0x94: {  	s5 =	sadd.s32 s2, s10;
	s7 =	sshrl.u32 s7, $0x3;
	[sflag:s23] =	ssyncadd.s32 $0xFFFFE000  }
0x95: {  	[tilespmem:s20], [sflag:$0x9] =	stream.indirect.gather [hbm4b:s4+s21], $0x40, s0, s21, $0xb8;
	[tilespmem:$0x16300] =	vst v63  }
0x96: {  	s7 =	sadd.s32 s2, s7;
	s0 =	sadd.s32 $0xFFFFFFF8, s24;
	_ =	swait.ge [sflag:s25], $0x2000  }
0x97: {  	p2 =	slt.u32 s0, $0x280;
	s0 =	sadd.s32 s2, s26;
	[sflag:s25] =	ssyncset.done $0x0  }
0x98: {  	s8 =	sshrl.u32 s9, $0x3;
	s7 =	smov.u32 @p0 s16;
	[sflag:s25] =	ssyncadd.s32 $0xFFFFE000  }
0x99: {  	[tilespmem:s17], [sflag:$0xA] =	stream.indirect.gather [hbm4b:s4+s21], $0x40, s31, s21, $0xb8;
	[tilespmem:$0x16300] =	vst v63  }
0x9a: {  	s10 =	simm.s32 $0x2300;
	s5 =	smov.u32 @p3 s6;
	_ =	swait.ge [sflag:s11], $0x2000  }
0x9b: {  	s6 =	sadd.s32 s2, s8;
	s8 =	simm.s32 $0x2;
	[sflag:s11] =	ssyncset.done $0x0  }
0x9c: {  	p0 =	sne.s32 s28, $0x6400;
	s28 =	sadd.s32 $0x1400, s28;
	[sflag:s11] =	ssyncadd.s32 $0xFFFFE000  }
0x9d: {  	[hbm4b:s5+s3] =	stream.linear.scatter [tilespmem:s10], [sflag:$0xB], $0x2000, $0x38;
	[tilespmem:$0x16300] =	vst v63  }
0x9e: {  	_ =	swait.ge [sflag:s8], $0x2000  }
0x9f: {  	s5 =	sadd.s32 $0xFFFFE000, s1;
	[sflag:s8] =	ssyncset.done $0x0  }
0xa0: {  	s16 =	simm.s32 $0x4300;
	s0 =	smov.u32 @p2 s5;
	[sflag:s8] =	ssyncadd.s32 $0xFFFFE000  }
0xa1: {  	[hbm4b:s0+s3] =	stream.linear.scatter [tilespmem:s16], [sflag:$0xC], $0x2000, $0x38;
	[tilespmem:$0x16300] =	vst v63  }
0xa2: {  	s0 =	simm.s32 $0x3  }
0xa3: {  	s26 =	simm.s32 $0x6300;
	_ =	swait.ge [sflag:s0], $0x2000  }
0xa4: {  	s31 =	sadd.s32 $0xFFFFF800, s1;
	s11 =	simm.s32 $0x4;
	[sflag:s0] =	ssyncset.done $0x0  }
0xa5: {  	s5 =	sadd.s32 $0xFFFFF000, s1;
	[sflag:s0] =	ssyncadd.s32 $0xFFFFE000;
	s0 =	sadd.s32 $0xFFFFFC00, s1  }
0xa6: {  	[hbm4b:s7+s3] =	stream.linear.scatter [tilespmem:s26], [sflag:$0xD], $0x2000, $0x38;
	[tilespmem:$0x16300] =	vst v63  }
0xa7: {  	s8 =	sadd.s32 $0xFFFFE800, s1;
	s7 =	sadd.s32 $0xFFFFF400, s1;
	_ =	swait.ge [sflag:s11], $0x2000  }
0xa8: {  	s9 =	sadd.s32 $0xFFFFEC00, s1;
	s6 =	smov.u32 @p1 s8;
	[sflag:s11] =	ssyncset.done $0x0  }
0xa9: {  	s8 =	sadd.s32 $0x8000, s30;
	[sflag:s11] =	ssyncadd.s32 $0xFFFFE000;
	s11 =	simm.s32 $0x8300  }
0xaa: {  	[hbm4b:s6+s3] =	stream.linear.scatter [tilespmem:s11], [sflag:$0xE], $0x2000, $0x38;
	[tilespmem:$0x16300] =	vst v63  }
0xab: {  	s12 =	simm.s32 $0x5;
	s13 =	simm.s32 $0xC300;
	s6 =	sadd.s32 $0xFFFFFFFB, s24  }
0xac: {  	s8 =	sshrl.u32 s8, $0x3;
	_ =	swait.ge [sflag:s12], $0x2000;
	p1 =	slt.u32 s6, $0x280  }
0xad: {  	s6 =	sadd.s32 s2, s8;
	s8 =	sadd.s32 $0xA000, s30;
	[sflag:s12] =	ssyncset.done $0x0  }
0xae: {  	s6 =	smov.u32 @p1 s9;
	[sflag:s12] =	ssyncadd.s32 $0xFFFFE000;
	s12 =	simm.s32 $0xA300  }
0xaf: {  	[hbm4b:s6+s3] =	stream.linear.scatter [tilespmem:s12], [sflag:$0xF], $0x2000, $0x38;
	[tilespmem:$0x16300] =	vst v63  }
0xb0: {  	s14 =	simm.s32 $0xE300;
	s9 =	simm.s32 $0x6;
	s6 =	sadd.s32 $0xFFFFFFFC, s24  }
0xb1: {  	s8 =	sshrl.u32 s8, $0x3;
	_ =	swait.ge [sflag:s9], $0x2000;
	p1 =	slt.u32 s6, $0x280  }
0xb2: {  	s6 =	sadd.s32 s2, s8;
	s8 =	simm.s32 $0x7;
	[sflag:s9] =	ssyncset.done $0x0  }
0xb3: {  	s6 =	smov.u32 @p1 s5;
	s5 =	sadd.s32 $0xC000, s30;
	[sflag:s9] =	ssyncadd.s32 $0xFFFFE000  }
0xb4: {  	[hbm4b:s6+s3] =	stream.linear.scatter [tilespmem:s13], [sflag:$0x10], $0x2000, $0x38;
	[tilespmem:$0x16300] =	vst v63  }
0xb5: {  	s5 =	sshrl.u32 s5, $0x3;
	s6 =	sadd.s32 $0xFFFFFFFD, s24;
	_ =	swait.ge [sflag:s8], $0x2000  }
0xb6: {  	s5 =	sadd.s32 s2, s5;
	p1 =	slt.u32 s6, $0x280;
	[sflag:s8] =	ssyncset.done $0x0  }
0xb7: {  	s6 =	sadd.s32 $0xE000, s30;
	s5 =	smov.u32 @p1 s7;
	[sflag:s8] =	ssyncadd.s32 $0xFFFFE000  }
0xb8: {  	[hbm4b:s5+s3] =	stream.linear.scatter [tilespmem:s14], [sflag:$0x11], $0x2000, $0x38;
	[tilespmem:$0x16300] =	vst v63  }
0xb9: {  	s7 =	simm.s32 $0x8;
	s5 =	sadd.s32 $0xFFFFFFFE, s24  }
0xba: {  	s6 =	sshrl.u32 s6, $0x3;
	_ =	swait.ge [sflag:s7], $0x2000;
	p1 =	slt.u32 s5, $0x280  }
0xbb: {  	s5 =	sadd.s32 s2, s6;
	s6 =	sadd.s32 $0x10000, s30;
	[sflag:s7] =	ssyncset.done $0x0  }
0xbc: {  	s5 =	smov.u32 @p1 s31;
	[sflag:s7] =	ssyncadd.s32 $0xFFFFE000;
	s7 =	simm.s32 $0x9  }
0xbd: {  	[hbm4b:s5+s3] =	stream.linear.scatter [tilespmem:s15], [sflag:$0x12], $0x2000, $0x38;
	[tilespmem:$0x16300] =	vst v63  }
0xbe: {  	s6 =	sshrl.u32 s6, $0x3;
	s5 =	sadd.s32 $0xFFFFFFFF, s24;
	_ =	swait.ge [sflag:s7], $0x2000  }
0xbf: {  	p1 =	slt.u32 s5, $0x280;
	s5 =	sadd.s32 s2, s6;
	[sflag:s7] =	ssyncset.done $0x0  }
0xc0: {  	s5 =	smov.u32 @p1 s0;
	s0 =	sadd.s32 $0x12000, s30;
	[sflag:s7] =	ssyncadd.s32 $0xFFFFE000  }
0xc1: {  	[hbm4b:s5+s3] =	stream.linear.scatter [tilespmem:s20], [sflag:$0x13], $0x2000, $0x38;
	[tilespmem:$0x16300] =	vst v63  }
0xc2: {  	s5 =	simm.s32 $0xA  }
0xc3: {  	s0 =	sshrl.u32 s0, $0x3;
	_ =	swait.ge [sflag:s5], $0x2000  }
0xc4: {  	p1 =	slt.u32 s24, $0x280;
	s0 =	sadd.s32 s2, s0;
	[sflag:s5] =	ssyncset.done $0x0  }
0xc5: {  	s0 =	smov.u32 @p1 s1;
	[sflag:s5] =	ssyncadd.s32 $0xFFFFE000;
	s5 =	simm.s32 $0xB  }
0xc6: {  	[hbm4b:s0+s3] =	stream.linear.scatter [tilespmem:s17], [sflag:$0x14], $0x2000, $0x38;
	[tilespmem:$0x16300] =	vst v63  }
0xc7: {  	_ =	swait.ge [sflag:s5], $0x2000  }
0xc8: {  	s0 =	sshra.s32 s29, $0x2;
	[sflag:s5] =	ssyncset.done $0x0  }
0xc9: {  	[sflag:s5] =	ssyncadd.s32 $0xFFFFE000;
	s5 =	sadd.s32 $0x500, s0  }
0xca: {  	[tilespmem:s10], [sflag:$0x1] =	stream.indirect.gather [hbm4b:s4+s21], $0x40, s5, s21, $0xb8;
	[tilespmem:$0x16300] =	vst v63  }
0xcb: {  	s6 =	simm.s32 $0x2300;
	s5 =	simm.s32 $0xC  }
0xcc: {  	_ =	swait.ge [sflag:s5], $0x2000  }
0xcd: {  	[sflag:s5] =	ssyncset.done $0x0  }
0xce: {  	[sflag:s5] =	ssyncadd.s32 $0xFFFFE000;
	s5 =	sadd.s32 $0x580, s0  }
0xcf: {  	[tilespmem:s16], [sflag:$0x2] =	stream.indirect.gather [hbm4b:s4+s21], $0x40, s5, s21, $0xb8;
	[tilespmem:$0x16300] =	vst v63  }
0xd0: {  	s7 =	simm.s32 $0x4300;
	s5 =	simm.s32 $0xD  }
0xd1: {  	_ =	swait.ge [sflag:s5], $0x2000  }
0xd2: {  	[sflag:s5] =	ssyncset.done $0x0  }
0xd3: {  	[sflag:s5] =	ssyncadd.s32 $0xFFFFE000;
	s5 =	sadd.s32 $0x600, s0  }
0xd4: {  	[tilespmem:s26], [sflag:$0x3] =	stream.indirect.gather [hbm4b:s4+s21], $0x40, s5, s21, $0xb8;
	[tilespmem:$0x16300] =	vst v63  }
0xd5: {  	s8 =	simm.s32 $0x6300;
	s5 =	simm.s32 $0xE  }
0xd6: {  	_ =	swait.ge [sflag:s5], $0x2000  }
0xd7: {  	[sflag:s5] =	ssyncset.done $0x0  }
0xd8: {  	[sflag:s5] =	ssyncadd.s32 $0xFFFFE000;
	s5 =	sadd.s32 $0x680, s0  }
0xd9: {  	[tilespmem:s11], [sflag:$0x4] =	stream.indirect.gather [hbm4b:s4+s21], $0x40, s5, s21, $0xb8;
	[tilespmem:$0x16300] =	vst v63  }
0xda: {  	s9 =	simm.s32 $0x8300;
	s5 =	simm.s32 $0xF  }
0xdb: {  	_ =	swait.ge [sflag:s5], $0x2000  }
0xdc: {  	[sflag:s5] =	ssyncset.done $0x0  }
0xdd: {  	s10 =	simm.s32 $0xA300;
	[sflag:s5] =	ssyncadd.s32 $0xFFFFE000;
	s5 =	sadd.s32 $0x700, s0  }
0xde: {  	[tilespmem:s12], [sflag:$0x5] =	stream.indirect.gather [hbm4b:s4+s21], $0x40, s5, s21, $0xb8;
	[tilespmem:$0x16300] =	vst v63  }
0xdf: {  	_ =	swait.ge [sflag:s18], $0x2000  }
0xe0: {  	s30 =	sadd.s32 $0x14000, s30;
	[sflag:s18] =	ssyncset.done $0x0  }
0xe1: {  	s11 =	simm.s32 $0xC300;
	s5 =	sadd.s32 $0x780, s0;
	[sflag:s18] =	ssyncadd.s32 $0xFFFFE000  }
0xe2: {  	[tilespmem:s13], [sflag:$0x6] =	stream.indirect.gather [hbm4b:s4+s21], $0x40, s5, s21, $0xb8;
	[tilespmem:$0x16300] =	vst v63  }
.Ltmp0:
0xe3: {  	s24 =	sadd.s32 $0xA, s24;
	_ =	swait.ge [sflag:s19], $0x2000;
	(pc) =	sbr.rel @p0 .LBB2_2-.Ltmp0, $4  }
0xe4: {  	s1 =	sadd.s32 $0x2800, s1;
	s31 =	sadd.s32 $0x980, s0;
	[sflag:s19] =	ssyncset.done $0x0  }
0xe5: {  	s12 =	simm.s32 $0xE300;
	s5 =	sadd.s32 $0x800, s0;
	[sflag:s19] =	ssyncadd.s32 $0xFFFFE000  }
0xe6: {  	[tilespmem:s14], [sflag:$0x7] =	stream.indirect.gather [hbm4b:s4+s21], $0x40, s5, s21, $0xb8;
	[tilespmem:$0x16300] =	vst v63  }
0xe7: {  	s26 =	sadd.s32 $0x880, s0;
	s0 =	sadd.s32 $0x900, s0;
	_ =	swait.ge [sflag:s22], $0x2000  }
0xe8: {  	[sflag:s22] =	ssyncset.done $0x0  }
0xe9: {  	s1 =	simm.s32 $0x10300;
	[sflag:s22] =	ssyncadd.s32 $0xFFFFE000  }
0xea: {  	[tilespmem:s1], [sflag:$0x8] =	stream.indirect.gather [hbm4b:s4+s21], $0x40, s26, s21, $0xb8;
	[tilespmem:$0x16300] =	vst v63  }
0xeb: {  	_ =	swait.ge [sflag:s23], $0x2000  }
0xec: {  	[sflag:s23] =	ssyncset.done $0x0  }
0xed: {  	s5 =	simm.s32 $0x12300;
	[sflag:s23] =	ssyncadd.s32 $0xFFFFE000  }
0xee: {  	[tilespmem:s5], [sflag:$0x9] =	stream.indirect.gather [hbm4b:s4+s21], $0x40, s0, s21, $0xb8;
	[tilespmem:$0x16300] =	vst v63  }
0xef: {  	_ =	swait.ge [sflag:s25], $0x2000  }
0xf0: {  	[sflag:s25] =	ssyncset.done $0x0  }
0xf1: {  	s13 =	simm.s32 $0x14300;
	s16 =	simm.s32 $0x1;
	[sflag:s25] =	ssyncadd.s32 $0xFFFFE000  }
0xf2: {  	[tilespmem:s13], [sflag:$0xA] =	stream.indirect.gather [hbm4b:s4+s21], $0x40, s31, s21, $0xb8;
	[tilespmem:$0x16300] =	vst v63  }
0xf3: {  	_ =	swait.ge [sflag:s16], $0x2000  }
0xf4: {  	[sflag:s16] =	ssyncset.done $0x0  }
0xf5: {  	s20 =	simm.s32 $0x2;
	s17 =	rddreg [dreg:$0x5];
	[sflag:s16] =	ssyncadd.s32 $0xFFFFE000  }
0xf6: {  	[hbm4b:s17+s3] =	stream.linear.scatter [tilespmem:s6], [sflag:$0xB], $0x2000, $0x38;
	[tilespmem:$0x16300] =	vst v63  }
0xf7: {  	_ =	swait.ge [sflag:s20], $0x2000  }
0xf8: {  	[sflag:s20] =	ssyncset.done $0x0  }
0xf9: {  	s26 =	simm.s32 $0x3;
	s24 =	rddreg [dreg:$0x6];
	[sflag:s20] =	ssyncadd.s32 $0xFFFFE000  }
0xfa: {  	[hbm4b:s24+s3] =	stream.linear.scatter [tilespmem:s7], [sflag:$0xC], $0x2000, $0x38;
	[tilespmem:$0x16300] =	vst v63  }
0xfb: {  	_ =	swait.ge [sflag:s26], $0x2000  }
0xfc: {  	[sflag:s26] =	ssyncset.done $0x0  }
0xfd: {  	s29 =	simm.s32 $0x4;
	s28 =	rddreg [dreg:$0x7];
	[sflag:s26] =	ssyncadd.s32 $0xFFFFE000  }
0xfe: {  	[hbm4b:s28+s3] =	stream.linear.scatter [tilespmem:s8], [sflag:$0xD], $0x2000, $0x38;
	[tilespmem:$0x16300] =	vst v63  }
0xff: {  	_ =	swait.ge [sflag:s29], $0x2000  }
0x100: {  	[sflag:s29] =	ssyncset.done $0x0  }
0x101: {  	s31 =	simm.s32 $0x5;
	s30 =	rddreg [dreg:$0x8];
	[sflag:s29] =	ssyncadd.s32 $0xFFFFE000  }
0x102: {  	[hbm4b:s30+s3] =	stream.linear.scatter [tilespmem:s9], [sflag:$0xE], $0x2000, $0x38;
	[tilespmem:$0x16300] =	vst v63  }
0x103: {  	_ =	swait.ge [sflag:s31], $0x2000  }
0x104: {  	[sflag:s31] =	ssyncset.done $0x0  }
0x105: {  	s7 =	simm.s32 $0x6;
	s6 =	rddreg [dreg:$0x9];
	[sflag:s31] =	ssyncadd.s32 $0xFFFFE000  }
0x106: {  	[hbm4b:s6+s3] =	stream.linear.scatter [tilespmem:s10], [sflag:$0xF], $0x2000, $0x38;
	[tilespmem:$0x16300] =	vst v63  }
0x107: {  	_ =	swait.ge [sflag:s7], $0x2000  }
0x108: {  	[sflag:s7] =	ssyncset.done $0x0  }
0x109: {  	s9 =	simm.s32 $0x7;
	s8 =	rddreg [dreg:$0xa];
	[sflag:s7] =	ssyncadd.s32 $0xFFFFE000  }
0x10a: {  	[hbm4b:s8+s3] =	stream.linear.scatter [tilespmem:s11], [sflag:$0x10], $0x2000, $0x38;
	[tilespmem:$0x16300] =	vst v63  }
0x10b: {  	_ =	swait.ge [sflag:s9], $0x2000  }
0x10c: {  	[sflag:s9] =	ssyncset.done $0x0  }
0x10d: {  	s11 =	simm.s32 $0x8;
	s10 =	rddreg [dreg:$0xb];
	[sflag:s9] =	ssyncadd.s32 $0xFFFFE000  }
0x10e: {  	[hbm4b:s10+s3] =	stream.linear.scatter [tilespmem:s12], [sflag:$0x11], $0x2000, $0x38;
	[tilespmem:$0x16300] =	vst v63  }
0x10f: {  	_ =	swait.ge [sflag:s11], $0x2000  }
0x110: {  	[sflag:s11] =	ssyncset.done $0x0  }
0x111: {  	s14 =	simm.s32 $0x9;
	s12 =	rddreg [dreg:$0xc];
	[sflag:s11] =	ssyncadd.s32 $0xFFFFE000  }
0x112: {  	[hbm4b:s12+s3] =	stream.linear.scatter [tilespmem:s1], [sflag:$0x12], $0x2000, $0x38;
	[tilespmem:$0x16300] =	vst v63  }
0x113: {  	_ =	swait.ge [sflag:s14], $0x2000  }
0x114: {  	[sflag:s14] =	ssyncset.done $0x0  }
0x115: {  	s16 =	simm.s32 $0xA;
	s15 =	rddreg [dreg:$0xd];
	[sflag:s14] =	ssyncadd.s32 $0xFFFFE000  }
0x116: {  	[hbm4b:s15+s3] =	stream.linear.scatter [tilespmem:s5], [sflag:$0x13], $0x2000, $0x38;
	[tilespmem:$0x16300] =	vst v63  }
0x117: {  	_ =	swait.ge [sflag:s16], $0x2000  }
0x118: {  	[sflag:s16] =	ssyncset.done $0x0  }
0x119: {  	s20 =	simm.s32 $0xB;
	s17 =	rddreg [dreg:$0xe];
	[sflag:s16] =	ssyncadd.s32 $0xFFFFE000  }
0x11a: {  	[hbm4b:s17+s3] =	stream.linear.scatter [tilespmem:s13], [sflag:$0x14], $0x2000, $0x38;
	[tilespmem:$0x16300] =	vst v63  }
0x11b: {  	_ =	swait.ge [sflag:s20], $0x2000  }
0x11c: {  	[sflag:s20] =	ssyncset.done $0x0  }
0x11d: {  	s24 =	simm.s32 $0xC;
	[sflag:s20] =	ssyncadd.s32 $0xFFFFE000  }
0x11e: {  	_ =	swait.ge [sflag:s24], $0x2000  }
0x11f: {  	[sflag:s24] =	ssyncset.done $0x0  }
0x120: {  	s26 =	simm.s32 $0xD;
	[sflag:s24] =	ssyncadd.s32 $0xFFFFE000  }
0x121: {  	_ =	swait.ge [sflag:s26], $0x2000  }
0x122: {  	[sflag:s26] =	ssyncset.done $0x0  }
0x123: {  	s28 =	simm.s32 $0xE;
	[sflag:s26] =	ssyncadd.s32 $0xFFFFE000  }
0x124: {  	_ =	swait.ge [sflag:s28], $0x2000  }
0x125: {  	[sflag:s28] =	ssyncset.done $0x0  }
0x126: {  	s29 =	simm.s32 $0xF;
	[sflag:s28] =	ssyncadd.s32 $0xFFFFE000  }
0x127: {  	_ =	swait.ge [sflag:s29], $0x2000  }
0x128: {  	[sflag:s29] =	ssyncset.done $0x0  }
0x129: {  	[sflag:s29] =	ssyncadd.s32 $0xFFFFE000  }
0x12a: {  	_ =	swait.ge [sflag:s18], $0x2000  }
0x12b: {  	[sflag:s18] =	ssyncset.done $0x0  }
0x12c: {  	[sflag:s18] =	ssyncadd.s32 $0xFFFFE000  }
0x12d: {  	_ =	swait.ge [sflag:s19], $0x2000  }
0x12e: {  	[sflag:s19] =	ssyncset.done $0x0  }
0x12f: {  	[sflag:s19] =	ssyncadd.s32 $0xFFFFE000  }
0x130: {  	_ =	swait.ge [sflag:s22], $0x2000  }
0x131: {  	[sflag:s22] =	ssyncset.done $0x0  }
0x132: {  	[sflag:s22] =	ssyncadd.s32 $0xFFFFE000  }
0x133: {  	_ =	swait.ge [sflag:s23], $0x2000  }
0x134: {  	[sflag:s23] =	ssyncset.done $0x0  }
0x135: {  	[sflag:s23] =	ssyncadd.s32 $0xFFFFE000  }
0x136: {  	_ =	swait.ge [sflag:s25], $0x2000  }
0x137: {  	s30 =	rddreg [dreg:$0x13]  }
0x138: {  	s31 =	rddreg [dreg:$0xf];
	s1 =	sadd.s32 $0x1, s30  }
0x139: {  	p0 =	sne.s32 s1, s31  }
.Ltmp1:
0x13a: {  	_ = 	snop;
	(pc) =	sbr.rel @p0 .LBB2_1-.Ltmp1, $3  }
0x13b: {  	_ =	sdelay $0x1  }
0x13c: {  	[sflag:s25] =	ssyncset.done $0x0  }
0x13d: {  	[sflag:s25] =	ssyncadd.s32 $0xFFFFE000  }
0x13e: {  	_ =	sfence.sel $0x180000  }
0x13f: {  	[bflag:$0x0] =	sbarrier.arrive $0xFFFF  }
0x140: {  	_ =	strace $0x90000047  }
0x141: {  	s0 =	stileid.u32;
	[bflag:$0x2] =	sbarrier.arrive $0xFFFF  }
0x142: {  	p0 =	sne.s32 s0, $0x0;
	s0 =	rddreg [dreg:$0x3]  }
0x143: {  	s0 =	sadd.s32 @!p0 $0x100000, s0  }
0x144: {  	[sflag:s0] =	ssyncadd.tile.s32 @!p0 $0x1;
	_ =	shalt  }
.Lfunc_end2:
_tile_overlayer_lowered:
.L_overlay_start_2:
0x145: {  	(tag) =	ssettag $0x2  }
0x146: {  	s0 =	rddreg [dreg:$0x0];
	s2 =	stileid.u32  }
0x147: {  	s1 =	rddreg [dreg:$0x1];
	p0 =	sne.s32 s2, $0x0  }
0x148: {  	s3 =	rddreg [dreg:$0x2];
	[bflag:$0x3] =	sbarrier.arrive $0xFFFF;
	s2 =	simm.s32 @!p0 $0x1C15  }
0x149: {  	[timem:s3], [sflag:s2] =	dma.local @!p0 [hbm:s0], s1  }
0x14a: {  	s0 =	simm.s32 @!p0 $0x15  }
0x14b: {  	_ =	swait.ge @!p0 [sflag:s0], s1  }
0x14c: {  	s1 =	ssub.s32 @!p0 $0x0, s1;
	[sflag:s0] =	ssyncset.done @!p0 $0x0  }
0x14d: {  	[sflag:s0] =	ssyncadd.s32 @!p0 s1  }
0x14e: {  	[bflag:$0x3] =	sbarrier.arrive $0xFFFF  }
0x14f: {  	_ =	shalt  }

// kernel: sparse-core-data-format-call.cloned.1.call-start
scs
called_computation_lowered:
.L_overlay_start_0:
0x0: {  	s2 =	sld [smem:$0x3FD9]  }
0x1: {  	s3 =	sld [smem:$0x3FFE];
	_ =	sdelay $0x1  }
0x2: {  	s1 =	srdreg.scid  }
0x3: {  	s0 =	sand.u32 $0x1, s1  }
0x4: {  	s15 =	sshll.u32 s0, $0xA;
	s2 =	sadd.s32 s3, s2  }
0x5: {  	s2 =	sadd.s32 s2, s15  }
0x6: {  	[smem:$0x3FC5] =	sst s2  }
0x7: {  	_ = 	snop  }
0x8: {  	s2 =	sld [smem:$0x3FD0];
	_ =	sdelay $0x2  }
0x9: {  	s16 =	simm.s32 $0xA;
	s4 =	simm.s32 $0x10  }
0xa: {  	[smem:s4], [sflag:s16] =	dma.local [hbm:s2], $0x1  }
0xb: {  	_ =	swait.eq [sflag:s16], $0x1  }
0xc: {  	[sflag:s16] =	ssyncset.done $0x0  }
0xd: {  	[sflag:s16] =	ssyncadd.s32 $0xFFFFFFFF  }
0xe: {  	s17 =	sld [smem:$0x11];
	(tm) =	ssettm $0x1  }
0xf: {  	s18 =	sld [smem:$0x3FFB];
	_ =	sdelay $0x3  }
0x10: {  	_ =	strace s18  }
0x11: {  	s3 =	sld [smem:$0x3FFC];
	_ =	sdelay $0x3  }
0x12: {  	_ =	strace s3  }
0x13: {  	s3 =	sld [smem:$0x3FFD];
	_ =	sdelay $0x3  }
0x14: {  	_ =	strace s3  }
0x15: {  	_ =	strace $0x8FFFFFFF  }
0x16: {  	s19 =	sld [smem:$0x3FDB];
	_ =	sdelay $0x1  }
0x17: {  	s20 =	simm.s32 $_scs_section_size  }
0x18: {  	s5 =	simm.s32 $_size__tile_overlayer_lowered;
	s6 =	simm.s32 $_tile_overlayer_lowered  }
0x19: {  	s23 =	simm.s32 $0x1BFF;
	s22 =	sshll.u32 s6, $0x1;
	s3 =	sadd.s32 s20, s19  }
0x1a: {  	s7 =	simm.s32 $0x0;
	s21 =	sshll.u32 s5, $0x1;
	s5 =	sadd.s32 s22, s3  }
0x1b: {  	[timem:s7], [sflag:s23] =	dma.local [hbm:s5], s21  }
0x1c: {  	_ =	swait.ge [sflag:s23], s21  }
0x1d: {  	s4 =	ssub.s32 $0x0, s21;
	[sflag:s23] =	ssyncset.done $0x0  }
0x1e: {  	[sflag:s23] =	ssyncadd.s32 s4;
	_ =	sdelay $0x1  }
0x1f: {  	s24 =	simm.s32 $0x1B8B  }
0x20: {  	_ =	swait.ge [sflag:s24], $0x1  }
0x21: {  	[sflag:s24] =	ssyncset.done $0x0  }
0x22: {  	s26 =	simm.s32 $0x1B8E;
	s25 =	sld [smem:$0x3FFE];
	[sflag:s24] =	ssyncadd.s32 $0xFFFFFFFF  }
0x23: {  	s27 =	simm.s32 $execute0_lowered;
	[smem:$0x3FD2] =	sst s26  }
0x24: {  	s5 =	sshll.u32 s27, $0x1;
	_ =	strace $0x80000049;
	[dreg:$0x1] =	wrdreg $0xFFFFFFFF  }
0x25: {  	s28 =	simm.s32 $_size_execute0_lowered;
	s3 =	sadd.s32 s3, s5;
	[dreg:$0x0] =	wrdreg $0x0  }
0x26: {  	s5 =	sshll.u32 s28, $0x1;
	[dreg:$0x2] =	wrdreg s3  }
0x27: {  	[dreg:$0x3] =	wrdreg s5  }
0x28: {  	[dreg:$0x4] =	wrdreg $0xC0  }
0x29: {  	_ =	task [dreg:s7], $0x5FFFF  }
0x2a: {  	[dreg:$0x1] =	wrdreg $0xFFFFFFFF  }
0x2b: {  	[dreg:$0x0] =	wrdreg $0x60  }
0x2c: {  	[dreg:$0x2] =	wrdreg s25  }
0x2d: {  	[dreg:$0x3] =	wrdreg s17  }
0x2e: {  	[dreg:$0x4] =	wrdreg $0x9  }
0x2f: {  	_ =	task.clear_ibuf [dreg:s7], $0x5FFFF;
	_ =	strace $0x90000049  }
0x30: {  	s29 =	simm.s32 $0x9;
	_ =	strace $0x8000004B  }
0x31: {  	_ =	swait.ge [sflag:s29], $0x1  }
0x32: {  	[sflag:s29] =	ssyncadd.s32 $0xFFFFFFFF  }
0x33: {  	_ =	strace $0x9000004B  }
0x34: {  	_ =	sfence  }
0x35: {  	s30 =	sld [smem:$0x0];
	_ =	sdelay $0x2  }
0x36: {  	s31 =	sshll.u32 s1, $0xD;
	s1 =	sshrl.u32 s1, $0x2  }
0x37: {  	s3 =	sand.u32 $0x4000, s31;
	s1 =	sadd.s32 s1, s30  }
0x38: {  	s0 =	sor.u32 s3, s0;
	s1 =	sshll.u32 s1, $0x11  }
0x39: {  	s0 =	sor.u32 s1, s0  }
0x3a: {  	s0 =	sadd.s32 $0x8F2B, s0  }
0x3b: {  	[sflag:s0] =	ssyncadd.remote.s32 $0x1  }
0x3c: {  	_ =	sfence.sel $0xFFFF  }
0x3d: {  	[dreg:$0x0] =	wrdreg $0xFFFFFFFF;
	(pc) =	sbr.abs _section_cstart, $3  }
0x3e: {  	[dreg:$0x1] =	wrdreg $0xFFFFFFFF  }
0x3f: {  	_ =	task.clear_ibuf [dreg:s7], $0x2FFFF;
	_ =	strace $0x9FFFFFFF  }
0x40: {  	(tm) =	ssettm $0x7FFFFFFF  }
0x41: {  	_ =	shalt  }
tec
execute0_lowered:
.L_overlay_start_1:
0x0: {  	(tag) =	ssettag $0x1  }
0x1: {  	s0 =	srdreg.scid  }
0x2: {  	s1 =	sshll.u32 s0, $0x4  }
0x3: {  	s0 =	stileid.u32;
	s1 =	sand.u32 $0x10, s1  }
0x4: {  	s1 =	sor.u32 s0, s1  }
0x5: {  	s6 =	rddreg [dreg:$0x0];
	s4 =	simm.s32 $0x1;
	s2 =	sshll.u32 s1, $0x7  }
0x6: {  	s7 =	simm.s32 $0x2;
	s12 =	simm.s32 $0x0;
	s1 =	ssub.s32 $0x1000, s2  }
0x7: {  	s8 =	simm.s32 $0x8000;
	s13 =	simm.s32 $0x0;
	s3 =	sand.u32 $0xF80, s1  }
0x8: {  	s9 =	simm.s32 $0x0;
	s5 =	sshrl.u32 s1, $0xC;
	p0 =	sne.s32 s3, $0x0  }
.Ltmp0:
0x9: {  	s1 =	rddreg [dreg:$0x2];
	s4 =	simm.s32 @!p0 $0x0;
	(pc) =	sbr.rel .LBB1_1-.Ltmp0, $4  }
0xa: {  	s11 =	simm.s32 $0x0;
	s3 =	rddreg [dreg:$0x1];
	s5 =	sadd.s32 s4, s5  }
0xb: {  	_ =	strace $0x8000004A;
	s4 =	simm.s32 $0x1;
	s5 =	smul.u32 $0x32, s5  }
0xc: {  	s6 =	sadd.s32 $0x1200, s6;
	s10 =	smov.u32 s2;
	[sflag:s4] =	ssyncpa.u1 $0x0  }
0xd: {  	p0 =	por $0x0, $0x0;
	[sflag:s7] =	ssyncpa.u1 $0x0;
	s7 =	sor.u32 $0x1, s5  }
.LBB1_4:
0xe: {  	s16 =	sshll.u32 s13, $0x3;
	s17 =	sand.u32 $0x78, s13  }
0xf: {  	s30 =	sand.u32 $0x7E00, s13;
	s12 =	sshll.u32 s12, $0xF;
	s16 =	sand.u32 $0xC00, s16  }
0x10: {  	[tilespmem:s15+$0x810 ss:$0x81] =	vst.msk $0xffff, v2;
	s31 =	sand.u32 $0x7, s13;
	s16 =	sor.u32 s17, s16;
	s17 =	sadd.s32 s3, s30  }
0x11: {  	[tilespmem:s15+$0x1020 ss:$0x81] =	vst.msk $0xffff, v0;
	s13 =	sshll.u32 s31, $0x12;
	s12 =	sadd.s32 s12, s17;
	s16 =	sshrl.u32 s16, $0x3  }
0x12: {  	[tilespmem:s15+$0x0 ss:$0x81] =	vst.msk $0xffff, v1;
	s13 =	sor.u32 $0x400, s13;
	s12 =	sadd.s32 s16, s12  }
0x13: {  	[hbm4b:s12+s13] =	stream.strided.scatter [tilespmem:s14], [sflag:$0x2], $0x2000, s8, s13, $0x20;
	[tilespmem:$0x8080] =	vst v63  }
.LBB1_5:
0x14: {  	s14 =	sadd.s32 $0x1, s9  }
0x15: {  	s12 =	sadd.s32 $0x1000, s10;
	s16 =	smov.u32 s10;
	p2 =	sgt.s32 s14, $0x31  }
0x16: {  	s16 =	smov.u32 @p2 s12  }
0x17: {  	s14 =	simm.s32 @p2 $0x0;
	p2 =	sgt.s32 s16, $0xFFF  }
0x18: {  	s16 =	smov.u32 @p2 s2;
	p2 =	sne.s32 s11, s7  }
.Ltmp1:
0x19: {  	p1 =	slt.u32 s11, $0x2;
	(pc) =	sbr.rel @!p2 .LBB1_6-.Ltmp1, $4  }
0x1a: {  	s15 =	simm.s32 @!p1 $0x2  }
0x1b: {  	s13 =	smov.u32 s10;
	p0 =	por !p0, !p0;
	_ =	swait.ge @!p1 [sflag:s15], $0x2000  }
0x1c: {  	s12 =	smov.u32 s9;
	[sflag:s15] =	ssyncset.done @!p1 $0x0;
	s9 =	smov.u32 s14  }
0x1d: {  	s11 =	sadd.s32 $0x1, s11;
	[sflag:s15] =	ssyncadd.s32 @!p1 $0xFFFFE000;
	s10 =	smov.u32 s16  }
.LBB1_1:
0x1e: {  	p1 =	sge.u32 s11, s5  }
0x1f: {  	s14 =	sand.u32 @!p1 $0x1FFFFFF, s9  }
0x20: {  	s15 =	smulhi.u32 @!p1 $0x4924925, s14;
	_ =	sdelay $0x1  }
0x21: {  	s15 =	smul.u32 @!p1 $0x38, s15  }
0x22: {  	s16 =	sxor.u32 @!p1 $0xFFFFFFFF, s11;
	s17 =	smul.u32 @!p1 $0x380, s10  }
0x23: {  	s31 =	sadd.s32 $0xFFFFFFFF, s11;
	s16 =	sshll.u32 @!p1 s16, $0xD;
	s14 =	ssub.s32 @!p1 s14, s15  }
0x24: {  	s15 =	sand.u32 @!p1 $0x2000, s16;
	s16 =	sadd.s32 @!p1 s6, s17;
	s14 =	sshll.u32 @!p1 s14, $0x4  }
0x25: {  	s17 =	simm.s32 @!p1 $0x1C00;
	s14 =	sadd.s32 @!p1 s14, s16;
	s16 =	simm.s32 @!p1 $0x40  }
0x26: {  	[tilespmem:s15], [sflag:$0x1] =	stream.strided.gather @!p1 [hbm4b:s14+s16], $0x2000, s17, s16, $0x38;
	[tilespmem:$0x8080] =	vst v63  }
0x27: {  	p1 =	sge.u32 s31, s5  }
.Ltmp2:
0x28: {  	_ = 	snop;
	(pc) =	sbr.rel @p1 .LBB1_5-.Ltmp2, $1  }
0x29: {  	_ =	sdelay $0x3  }
0x2a: {  	s14 =	simm.s32 $0x1  }
0x2b: {  	_ =	swait.ge [sflag:s4], $0x2000;
	s14 =	simm.s32 @!p0 $0x0  }
0x2c: {  	[sflag:s4] =	ssyncset.done $0x0;
	s15 =	sshll.u32 s14, $0xD  }
0x2d: {  	[sflag:s4] =	ssyncadd.s32 $0xFFFFE000;
	s18 =	sor.u32 $0x20, s15  }
0x2e: {  	s14 =	smul.u32 $0x8100, s14;
	v3 =	vld [tilespmem:s18+$0x10]  }
0x2f: {  	s30 =	sand.u32 $0x1, s11;
	v2 =	vld [tilespmem:s18+$0xFFFFFFF0]  }
0x30: {  	s15 =	smul.u32 $0x8100, s30;
	s14 =	sshrl.u32 s14, $0x2;
	v0 =	vld [tilespmem:s18+$0x0]  }
0x31: {  	v1 =	vld [tilespmem:s18+$0xFFFFFFE0];
	s16 =	sor.u32 $0x4000, s14  }
0x32: {  	s31 =	sshrl.u32 s15, $0x2;
	s15 =	sadd.s32 $0x0, s16  }
0x33: {  	s17 =	simm.s32 $0x4;
	s18 =	sadd.s32 $0x40, s18;
	s14 =	sor.u32 $0x4000, s31;
	[tilespmem:s15+$0x1830 ss:$0x81] =	vst.msk $0xffff, v3  }
.LBB1_3:
0x34: {  	v3 =	vld [tilespmem:s18+$0x10];
	p1 =	sne.s32 s17, $0x1FC;
	[tilespmem:s15+$0x810 ss:$0x81] =	vst.msk $0xffff, v2;
	s19 =	smov.u32 s17;
	s17 =	sadd.s32 $0x4, s17  }
.Ltmp3:
0x35: {  	v2 =	vld [tilespmem:s18+$0xFFFFFFF0];
	[tilespmem:s15+$0x1020 ss:$0x81] =	vst.msk $0xffff, v0;
	(pc) =	sbr.rel @p1 .LBB1_3-.Ltmp3, $4  }
0x36: {  	v0 =	vld [tilespmem:s18+$0x0];
	[tilespmem:s15+$0x0 ss:$0x81] =	vst.msk $0xffff, v1  }
0x37: {  	s15 =	sshra.s32 s19, $0x2;
	v1 =	vld [tilespmem:s18+$0xFFFFFFE0]  }
0x38: {  	s15 =	sadd.s32 s15, s16  }
0x39: {  	s18 =	sadd.s32 $0x40, s18;
	[tilespmem:s15+$0x1830 ss:$0x81] =	vst.msk $0xffff, v3  }
.Ltmp4:
0x3a: {  	_ = 	snop;
	(pc) =	sbr.rel .LBB1_4-.Ltmp4, $1  }
0x3b: {  	_ =	sdelay $0x3  }
.LBB1_6:
0x3c: {  	_ =	sfence.sel $0x180000  }
0x3d: {  	s2 =	simm.s32 $0x1;
	[bflag:$0x0] =	sbarrier.arrive $0xFFFF  }
0x3e: {  	s31 =	simm.s32 $0x2;
	[sflag:s2] =	ssyncpa.u1 $0x1  }
0x3f: {  	[sflag:s31] =	ssyncpa.u1 $0x1  }
0x40: {  	p0 =	sne.s32 s0, $0x0;
	_ =	strace $0x9000004A  }
0x41: {  	s0 =	sadd.s32 @!p0 $0x100000, s1;
	[bflag:$0x2] =	sbarrier.arrive $0xFFFF  }
0x42: {  	[sflag:s0] =	ssyncadd.tile.s32 @!p0 $0x1;
	_ =	shalt  }
.Lfunc_end1:
_tile_overlayer_lowered:
.L_overlay_start_2:
0x43: {  	(tag) =	ssettag $0x2  }
0x44: {  	s0 =	rddreg [dreg:$0x0];
	s2 =	stileid.u32  }
0x45: {  	s1 =	rddreg [dreg:$0x1];
	p0 =	sne.s32 s2, $0x0  }
0x46: {  	s3 =	rddreg [dreg:$0x2];
	[bflag:$0x3] =	sbarrier.arrive $0xFFFF;
	s2 =	simm.s32 @!p0 $0x1C01  }
0x47: {  	[timem:s3], [sflag:s2] =	dma.local @!p0 [hbm:s0], s1  }
0x48: {  	s0 =	simm.s32 @!p0 $0x1  }
0x49: {  	_ =	swait.ge @!p0 [sflag:s0], s1  }
0x4a: {  	s1 =	ssub.s32 @!p0 $0x0, s1;
	[sflag:s0] =	ssyncset.done @!p0 $0x0  }
0x4b: {  	[sflag:s0] =	ssyncadd.s32 @!p0 s1  }
0x4c: {  	[bflag:$0x3] =	sbarrier.arrive $0xFFFF  }
0x4d: {  	_ =	shalt  }

</sc_bundles>
